<compile_context>
chip_gen: v7x
topology: tpu7x:2x2x1
jax: 0.10.2.dev20260603
libtpu: 0.0.44.dev20260713+nightly
codegen_flags: <defaults>
</compile_context>

<pallas_src>
import jax
import jax.numpy as jnp
from jax import lax
from jax.experimental import pallas as pl
from jax.experimental.pallas import tpu as pltpu
from jax.experimental.pallas import tpu_sc as plsc

N_VOCAB = 49408
N_EMBD = 768
N_TOKENS = 77
BATCH = 1024

NC = 2
NS = 16
NW = NC * NS

ROWS_PER_W = BATCH // NW
T_PAD = 80
PARTS = ((0, 24), (24, 24), (48, 32))
LANES = 16
D_SLICES = N_EMBD // LANES


def _emb_kernel(table_hbm, idx_hbm, pos_hbm, out_hbm,
                idx_v, pos_v, buf0, buf1, buf2,
                gsem0, gsem1, gsem2, wsem0, wsem1, wsem2):
    wid = lax.axis_index("s") * NC + lax.axis_index("c")
    row0 = wid * ROWS_PER_W
    bufs = (buf0, buf1, buf2)
    gsems = (gsem0, gsem1, gsem2)
    wsems = (wsem0, wsem1, wsem2)

    pltpu.sync_copy(idx_hbm.at[pl.ds(wid * ROWS_PER_W * T_PAD,
                                     ROWS_PER_W * T_PAD)], idx_v)
    pltpu.sync_copy(pos_hbm, pos_v)

    def gather_args(k, part):
        off, ln = PARTS[part]
        src = table_hbm.at[idx_v.at[pl.ds(k * T_PAD + off, ln)]]
        return src, bufs[part], gsems[part]

    def write_args(k, part):
        off, ln = PARTS[part]
        dst = out_hbm.at[pl.ds((row0 + k) * T_PAD + off, ln)]
        return bufs[part], dst, wsems[part]

    def start_gather(k, part):
        src, dst, sem = gather_args(k, part)
        pltpu.async_copy(src, dst, sem)

    def wait_gather(k, part):
        src, dst, sem = gather_args(k, part)
        pltpu.make_async_copy(src, dst, sem).wait()

    def start_write(k, part):
        src, dst, sem = write_args(k, part)
        pltpu.async_copy(src, dst, sem)

    def wait_write(k, part):
        src, dst, sem = write_args(k, part)
        pltpu.make_async_copy(src, dst, sem).wait()

    def add_pos(part):
        off, ln = PARTS[part]
        buf = bufs[part]

        def row_body(i, _):
            for j0 in range(0, D_SLICES, 16):
                vals = [pos_v[off + i, pl.ds((j0 + j) * LANES, LANES)]
                        for j in range(16)]
                for j in range(16):
                    plsc.addupdate(
                        buf.at[i, pl.ds((j0 + j) * LANES, LANES)], vals[j])
            return 0

        lax.fori_loop(0, ln, row_body, 0, unroll=False)

    start_gather(0, 0)

    def row_loop(k, _):
        for part in range(3):
            if part == 2:
                wait_write(k, 0)
            else:

                @pl.when(k >= 1)
                def _():
                    wait_write(k - 1, part + 1)

            if part == 2:

                @pl.when(k + 1 < ROWS_PER_W)
                def _():
                    start_gather(k + 1, 0)
            else:
                start_gather(k, part + 1)

            wait_gather(k, part)
            add_pos(part)
            start_write(k, part)
        return 0

    lax.fori_loop(0, ROWS_PER_W, row_loop, 0, unroll=False)

    wait_write(ROWS_PER_W - 1, 1)
    wait_write(ROWS_PER_W - 1, 2)


@jax.jit
def _emb(x_pad_flat, table, pos):
    mesh = plsc.VectorSubcoreMesh(
        core_axis_name="c", subcore_axis_name="s",
        num_cores=NC, num_subcores=NS,
    )
    f = pl.kernel(
        _emb_kernel,
        out_type=jax.ShapeDtypeStruct((BATCH * T_PAD, N_EMBD),
                                      jnp.float32),
        mesh=mesh,
        scratch_types=[
            pltpu.VMEM((ROWS_PER_W * T_PAD,), jnp.int32),
            pltpu.VMEM((T_PAD, N_EMBD), jnp.float32),
            pltpu.VMEM((PARTS[0][1], N_EMBD), jnp.float32),
            pltpu.VMEM((PARTS[1][1], N_EMBD), jnp.float32),
            pltpu.VMEM((PARTS[2][1], N_EMBD), jnp.float32),
            pltpu.SemaphoreType.DMA,
            pltpu.SemaphoreType.DMA,
            pltpu.SemaphoreType.DMA,
            pltpu.SemaphoreType.DMA,
            pltpu.SemaphoreType.DMA,
            pltpu.SemaphoreType.DMA,
        ],
    )
    return f(table, x_pad_flat, pos)


def kernel(x, token_embedding, position_embedding):
    x_pad = jnp.pad(x.astype(jnp.int32), ((0, 0), (0, T_PAD - N_TOKENS)))
    pos_pad = jnp.pad(position_embedding, ((0, T_PAD - N_TOKENS), (0, 0)))
    out = _emb(x_pad.reshape(-1), token_embedding, pos_pad)
    return out.reshape(BATCH, T_PAD, N_EMBD)[:, :N_TOKENS, :]

# --- scband reference (transcript-rebuilt; emitter-appended) ---
"""Pipeline reference for scband-clipembedding-31473520345144 (READ-ONLY COPY).

The authoritative reference and input builder live on the scoring server;
editing this copy changes nothing except your own understanding.
"""

import jax, jax.numpy as jnp
import numpy as np

N_VOCAB = 49408
N_EMBD = 768
N_TOKENS = 77
BATCH = 1024


def setup_inputs(seed: int = 0) -> dict:
    key = jax.random.key(seed)
    k_x, k_tab, k_pos = jax.random.split(key, 3)
    x = jax.random.randint(k_x, (BATCH, N_TOKENS), 0, N_VOCAB, dtype=jnp.int64 if jax.config.jax_enable_x64 else jnp.int32)
    token_embedding = jax.random.normal(k_tab, (N_VOCAB, N_EMBD), dtype=jnp.float32) * 0.02
    position_embedding = jax.random.normal(k_pos, (N_TOKENS, N_EMBD), dtype=jnp.float32) * 0.01
    return {"x": x, "token_embedding": token_embedding, "position_embedding": position_embedding}


def reference(x, token_embedding, position_embedding):
    # token embedding lookup: gather rows of the table
    emb = jnp.take(token_embedding, x, axis=0)  # [B, T, D]
    # add learned positional embedding (broadcast over batch)
    out = emb + position_embedding[None, :, :]
    return out

if __name__ == "__main__":
    import jax
    _d = setup_inputs()
    print(jax.jit(kernel)(*tuple(_d.values())))

</pallas_src>

<mosaic_0001>
#map = affine_map<(d0, d1) -> (0, 0)>
#map1 = affine_map<(d0, d1) -> (0)>
module attributes {stable_mosaic.version = 14 : i64} {
  func.func @_emb_kernel(%arg0: i32, %arg1: i32, %arg2: memref<49408x768xf32, #tpu.memory_space<hbm>>, %arg3: memref<81920xi32, #tpu.memory_space<hbm>>, %arg4: memref<80x768xf32, #tpu.memory_space<hbm>>, %arg5: memref<81920x768xf32, #tpu.memory_space<hbm>>, %arg6: memref<2560xi32, #tpu.memory_space<vmem>>, %arg7: memref<80x768xf32, #tpu.memory_space<vmem>>, %arg8: memref<24x768xf32, #tpu.memory_space<vmem>>, %arg9: memref<24x768xf32, #tpu.memory_space<vmem>>, %arg10: memref<32x768xf32, #tpu.memory_space<vmem>>, %arg11: memref<!tpu.dma_semaphore, #tpu.memory_space<semaphore_mem>>, %arg12: memref<!tpu.dma_semaphore, #tpu.memory_space<semaphore_mem>>, %arg13: memref<!tpu.dma_semaphore, #tpu.memory_space<semaphore_mem>>, %arg14: memref<!tpu.dma_semaphore, #tpu.memory_space<semaphore_mem>>, %arg15: memref<!tpu.dma_semaphore, #tpu.memory_space<semaphore_mem>>, %arg16: memref<!tpu.dma_semaphore, #tpu.memory_space<semaphore_mem>>) attributes {dimension_semantics = [#tpu.dimension_semantics<core_parallel>, #tpu.dimension_semantics<subcore_parallel>], iteration_bounds = array<i64: 2, 16>, scalar_prefetch = 0 : i64, scratch_operands = 11 : i64, tpu.core_type = #tpu.core_type<sc_vector_subcore>, window_params = [{transform_indices = #map}, {transform_indices = #map1}, {transform_indices = #map}, {transform_indices = #map}]} {
    %mul3A = arith.constant 2 : i32
    %mul3A_0 = arith.muli %arg1, %mul3A : i32
    %add3A = arith.addi %mul3A_0, %arg0 : i32
    %mul3A_1 = arith.constant 32 : i32
    %mul3A_2 = arith.muli %add3A, %mul3A_1 : i32
    %mul3A_3 = arith.constant 32 : i32
    %mul3A_4 = arith.muli %add3A, %mul3A_3 : i32
    %mul3A_5 = arith.constant 80 : i32
    %mul3A_6 = arith.muli %mul3A_4, %mul3A_5 : i32
    "tpu.region"() ({
      %run_scoped3A = tpu.sem_alloc : memref<!tpu.dma_semaphore, #tpu.memory_space<semaphore_mem>>
      %dma_start3A_36 = tpu.memref_slice %arg3[%mul3A_6] : memref<81920xi32, #tpu.memory_space<hbm>> -> memref<2560xi32, #tpu.memory_space<hbm>>
      %dma_start3A_37 = tpu.memref_slice %arg3[%mul3A_6] : memref<81920xi32, #tpu.memory_space<hbm>> -> memref<2560xi32, #tpu.memory_space<hbm>>
      tpu.enqueue_dma source(%dma_start3A_37 : memref<2560xi32, #tpu.memory_space<hbm>>) target(%arg6 : memref<2560xi32, #tpu.memory_space<vmem>>) target_semaphore(%run_scoped3A : memref<!tpu.dma_semaphore, #tpu.memory_space<semaphore_mem>>)
      %dma_wait3A_38 = tpu.memref_slice %arg3[%mul3A_6] : memref<81920xi32, #tpu.memory_space<hbm>> -> memref<2560xi32, #tpu.memory_space<hbm>>
      %dma_wait3A_39 = tpu.memref_slice %arg3[%mul3A_6] : memref<81920xi32, #tpu.memory_space<hbm>> -> memref<2560xi32, #tpu.memory_space<hbm>>
      tpu.wait_dma2 semaphore(%run_scoped3A : memref<!tpu.dma_semaphore, #tpu.memory_space<semaphore_mem>>) src(%dma_wait3A_39 : memref<2560xi32, #tpu.memory_space<hbm>>) dst(%arg6 : memref<2560xi32, #tpu.memory_space<vmem>>)
      tpu.yield
    }) : () -> ()
    "tpu.region"() ({
      %run_scoped3A = tpu.sem_alloc : memref<!tpu.dma_semaphore, #tpu.memory_space<semaphore_mem>>
      tpu.enqueue_dma source(%arg4 : memref<80x768xf32, #tpu.memory_space<hbm>>) target(%arg7 : memref<80x768xf32, #tpu.memory_space<vmem>>) target_semaphore(%run_scoped3A : memref<!tpu.dma_semaphore, #tpu.memory_space<semaphore_mem>>)
      tpu.wait_dma2 semaphore(%run_scoped3A : memref<!tpu.dma_semaphore, #tpu.memory_space<semaphore_mem>>) src(%arg4 : memref<80x768xf32, #tpu.memory_space<hbm>>) dst(%arg7 : memref<80x768xf32, #tpu.memory_space<vmem>>)
      tpu.yield
    }) : () -> ()
    %dma_start3A = arith.constant 0 : i32
    %dma_start3A_7 = tpu.memref_slice %arg6[%dma_start3A] : memref<2560xi32, #tpu.memory_space<vmem>> -> memref<24xi32, #tpu.memory_space<vmem>>
    %dma_start3A_8 = arith.constant 0 : i32
    %dma_start3A_9 = arith.constant 0 : i32
    %dma_start3A_10 = tpu.memref_slice %arg2[%dma_start3A_8, %dma_start3A_9] : memref<49408x768xf32, #tpu.memory_space<hbm>> -> memref<49408x768xf32, #tpu.memory_space<hbm>>
    tpu.enqueue_indirect_dma source(%dma_start3A_10 : memref<49408x768xf32, #tpu.memory_space<hbm>>) target(%arg8 : memref<24x768xf32, #tpu.memory_space<vmem>>) offsets(%dma_start3A_7 : memref<24xi32, #tpu.memory_space<vmem>>) semaphore(%arg11 : memref<!tpu.dma_semaphore, #tpu.memory_space<semaphore_mem>>)
    %scan3A = arith.constant 0 : i32
    %scan3A_11 = arith.constant 0 : i32
    %scan3A_12 = arith.constant 32 : i32
    %scan3A_13 = arith.addi %scan3A_11, %scan3A_12 : i32
    %scan3A_14 = arith.constant 1 : i32
    %scan3A_15 = scf.for %scan3A_36 = %scan3A_11 to %scan3A_13 step %scan3A_14 iter_args(%scan3A_37 = %scan3A) -> (i32)  : i32 {
      %ge3A = arith.constant 1 : i32
      %ge3A_38 = arith.cmpi sge, %scan3A_36, %ge3A : i32
      %convert_element_type3A = arith.extui %ge3A_38 : i1 to i32
      %cond3A = arith.constant 0 : i32
      %cond3A_39 = arith.cmpi ne, %convert_element_type3A, %cond3A : i32
      scf.if %cond3A_39 {
        %sub3A = arith.constant 1 : i32
        %sub3A_149 = arith.subi %scan3A_36, %sub3A : i32
        %add3A_150 = arith.addi %mul3A_2, %sub3A_149 : i32
        %mul3A_151 = arith.constant 80 : i32
        %mul3A_152 = arith.muli %add3A_150, %mul3A_151 : i32
        %add3A_153 = arith.constant 24 : i32
        %add3A_154 = arith.addi %mul3A_152, %add3A_153 : i32
        %dma_wait3A_155 = arith.constant 0 : i32
        %dma_wait3A_156 = tpu.memref_slice %arg5[%add3A_154, %dma_wait3A_155] : memref<81920x768xf32, #tpu.memory_space<hbm>> -> memref<24x768xf32, #tpu.memory_space<hbm>>
        %dma_wait3A_157 = arith.constant 0 : i32
        %dma_wait3A_158 = tpu.memref_slice %arg5[%add3A_154, %dma_wait3A_157] : memref<81920x768xf32, #tpu.memory_space<hbm>> -> memref<24x768xf32, #tpu.memory_space<hbm>>
        tpu.wait_dma2 semaphore(%arg15 : memref<!tpu.dma_semaphore, #tpu.memory_space<semaphore_mem>>) src(%arg9 : memref<24x768xf32, #tpu.memory_space<vmem>>) dst(%dma_wait3A_158 : memref<24x768xf32, #tpu.memory_space<hbm>>)
      } else {
      }
      %mul3A_40 = arith.constant 80 : i32
      %mul3A_41 = arith.muli %scan3A_36, %mul3A_40 : i32
      %add3A_42 = arith.constant 24 : i32
      %add3A_43 = arith.addi %mul3A_41, %add3A_42 : i32
      %dma_start3A_44 = tpu.memref_slice %arg6[%add3A_43] : memref<2560xi32, #tpu.memory_space<vmem>> -> memref<24xi32, #tpu.memory_space<vmem>>
      %dma_start3A_45 = arith.constant 0 : i32
      %dma_start3A_46 = arith.constant 0 : i32
      %dma_start3A_47 = tpu.memref_slice %arg2[%dma_start3A_45, %dma_start3A_46] : memref<49408x768xf32, #tpu.memory_space<hbm>> -> memref<49408x768xf32, #tpu.memory_space<hbm>>
      tpu.enqueue_indirect_dma source(%dma_start3A_47 : memref<49408x768xf32, #tpu.memory_space<hbm>>) target(%arg9 : memref<24x768xf32, #tpu.memory_space<vmem>>) offsets(%dma_start3A_44 : memref<24xi32, #tpu.memory_space<vmem>>) semaphore(%arg12 : memref<!tpu.dma_semaphore, #tpu.memory_space<semaphore_mem>>)
      %mul3A_48 = arith.constant 80 : i32
      %mul3A_49 = arith.muli %scan3A_36, %mul3A_48 : i32
      %add3A_50 = arith.constant 0 : i32
      %add3A_51 = arith.addi %mul3A_49, %add3A_50 : i32
      %dma_wait3A_52 = tpu.memref_slice %arg6[%add3A_51] : memref<2560xi32, #tpu.memory_space<vmem>> -> memref<24xi32, #tpu.memory_space<vmem>>
      %dma_wait3A_53 = arith.constant 0 : i32
      %dma_wait3A_54 = arith.constant 0 : i32
      %dma_wait3A_55 = tpu.memref_slice %arg2[%dma_wait3A_53, %dma_wait3A_54] : memref<49408x768xf32, #tpu.memory_space<hbm>> -> memref<49408x768xf32, #tpu.memory_space<hbm>>
      tpu.wait_indirect_dma semaphore(%arg11 : memref<!tpu.dma_semaphore, #tpu.memory_space<semaphore_mem>>) src(%dma_wait3A_55 : memref<49408x768xf32, #tpu.memory_space<hbm>>) dst(%arg8 : memref<24x768xf32, #tpu.memory_space<vmem>>)
      %scan3A_56 = arith.constant 0 : i32
      %scan3A_57 = arith.constant 0 : i32
      %scan3A_58 = arith.constant 24 : i32
      %scan3A_59 = arith.addi %scan3A_57, %scan3A_58 : i32
      %scan3A_60 = arith.constant 1 : i32
      %scan3A_61 = scf.for %scan3A_149 = %scan3A_57 to %scan3A_59 step %scan3A_60 iter_args(%scan3A_150 = %scan3A_56) -> (i32)  : i32 {
        %add3A_151 = arith.constant 0 : i32
        %add3A_152 = arith.addi %add3A_151, %scan3A_149 : i32
        %get3A = arith.index_cast %add3A_152 : i32 to index
        %get3A_153 = arith.constant 0 : index
        %get3A_154 = tpu.vector_load %arg7[%get3A, %get3A_153] {strides = array<i32>} : memref<80x768xf32, #tpu.memory_space<vmem>>, vector<1x16xf32>,
        %get3A_155 = vector.shape_cast %get3A_154 : vector<1x16xf32> to vector<16xf32>
        %add3A_156 = arith.constant 0 : i32
        %add3A_157 = arith.addi %add3A_156, %scan3A_149 : i32
        %get3A_158 = arith.index_cast %add3A_157 : i32 to index
        %get3A_159 = arith.constant 16 : index
        %get3A_160 = tpu.vector_load %arg7[%get3A_158, %get3A_159] {strides = array<i32>} : memref<80x768xf32, #tpu.memory_space<vmem>>, vector<1x16xf32>,
        %get3A_161 = vector.shape_cast %get3A_160 : vector<1x16xf32> to vector<16xf32>
        %add3A_162 = arith.constant 0 : i32
        %add3A_163 = arith.addi %add3A_162, %scan3A_149 : i32
        %get3A_164 = arith.index_cast %add3A_163 : i32 to index
        %get3A_165 = arith.constant 32 : index
        %get3A_166 = tpu.vector_load %arg7[%get3A_164, %get3A_165] {strides = array<i32>} : memref<80x768xf32, #tpu.memory_space<vmem>>, vector<1x16xf32>,
        %get3A_167 = vector.shape_cast %get3A_166 : vector<1x16xf32> to vector<16xf32>
        %add3A_168 = arith.constant 0 : i32
        %add3A_169 = arith.addi %add3A_168, %scan3A_149 : i32
        %get3A_170 = arith.index_cast %add3A_169 : i32 to index
        %get3A_171 = arith.constant 48 : index
        %get3A_172 = tpu.vector_load %arg7[%get3A_170, %get3A_171] {strides = array<i32>} : memref<80x768xf32, #tpu.memory_space<vmem>>, vector<1x16xf32>,
        %get3A_173 = vector.shape_cast %get3A_172 : vector<1x16xf32> to vector<16xf32>
        %add3A_174 = arith.constant 0 : i32
        %add3A_175 = arith.addi %add3A_174, %scan3A_149 : i32
        %get3A_176 = arith.index_cast %add3A_175 : i32 to index
        %get3A_177 = arith.constant 64 : index
        %get3A_178 = tpu.vector_load %arg7[%get3A_176, %get3A_177] {strides = array<i32>} : memref<80x768xf32, #tpu.memory_space<vmem>>, vector<1x16xf32>,
        %get3A_179 = vector.shape_cast %get3A_178 : vector<1x16xf32> to vector<16xf32>
        %add3A_180 = arith.constant 0 : i32
        %add3A_181 = arith.addi %add3A_180, %scan3A_149 : i32
        %get3A_182 = arith.index_cast %add3A_181 : i32 to index
        %get3A_183 = arith.constant 80 : index
        %get3A_184 = tpu.vector_load %arg7[%get3A_182, %get3A_183] {strides = array<i32>} : memref<80x768xf32, #tpu.memory_space<vmem>>, vector<1x16xf32>,
        %get3A_185 = vector.shape_cast %get3A_184 : vector<1x16xf32> to vector<16xf32>
        %add3A_186 = arith.constant 0 : i32
        %add3A_187 = arith.addi %add3A_186, %scan3A_149 : i32
        %get3A_188 = arith.index_cast %add3A_187 : i32 to index
        %get3A_189 = arith.constant 96 : index
        %get3A_190 = tpu.vector_load %arg7[%get3A_188, %get3A_189] {strides = array<i32>} : memref<80x768xf32, #tpu.memory_space<vmem>>, vector<1x16xf32>,
        %get3A_191 = vector.shape_cast %get3A_190 : vector<1x16xf32> to vector<16xf32>
        %add3A_192 = arith.constant 0 : i32
        %add3A_193 = arith.addi %add3A_192, %scan3A_149 : i32
        %get3A_194 = arith.index_cast %add3A_193 : i32 to index
        %get3A_195 = arith.constant 112 : index
        %get3A_196 = tpu.vector_load %arg7[%get3A_194, %get3A_195] {strides = array<i32>} : memref<80x768xf32, #tpu.memory_space<vmem>>, vector<1x16xf32>,
        %get3A_197 = vector.shape_cast %get3A_196 : vector<1x16xf32> to vector<16xf32>
        %add3A_198 = arith.constant 0 : i32
        %add3A_199 = arith.addi %add3A_198, %scan3A_149 : i32
        %get3A_200 = arith.index_cast %add3A_199 : i32 to index
        %get3A_201 = arith.constant 128 : index
        %get3A_202 = tpu.vector_load %arg7[%get3A_200, %get3A_201] {strides = array<i32>} : memref<80x768xf32, #tpu.memory_space<vmem>>, vector<1x16xf32>,
        %get3A_203 = vector.shape_cast %get3A_202 : vector<1x16xf32> to vector<16xf32>
        %add3A_204 = arith.constant 0 : i32
        %add3A_205 = arith.addi %add3A_204, %scan3A_149 : i32
        %get3A_206 = arith.index_cast %add3A_205 : i32 to index
        %get3A_207 = arith.constant 144 : index
        %get3A_208 = tpu.vector_load %arg7[%get3A_206, %get3A_207] {strides = array<i32>} : memref<80x768xf32, #tpu.memory_space<vmem>>, vector<1x16xf32>,
        %get3A_209 = vector.shape_cast %get3A_208 : vector<1x16xf32> to vector<16xf32>
        %add3A_210 = arith.constant 0 : i32
        %add3A_211 = arith.addi %add3A_210, %scan3A_149 : i32
        %get3A_212 = arith.index_cast %add3A_211 : i32 to index
        %get3A_213 = arith.constant 160 : index
        %get3A_214 = tpu.vector_load %arg7[%get3A_212, %get3A_213] {strides = array<i32>} : memref<80x768xf32, #tpu.memory_space<vmem>>, vector<1x16xf32>,
        %get3A_215 = vector.shape_cast %get3A_214 : vector<1x16xf32> to vector<16xf32>
        %add3A_216 = arith.constant 0 : i32
        %add3A_217 = arith.addi %add3A_216, %scan3A_149 : i32
        %get3A_218 = arith.index_cast %add3A_217 : i32 to index
        %get3A_219 = arith.constant 176 : index
        %get3A_220 = tpu.vector_load %arg7[%get3A_218, %get3A_219] {strides = array<i32>} : memref<80x768xf32, #tpu.memory_space<vmem>>, vector<1x16xf32>,
        %get3A_221 = vector.shape_cast %get3A_220 : vector<1x16xf32> to vector<16xf32>
        %add3A_222 = arith.constant 0 : i32
        %add3A_223 = arith.addi %add3A_222, %scan3A_149 : i32
        %get3A_224 = arith.index_cast %add3A_223 : i32 to index
        %get3A_225 = arith.constant 192 : index
        %get3A_226 = tpu.vector_load %arg7[%get3A_224, %get3A_225] {strides = array<i32>} : memref<80x768xf32, #tpu.memory_space<vmem>>, vector<1x16xf32>,
        %get3A_227 = vector.shape_cast %get3A_226 : vector<1x16xf32> to vector<16xf32>
        %add3A_228 = arith.constant 0 : i32
        %add3A_229 = arith.addi %add3A_228, %scan3A_149 : i32
        %get3A_230 = arith.index_cast %add3A_229 : i32 to index
        %get3A_231 = arith.constant 208 : index
        %get3A_232 = tpu.vector_load %arg7[%get3A_230, %get3A_231] {strides = array<i32>} : memref<80x768xf32, #tpu.memory_space<vmem>>, vector<1x16xf32>,
        %get3A_233 = vector.shape_cast %get3A_232 : vector<1x16xf32> to vector<16xf32>
        %add3A_234 = arith.constant 0 : i32
        %add3A_235 = arith.addi %add3A_234, %scan3A_149 : i32
        %get3A_236 = arith.index_cast %add3A_235 : i32 to index
        %get3A_237 = arith.constant 224 : index
        %get3A_238 = tpu.vector_load %arg7[%get3A_236, %get3A_237] {strides = array<i32>} : memref<80x768xf32, #tpu.memory_space<vmem>>, vector<1x16xf32>,
        %get3A_239 = vector.shape_cast %get3A_238 : vector<1x16xf32> to vector<16xf32>
        %add3A_240 = arith.constant 0 : i32
        %add3A_241 = arith.addi %add3A_240, %scan3A_149 : i32
        %get3A_242 = arith.index_cast %add3A_241 : i32 to index
        %get3A_243 = arith.constant 240 : index
        %get3A_244 = tpu.vector_load %arg7[%get3A_242, %get3A_243] {strides = array<i32>} : memref<80x768xf32, #tpu.memory_space<vmem>>, vector<1x16xf32>,
        %get3A_245 = vector.shape_cast %get3A_244 : vector<1x16xf32> to vector<16xf32>
        %swap3A = arith.index_cast %scan3A_149 : i32 to index
        %swap3A_246 = arith.constant 0 : index
        %swap3A_247 = tpu.vector_load %arg8[%swap3A, %swap3A_246] {strides = array<i32>} : memref<24x768xf32, #tpu.memory_space<vmem>>, vector<1x16xf32>,
        %swap3A_248 = vector.shape_cast %swap3A_247 : vector<1x16xf32> to vector<16xf32>
        %swap3A_249 = vector.shape_cast %get3A_155 : vector<16xf32> to vector<1x16xf32>
        tpu.vector_store %arg8[%swap3A, %swap3A_246], %swap3A_249 {add = true, strides = array<i32>} : memref<24x768xf32, #tpu.memory_space<vmem>>, vector<1x16xf32>,
        %swap3A_250 = arith.index_cast %scan3A_149 : i32 to index
        %swap3A_251 = arith.constant 16 : index
        %swap3A_252 = tpu.vector_load %arg8[%swap3A_250, %swap3A_251] {strides = array<i32>} : memref<24x768xf32, #tpu.memory_space<vmem>>, vector<1x16xf32>,
        %swap3A_253 = vector.shape_cast %swap3A_252 : vector<1x16xf32> to vector<16xf32>
        %swap3A_254 = vector.shape_cast %get3A_161 : vector<16xf32> to vector<1x16xf32>
        tpu.vector_store %arg8[%swap3A_250, %swap3A_251], %swap3A_254 {add = true, strides = array<i32>} : memref<24x768xf32, #tpu.memory_space<vmem>>, vector<1x16xf32>,
        %swap3A_255 = arith.index_cast %scan3A_149 : i32 to index
        %swap3A_256 = arith.constant 32 : index
        %swap3A_257 = tpu.vector_load %arg8[%swap3A_255, %swap3A_256] {strides = array<i32>} : memref<24x768xf32, #tpu.memory_space<vmem>>, vector<1x16xf32>,
        %swap3A_258 = vector.shape_cast %swap3A_257 : vector<1x16xf32> to vector<16xf32>
        %swap3A_259 = vector.shape_cast %get3A_167 : vector<16xf32> to vector<1x16xf32>
        tpu.vector_store %arg8[%swap3A_255, %swap3A_256], %swap3A_259 {add = true, strides = array<i32>} : memref<24x768xf32, #tpu.memory_space<vmem>>, vector<1x16xf32>,
        %swap3A_260 = arith.index_cast %scan3A_149 : i32 to index
        %swap3A_261 = arith.constant 48 : index
        %swap3A_262 = tpu.vector_load %arg8[%swap3A_260, %swap3A_261] {strides = array<i32>} : memref<24x768xf32, #tpu.memory_space<vmem>>, vector<1x16xf32>,
        %swap3A_263 = vector.shape_cast %swap3A_262 : vector<1x16xf32> to vector<16xf32>
        %swap3A_264 = vector.shape_cast %get3A_173 : vector<16xf32> to vector<1x16xf32>
        tpu.vector_store %arg8[%swap3A_260, %swap3A_261], %swap3A_264 {add = true, strides = array<i32>} : memref<24x768xf32, #tpu.memory_space<vmem>>, vector<1x16xf32>,
        %swap3A_265 = arith.index_cast %scan3A_149 : i32 to index
        %swap3A_266 = arith.constant 64 : index
        %swap3A_267 = tpu.vector_load %arg8[%swap3A_265, %swap3A_266] {strides = array<i32>} : memref<24x768xf32, #tpu.memory_space<vmem>>, vector<1x16xf32>,
        %swap3A_268 = vector.shape_cast %swap3A_267 : vector<1x16xf32> to vector<16xf32>
        %swap3A_269 = vector.shape_cast %get3A_179 : vector<16xf32> to vector<1x16xf32>
        tpu.vector_store %arg8[%swap3A_265, %swap3A_266], %swap3A_269 {add = true, strides = array<i32>} : memref<24x768xf32, #tpu.memory_space<vmem>>, vector<1x16xf32>,
        %swap3A_270 = arith.index_cast %scan3A_149 : i32 to index
        %swap3A_271 = arith.constant 80 : index
        %swap3A_272 = tpu.vector_load %arg8[%swap3A_270, %swap3A_271] {strides = array<i32>} : memref<24x768xf32, #tpu.memory_space<vmem>>, vector<1x16xf32>,
        %swap3A_273 = vector.shape_cast %swap3A_272 : vector<1x16xf32> to vector<16xf32>
        %swap3A_274 = vector.shape_cast %get3A_185 : vector<16xf32> to vector<1x16xf32>
        tpu.vector_store %arg8[%swap3A_270, %swap3A_271], %swap3A_274 {add = true, strides = array<i32>} : memref<24x768xf32, #tpu.memory_space<vmem>>, vector<1x16xf32>,
        %swap3A_275 = arith.index_cast %scan3A_149 : i32 to index
        %swap3A_276 = arith.constant 96 : index
        %swap3A_277 = tpu.vector_load %arg8[%swap3A_275, %swap3A_276] {strides = array<i32>} : memref<24x768xf32, #tpu.memory_space<vmem>>, vector<1x16xf32>,
        %swap3A_278 = vector.shape_cast %swap3A_277 : vector<1x16xf32> to vector<16xf32>
        %swap3A_279 = vector.shape_cast %get3A_191 : vector<16xf32> to vector<1x16xf32>
        tpu.vector_store %arg8[%swap3A_275, %swap3A_276], %swap3A_279 {add = true, strides = array<i32>} : memref<24x768xf32, #tpu.memory_space<vmem>>, vector<1x16xf32>,
        %swap3A_280 = arith.index_cast %scan3A_149 : i32 to index
        %swap3A_281 = arith.constant 112 : index
        %swap3A_282 = tpu.vector_load %arg8[%swap3A_280, %swap3A_281] {strides = array<i32>} : memref<24x768xf32, #tpu.memory_space<vmem>>, vector<1x16xf32>,
        %swap3A_283 = vector.shape_cast %swap3A_282 : vector<1x16xf32> to vector<16xf32>
        %swap3A_284 = vector.shape_cast %get3A_197 : vector<16xf32> to vector<1x16xf32>
        tpu.vector_store %arg8[%swap3A_280, %swap3A_281], %swap3A_284 {add = true, strides = array<i32>} : memref<24x768xf32, #tpu.memory_space<vmem>>, vector<1x16xf32>,
        %swap3A_285 = arith.index_cast %scan3A_149 : i32 to index
        %swap3A_286 = arith.constant 128 : index
        %swap3A_287 = tpu.vector_load %arg8[%swap3A_285, %swap3A_286] {strides = array<i32>} : memref<24x768xf32, #tpu.memory_space<vmem>>, vector<1x16xf32>,
        %swap3A_288 = vector.shape_cast %swap3A_287 : vector<1x16xf32> to vector<16xf32>
        %swap3A_289 = vector.shape_cast %get3A_203 : vector<16xf32> to vector<1x16xf32>
        tpu.vector_store %arg8[%swap3A_285, %swap3A_286], %swap3A_289 {add = true, strides = array<i32>} : memref<24x768xf32, #tpu.memory_space<vmem>>, vector<1x16xf32>,
        %swap3A_290 = arith.index_cast %scan3A_149 : i32 to index
        %swap3A_291 = arith.constant 144 : index
        %swap3A_292 = tpu.vector_load %arg8[%swap3A_290, %swap3A_291] {strides = array<i32>} : memref<24x768xf32, #tpu.memory_space<vmem>>, vector<1x16xf32>,
        %swap3A_293 = vector.shape_cast %swap3A_292 : vector<1x16xf32> to vector<16xf32>
        %swap3A_294 = vector.shape_cast %get3A_209 : vector<16xf32> to vector<1x16xf32>
        tpu.vector_store %arg8[%swap3A_290, %swap3A_291], %swap3A_294 {add = true, strides = array<i32>} : memref<24x768xf32, #tpu.memory_space<vmem>>, vector<1x16xf32>,
        %swap3A_295 = arith.index_cast %scan3A_149 : i32 to index
        %swap3A_296 = arith.constant 160 : index
        %swap3A_297 = tpu.vector_load %arg8[%swap3A_295, %swap3A_296] {strides = array<i32>} : memref<24x768xf32, #tpu.memory_space<vmem>>, vector<1x16xf32>,
        %swap3A_298 = vector.shape_cast %swap3A_297 : vector<1x16xf32> to vector<16xf32>
        %swap3A_299 = vector.shape_cast %get3A_215 : vector<16xf32> to vector<1x16xf32>
        tpu.vector_store %arg8[%swap3A_295, %swap3A_296], %swap3A_299 {add = true, strides = array<i32>} : memref<24x768xf32, #tpu.memory_space<vmem>>, vector<1x16xf32>,
        %swap3A_300 = arith.index_cast %scan3A_149 : i32 to index
        %swap3A_301 = arith.constant 176 : index
        %swap3A_302 = tpu.vector_load %arg8[%swap3A_300, %swap3A_301] {strides = array<i32>} : memref<24x768xf32, #tpu.memory_space<vmem>>, vector<1x16xf32>,
        %swap3A_303 = vector.shape_cast %swap3A_302 : vector<1x16xf32> to vector<16xf32>
        %swap3A_304 = vector.shape_cast %get3A_221 : vector<16xf32> to vector<1x16xf32>
        tpu.vector_store %arg8[%swap3A_300, %swap3A_301], %swap3A_304 {add = true, strides = array<i32>} : memref<24x768xf32, #tpu.memory_space<vmem>>, vector<1x16xf32>,
        %swap3A_305 = arith.index_cast %scan3A_149 : i32 to index
        %swap3A_306 = arith.constant 192 : index
        %swap3A_307 = tpu.vector_load %arg8[%swap3A_305, %swap3A_306] {strides = array<i32>} : memref<24x768xf32, #tpu.memory_space<vmem>>, vector<1x16xf32>,
        %swap3A_308 = vector.shape_cast %swap3A_307 : vector<1x16xf32> to vector<16xf32>
        %swap3A_309 = vector.shape_cast %get3A_227 : vector<16xf32> to vector<1x16xf32>
        tpu.vector_store %arg8[%swap3A_305, %swap3A_306], %swap3A_309 {add = true, strides = array<i32>} : memref<24x768xf32, #tpu.memory_space<vmem>>, vector<1x16xf32>,
        %swap3A_310 = arith.index_cast %scan3A_149 : i32 to index
        %swap3A_311 = arith.constant 208 : index
        %swap3A_312 = tpu.vector_load %arg8[%swap3A_310, %swap3A_311] {strides = array<i32>} : memref<24x768xf32, #tpu.memory_space<vmem>>, vector<1x16xf32>,
        %swap3A_313 = vector.shape_cast %swap3A_312 : vector<1x16xf32> to vector<16xf32>
        %swap3A_314 = vector.shape_cast %get3A_233 : vector<16xf32> to vector<1x16xf32>
        tpu.vector_store %arg8[%swap3A_310, %swap3A_311], %swap3A_314 {add = true, strides = array<i32>} : memref<24x768xf32, #tpu.memory_space<vmem>>, vector<1x16xf32>,
        %swap3A_315 = arith.index_cast %scan3A_149 : i32 to index
        %swap3A_316 = arith.constant 224 : index
        %swap3A_317 = tpu.vector_load %arg8[%swap3A_315, %swap3A_316] {strides = array<i32>} : memref<24x768xf32, #tpu.memory_space<vmem>>, vector<1x16xf32>,
        %swap3A_318 = vector.shape_cast %swap3A_317 : vector<1x16xf32> to vector<16xf32>
        %swap3A_319 = vector.shape_cast %get3A_239 : vector<16xf32> to vector<1x16xf32>
        tpu.vector_store %arg8[%swap3A_315, %swap3A_316], %swap3A_319 {add = true, strides = array<i32>} : memref<24x768xf32, #tpu.memory_space<vmem>>, vector<1x16xf32>,
        %swap3A_320 = arith.index_cast %scan3A_149 : i32 to index
        %swap3A_321 = arith.constant 240 : index
        %swap3A_322 = tpu.vector_load %arg8[%swap3A_320, %swap3A_321] {strides = array<i32>} : memref<24x768xf32, #tpu.memory_space<vmem>>, vector<1x16xf32>,
        %swap3A_323 = vector.shape_cast %swap3A_322 : vector<1x16xf32> to vector<16xf32>
        %swap3A_324 = vector.shape_cast %get3A_245 : vector<16xf32> to vector<1x16xf32>
        tpu.vector_store %arg8[%swap3A_320, %swap3A_321], %swap3A_324 {add = true, strides = array<i32>} : memref<24x768xf32, #tpu.memory_space<vmem>>, vector<1x16xf32>,
        %add3A_325 = arith.constant 0 : i32
        %add3A_326 = arith.addi %add3A_325, %scan3A_149 : i32
        %get3A_327 = arith.index_cast %add3A_326 : i32 to index
        %get3A_328 = arith.constant 256 : index
        %get3A_329 = tpu.vector_load %arg7[%get3A_327, %get3A_328] {strides = array<i32>} : memref<80x768xf32, #tpu.memory_space<vmem>>, vector<1x16xf32>,
        %get3A_330 = vector.shape_cast %get3A_329 : vector<1x16xf32> to vector<16xf32>
        %add3A_331 = arith.constant 0 : i32
        %add3A_332 = arith.addi %add3A_331, %scan3A_149 : i32
        %get3A_333 = arith.index_cast %add3A_332 : i32 to index
        %get3A_334 = arith.constant 272 : index
        %get3A_335 = tpu.vector_load %arg7[%get3A_333, %get3A_334] {strides = array<i32>} : memref<80x768xf32, #tpu.memory_space<vmem>>, vector<1x16xf32>,
        %get3A_336 = vector.shape_cast %get3A_335 : vector<1x16xf32> to vector<16xf32>
        %add3A_337 = arith.constant 0 : i32
        %add3A_338 = arith.addi %add3A_337, %scan3A_149 : i32
        %get3A_339 = arith.index_cast %add3A_338 : i32 to index
        %get3A_340 = arith.constant 288 : index
        %get3A_341 = tpu.vector_load %arg7[%get3A_339, %get3A_340] {strides = array<i32>} : memref<80x768xf32, #tpu.memory_space<vmem>>, vector<1x16xf32>,
        %get3A_342 = vector.shape_cast %get3A_341 : vector<1x16xf32> to vector<16xf32>
        %add3A_343 = arith.constant 0 : i32
        %add3A_344 = arith.addi %add3A_343, %scan3A_149 : i32
        %get3A_345 = arith.index_cast %add3A_344 : i32 to index
        %get3A_346 = arith.constant 304 : index
        %get3A_347 = tpu.vector_load %arg7[%get3A_345, %get3A_346] {strides = array<i32>} : memref<80x768xf32, #tpu.memory_space<vmem>>, vector<1x16xf32>,
        %get3A_348 = vector.shape_cast %get3A_347 : vector<1x16xf32> to vector<16xf32>
        %add3A_349 = arith.constant 0 : i32
        %add3A_350 = arith.addi %add3A_349, %scan3A_149 : i32
        %get3A_351 = arith.index_cast %add3A_350 : i32 to index
        %get3A_352 = arith.constant 320 : index
        %get3A_353 = tpu.vector_load %arg7[%get3A_351, %get3A_352] {strides = array<i32>} : memref<80x768xf32, #tpu.memory_space<vmem>>, vector<1x16xf32>,
        %get3A_354 = vector.shape_cast %get3A_353 : vector<1x16xf32> to vector<16xf32>
        %add3A_355 = arith.constant 0 : i32
        %add3A_356 = arith.addi %add3A_355, %scan3A_149 : i32
        %get3A_357 = arith.index_cast %add3A_356 : i32 to index
        %get3A_358 = arith.constant 336 : index
        %get3A_359 = tpu.vector_load %arg7[%get3A_357, %get3A_358] {strides = array<i32>} : memref<80x768xf32, #tpu.memory_space<vmem>>, vector<1x16xf32>,
        %get3A_360 = vector.shape_cast %get3A_359 : vector<1x16xf32> to vector<16xf32>
        %add3A_361 = arith.constant 0 : i32
        %add3A_362 = arith.addi %add3A_361, %scan3A_149 : i32
        %get3A_363 = arith.index_cast %add3A_362 : i32 to index
        %get3A_364 = arith.constant 352 : index
        %get3A_365 = tpu.vector_load %arg7[%get3A_363, %get3A_364] {strides = array<i32>} : memref<80x768xf32, #tpu.memory_space<vmem>>, vector<1x16xf32>,
        %get3A_366 = vector.shape_cast %get3A_365 : vector<1x16xf32> to vector<16xf32>
        %add3A_367 = arith.constant 0 : i32
        %add3A_368 = arith.addi %add3A_367, %scan3A_149 : i32
        %get3A_369 = arith.index_cast %add3A_368 : i32 to index
        %get3A_370 = arith.constant 368 : index
        %get3A_371 = tpu.vector_load %arg7[%get3A_369, %get3A_370] {strides = array<i32>} : memref<80x768xf32, #tpu.memory_space<vmem>>, vector<1x16xf32>,
        %get3A_372 = vector.shape_cast %get3A_371 : vector<1x16xf32> to vector<16xf32>
        %add3A_373 = arith.constant 0 : i32
        %add3A_374 = arith.addi %add3A_373, %scan3A_149 : i32
        %get3A_375 = arith.index_cast %add3A_374 : i32 to index
        %get3A_376 = arith.constant 384 : index
        %get3A_377 = tpu.vector_load %arg7[%get3A_375, %get3A_376] {strides = array<i32>} : memref<80x768xf32, #tpu.memory_space<vmem>>, vector<1x16xf32>,
        %get3A_378 = vector.shape_cast %get3A_377 : vector<1x16xf32> to vector<16xf32>
        %add3A_379 = arith.constant 0 : i32
        %add3A_380 = arith.addi %add3A_379, %scan3A_149 : i32
        %get3A_381 = arith.index_cast %add3A_380 : i32 to index
        %get3A_382 = arith.constant 400 : index
        %get3A_383 = tpu.vector_load %arg7[%get3A_381, %get3A_382] {strides = array<i32>} : memref<80x768xf32, #tpu.memory_space<vmem>>, vector<1x16xf32>,
        %get3A_384 = vector.shape_cast %get3A_383 : vector<1x16xf32> to vector<16xf32>
        %add3A_385 = arith.constant 0 : i32
        %add3A_386 = arith.addi %add3A_385, %scan3A_149 : i32
        %get3A_387 = arith.index_cast %add3A_386 : i32 to index
        %get3A_388 = arith.constant 416 : index
        %get3A_389 = tpu.vector_load %arg7[%get3A_387, %get3A_388] {strides = array<i32>} : memref<80x768xf32, #tpu.memory_space<vmem>>, vector<1x16xf32>,
        %get3A_390 = vector.shape_cast %get3A_389 : vector<1x16xf32> to vector<16xf32>
        %add3A_391 = arith.constant 0 : i32
        %add3A_392 = arith.addi %add3A_391, %scan3A_149 : i32
        %get3A_393 = arith.index_cast %add3A_392 : i32 to index
        %get3A_394 = arith.constant 432 : index
        %get3A_395 = tpu.vector_load %arg7[%get3A_393, %get3A_394] {strides = array<i32>} : memref<80x768xf32, #tpu.memory_space<vmem>>, vector<1x16xf32>,
        %get3A_396 = vector.shape_cast %get3A_395 : vector<1x16xf32> to vector<16xf32>
        %add3A_397 = arith.constant 0 : i32
        %add3A_398 = arith.addi %add3A_397, %scan3A_149 : i32
        %get3A_399 = arith.index_cast %add3A_398 : i32 to index
        %get3A_400 = arith.constant 448 : index
        %get3A_401 = tpu.vector_load %arg7[%get3A_399, %get3A_400] {strides = array<i32>} : memref<80x768xf32, #tpu.memory_space<vmem>>, vector<1x16xf32>,
        %get3A_402 = vector.shape_cast %get3A_401 : vector<1x16xf32> to vector<16xf32>
        %add3A_403 = arith.constant 0 : i32
        %add3A_404 = arith.addi %add3A_403, %scan3A_149 : i32
        %get3A_405 = arith.index_cast %add3A_404 : i32 to index
        %get3A_406 = arith.constant 464 : index
        %get3A_407 = tpu.vector_load %arg7[%get3A_405, %get3A_406] {strides = array<i32>} : memref<80x768xf32, #tpu.memory_space<vmem>>, vector<1x16xf32>,
        %get3A_408 = vector.shape_cast %get3A_407 : vector<1x16xf32> to vector<16xf32>
        %add3A_409 = arith.constant 0 : i32
        %add3A_410 = arith.addi %add3A_409, %scan3A_149 : i32
        %get3A_411 = arith.index_cast %add3A_410 : i32 to index
        %get3A_412 = arith.constant 480 : index
        %get3A_413 = tpu.vector_load %arg7[%get3A_411, %get3A_412] {strides = array<i32>} : memref<80x768xf32, #tpu.memory_space<vmem>>, vector<1x16xf32>,
        %get3A_414 = vector.shape_cast %get3A_413 : vector<1x16xf32> to vector<16xf32>
        %add3A_415 = arith.constant 0 : i32
        %add3A_416 = arith.addi %add3A_415, %scan3A_149 : i32
        %get3A_417 = arith.index_cast %add3A_416 : i32 to index
        %get3A_418 = arith.constant 496 : index
        %get3A_419 = tpu.vector_load %arg7[%get3A_417, %get3A_418] {strides = array<i32>} : memref<80x768xf32, #tpu.memory_space<vmem>>, vector<1x16xf32>,
        %get3A_420 = vector.shape_cast %get3A_419 : vector<1x16xf32> to vector<16xf32>
        %swap3A_421 = arith.index_cast %scan3A_149 : i32 to index
        %swap3A_422 = arith.constant 256 : index
        %swap3A_423 = tpu.vector_load %arg8[%swap3A_421, %swap3A_422] {strides = array<i32>} : memref<24x768xf32, #tpu.memory_space<vmem>>, vector<1x16xf32>,
        %swap3A_424 = vector.shape_cast %swap3A_423 : vector<1x16xf32> to vector<16xf32>
        %swap3A_425 = vector.shape_cast %get3A_330 : vector<16xf32> to vector<1x16xf32>
        tpu.vector_store %arg8[%swap3A_421, %swap3A_422], %swap3A_425 {add = true, strides = array<i32>} : memref<24x768xf32, #tpu.memory_space<vmem>>, vector<1x16xf32>,
        %swap3A_426 = arith.index_cast %scan3A_149 : i32 to index
        %swap3A_427 = arith.constant 272 : index
        %swap3A_428 = tpu.vector_load %arg8[%swap3A_426, %swap3A_427] {strides = array<i32>} : memref<24x768xf32, #tpu.memory_space<vmem>>, vector<1x16xf32>,
        %swap3A_429 = vector.shape_cast %swap3A_428 : vector<1x16xf32> to vector<16xf32>
        %swap3A_430 = vector.shape_cast %get3A_336 : vector<16xf32> to vector<1x16xf32>
        tpu.vector_store %arg8[%swap3A_426, %swap3A_427], %swap3A_430 {add = true, strides = array<i32>} : memref<24x768xf32, #tpu.memory_space<vmem>>, vector<1x16xf32>,
        %swap3A_431 = arith.index_cast %scan3A_149 : i32 to index
        %swap3A_432 = arith.constant 288 : index
        %swap3A_433 = tpu.vector_load %arg8[%swap3A_431, %swap3A_432] {strides = array<i32>} : memref<24x768xf32, #tpu.memory_space<vmem>>, vector<1x16xf32>,
        %swap3A_434 = vector.shape_cast %swap3A_433 : vector<1x16xf32> to vector<16xf32>
        %swap3A_435 = vector.shape_cast %get3A_342 : vector<16xf32> to vector<1x16xf32>
        tpu.vector_store %arg8[%swap3A_431, %swap3A_432], %swap3A_435 {add = true, strides = array<i32>} : memref<24x768xf32, #tpu.memory_space<vmem>>, vector<1x16xf32>,
        %swap3A_436 = arith.index_cast %scan3A_149 : i32 to index
        %swap3A_437 = arith.constant 304 : index
        %swap3A_438 = tpu.vector_load %arg8[%swap3A_436, %swap3A_437] {strides = array<i32>} : memref<24x768xf32, #tpu.memory_space<vmem>>, vector<1x16xf32>,
        %swap3A_439 = vector.shape_cast %swap3A_438 : vector<1x16xf32> to vector<16xf32>
        %swap3A_440 = vector.shape_cast %get3A_348 : vector<16xf32> to vector<1x16xf32>
        tpu.vector_store %arg8[%swap3A_436, %swap3A_437], %swap3A_440 {add = true, strides = array<i32>} : memref<24x768xf32, #tpu.memory_space<vmem>>, vector<1x16xf32>,
        %swap3A_441 = arith.index_cast %scan3A_149 : i32 to index
        %swap3A_442 = arith.constant 320 : index
        %swap3A_443 = tpu.vector_load %arg8[%swap3A_441, %swap3A_442] {strides = array<i32>} : memref<24x768xf32, #tpu.memory_space<vmem>>, vector<1x16xf32>,
        %swap3A_444 = vector.shape_cast %swap3A_443 : vector<1x16xf32> to vector<16xf32>
        %swap3A_445 = vector.shape_cast %get3A_354 : vector<16xf32> to vector<1x16xf32>
        tpu.vector_store %arg8[%swap3A_441, %swap3A_442], %swap3A_445 {add = true, strides = array<i32>} : memref<24x768xf32, #tpu.memory_space<vmem>>, vector<1x16xf32>,
        %swap3A_446 = arith.index_cast %scan3A_149 : i32 to index
        %swap3A_447 = arith.constant 336 : index
        %swap3A_448 = tpu.vector_load %arg8[%swap3A_446, %swap3A_447] {strides = array<i32>} : memref<24x768xf32, #tpu.memory_space<vmem>>, vector<1x16xf32>,
        %swap3A_449 = vector.shape_cast %swap3A_448 : vector<1x16xf32> to vector<16xf32>
        %swap3A_450 = vector.shape_cast %get3A_360 : vector<16xf32> to vector<1x16xf32>
        tpu.vector_store %arg8[%swap3A_446, %swap3A_447], %swap3A_450 {add = true, strides = array<i32>} : memref<24x768xf32, #tpu.memory_space<vmem>>, vector<1x16xf32>,
        %swap3A_451 = arith.index_cast %scan3A_149 : i32 to index
        %swap3A_452 = arith.constant 352 : index
        %swap3A_453 = tpu.vector_load %arg8[%swap3A_451, %swap3A_452] {strides = array<i32>} : memref<24x768xf32, #tpu.memory_space<vmem>>, vector<1x16xf32>,
        %swap3A_454 = vector.shape_cast %swap3A_453 : vector<1x16xf32> to vector<16xf32>
        %swap3A_455 = vector.shape_cast %get3A_366 : vector<16xf32> to vector<1x16xf32>
        tpu.vector_store %arg8[%swap3A_451, %swap3A_452], %swap3A_455 {add = true, strides = array<i32>} : memref<24x768xf32, #tpu.memory_space<vmem>>, vector<1x16xf32>,
        %swap3A_456 = arith.index_cast %scan3A_149 : i32 to index
        %swap3A_457 = arith.constant 368 : index
        %swap3A_458 = tpu.vector_load %arg8[%swap3A_456, %swap3A_457] {strides = array<i32>} : memref<24x768xf32, #tpu.memory_space<vmem>>, vector<1x16xf32>,
        %swap3A_459 = vector.shape_cast %swap3A_458 : vector<1x16xf32> to vector<16xf32>
        %swap3A_460 = vector.shape_cast %get3A_372 : vector<16xf32> to vector<1x16xf32>
        tpu.vector_store %arg8[%swap3A_456, %swap3A_457], %swap3A_460 {add = true, strides = array<i32>} : memref<24x768xf32, #tpu.memory_space<vmem>>, vector<1x16xf32>,
        %swap3A_461 = arith.index_cast %scan3A_149 : i32 to index
        %swap3A_462 = arith.constant 384 : index
        %swap3A_463 = tpu.vector_load %arg8[%swap3A_461, %swap3A_462] {strides = array<i32>} : memref<24x768xf32, #tpu.memory_space<vmem>>, vector<1x16xf32>,
        %swap3A_464 = vector.shape_cast %swap3A_463 : vector<1x16xf32> to vector<16xf32>
        %swap3A_465 = vector.shape_cast %get3A_378 : vector<16xf32> to vector<1x16xf32>
        tpu.vector_store %arg8[%swap3A_461, %swap3A_462], %swap3A_465 {add = true, strides = array<i32>} : memref<24x768xf32, #tpu.memory_space<vmem>>, vector<1x16xf32>,
        %swap3A_466 = arith.index_cast %scan3A_149 : i32 to index
        %swap3A_467 = arith.constant 400 : index
        %swap3A_468 = tpu.vector_load %arg8[%swap3A_466, %swap3A_467] {strides = array<i32>} : memref<24x768xf32, #tpu.memory_space<vmem>>, vector<1x16xf32>,
        %swap3A_469 = vector.shape_cast %swap3A_468 : vector<1x16xf32> to vector<16xf32>
        %swap3A_470 = vector.shape_cast %get3A_384 : vector<16xf32> to vector<1x16xf32>
        tpu.vector_store %arg8[%swap3A_466, %swap3A_467], %swap3A_470 {add = true, strides = array<i32>} : memref<24x768xf32, #tpu.memory_space<vmem>>, vector<1x16xf32>,
        %swap3A_471 = arith.index_cast %scan3A_149 : i32 to index
        %swap3A_472 = arith.constant 416 : index
        %swap3A_473 = tpu.vector_load %arg8[%swap3A_471, %swap3A_472] {strides = array<i32>} : memref<24x768xf32, #tpu.memory_space<vmem>>, vector<1x16xf32>,
        %swap3A_474 = vector.shape_cast %swap3A_473 : vector<1x16xf32> to vector<16xf32>
        %swap3A_475 = vector.shape_cast %get3A_390 : vector<16xf32> to vector<1x16xf32>
        tpu.vector_store %arg8[%swap3A_471, %swap3A_472], %swap3A_475 {add = true, strides = array<i32>} : memref<24x768xf32, #tpu.memory_space<vmem>>, vector<1x16xf32>,
        %swap3A_476 = arith.index_cast %scan3A_149 : i32 to index
        %swap3A_477 = arith.constant 432 : index
        %swap3A_478 = tpu.vector_load %arg8[%swap3A_476, %swap3A_477] {strides = array<i32>} : memref<24x768xf32, #tpu.memory_space<vmem>>, vector<1x16xf32>,
        %swap3A_479 = vector.shape_cast %swap3A_478 : vector<1x16xf32> to vector<16xf32>
        %swap3A_480 = vector.shape_cast %get3A_396 : vector<16xf32> to vector<1x16xf32>
        tpu.vector_store %arg8[%swap3A_476, %swap3A_477], %swap3A_480 {add = true, strides = array<i32>} : memref<24x768xf32, #tpu.memory_space<vmem>>, vector<1x16xf32>,
        %swap3A_481 = arith.index_cast %scan3A_149 : i32 to index
        %swap3A_482 = arith.constant 448 : index
        %swap3A_483 = tpu.vector_load %arg8[%swap3A_481, %swap3A_482] {strides = array<i32>} : memref<24x768xf32, #tpu.memory_space<vmem>>, vector<1x16xf32>,
        %swap3A_484 = vector.shape_cast %swap3A_483 : vector<1x16xf32> to vector<16xf32>
        %swap3A_485 = vector.shape_cast %get3A_402 : vector<16xf32> to vector<1x16xf32>
        tpu.vector_store %arg8[%swap3A_481, %swap3A_482], %swap3A_485 {add = true, strides = array<i32>} : memref<24x768xf32, #tpu.memory_space<vmem>>, vector<1x16xf32>,
        %swap3A_486 = arith.index_cast %scan3A_149 : i32 to index
        %swap3A_487 = arith.constant 464 : index
        %swap3A_488 = tpu.vector_load %arg8[%swap3A_486, %swap3A_487] {strides = array<i32>} : memref<24x768xf32, #tpu.memory_space<vmem>>, vector<1x16xf32>,
        %swap3A_489 = vector.shape_cast %swap3A_488 : vector<1x16xf32> to vector<16xf32>
        %swap3A_490 = vector.shape_cast %get3A_408 : vector<16xf32> to vector<1x16xf32>
        tpu.vector_store %arg8[%swap3A_486, %swap3A_487], %swap3A_490 {add = true, strides = array<i32>} : memref<24x768xf32, #tpu.memory_space<vmem>>, vector<1x16xf32>,
        %swap3A_491 = arith.index_cast %scan3A_149 : i32 to index
        %swap3A_492 = arith.constant 480 : index
        %swap3A_493 = tpu.vector_load %arg8[%swap3A_491, %swap3A_492] {strides = array<i32>} : memref<24x768xf32, #tpu.memory_space<vmem>>, vector<1x16xf32>,
        %swap3A_494 = vector.shape_cast %swap3A_493 : vector<1x16xf32> to vector<16xf32>
        %swap3A_495 = vector.shape_cast %get3A_414 : vector<16xf32> to vector<1x16xf32>
        tpu.vector_store %arg8[%swap3A_491, %swap3A_492], %swap3A_495 {add = true, strides = array<i32>} : memref<24x768xf32, #tpu.memory_space<vmem>>, vector<1x16xf32>,
        %swap3A_496 = arith.index_cast %scan3A_149 : i32 to index
        %swap3A_497 = arith.constant 496 : index
        %swap3A_498 = tpu.vector_load %arg8[%swap3A_496, %swap3A_497] {strides = array<i32>} : memref<24x768xf32, #tpu.memory_space<vmem>>, vector<1x16xf32>,
        %swap3A_499 = vector.shape_cast %swap3A_498 : vector<1x16xf32> to vector<16xf32>
        %swap3A_500 = vector.shape_cast %get3A_420 : vector<16xf32> to vector<1x16xf32>
        tpu.vector_store %arg8[%swap3A_496, %swap3A_497], %swap3A_500 {add = true, strides = array<i32>} : memref<24x768xf32, #tpu.memory_space<vmem>>, vector<1x16xf32>,
        %add3A_501 = arith.constant 0 : i32
        %add3A_502 = arith.addi %add3A_501, %scan3A_149 : i32
        %get3A_503 = arith.index_cast %add3A_502 : i32 to index
        %get3A_504 = arith.constant 512 : index
        %get3A_505 = tpu.vector_load %arg7[%get3A_503, %get3A_504] {strides = array<i32>} : memref<80x768xf32, #tpu.memory_space<vmem>>, vector<1x16xf32>,
        %get3A_506 = vector.shape_cast %get3A_505 : vector<1x16xf32> to vector<16xf32>
        %add3A_507 = arith.constant 0 : i32
        %add3A_508 = arith.addi %add3A_507, %scan3A_149 : i32
        %get3A_509 = arith.index_cast %add3A_508 : i32 to index
        %get3A_510 = arith.constant 528 : index
        %get3A_511 = tpu.vector_load %arg7[%get3A_509, %get3A_510] {strides = array<i32>} : memref<80x768xf32, #tpu.memory_space<vmem>>, vector<1x16xf32>,
        %get3A_512 = vector.shape_cast %get3A_511 : vector<1x16xf32> to vector<16xf32>
        %add3A_513 = arith.constant 0 : i32
        %add3A_514 = arith.addi %add3A_513, %scan3A_149 : i32
        %get3A_515 = arith.index_cast %add3A_514 : i32 to index
        %get3A_516 = arith.constant 544 : index
        %get3A_517 = tpu.vector_load %arg7[%get3A_515, %get3A_516] {strides = array<i32>} : memref<80x768xf32, #tpu.memory_space<vmem>>, vector<1x16xf32>,
        %get3A_518 = vector.shape_cast %get3A_517 : vector<1x16xf32> to vector<16xf32>
        %add3A_519 = arith.constant 0 : i32
        %add3A_520 = arith.addi %add3A_519, %scan3A_149 : i32
        %get3A_521 = arith.index_cast %add3A_520 : i32 to index
        %get3A_522 = arith.constant 560 : index
        %get3A_523 = tpu.vector_load %arg7[%get3A_521, %get3A_522] {strides = array<i32>} : memref<80x768xf32, #tpu.memory_space<vmem>>, vector<1x16xf32>,
        %get3A_524 = vector.shape_cast %get3A_523 : vector<1x16xf32> to vector<16xf32>
        %add3A_525 = arith.constant 0 : i32
        %add3A_526 = arith.addi %add3A_525, %scan3A_149 : i32
        %get3A_527 = arith.index_cast %add3A_526 : i32 to index
        %get3A_528 = arith.constant 576 : index
        %get3A_529 = tpu.vector_load %arg7[%get3A_527, %get3A_528] {strides = array<i32>} : memref<80x768xf32, #tpu.memory_space<vmem>>, vector<1x16xf32>,
        %get3A_530 = vector.shape_cast %get3A_529 : vector<1x16xf32> to vector<16xf32>
        %add3A_531 = arith.constant 0 : i32
        %add3A_532 = arith.addi %add3A_531, %scan3A_149 : i32
        %get3A_533 = arith.index_cast %add3A_532 : i32 to index
        %get3A_534 = arith.constant 592 : index
        %get3A_535 = tpu.vector_load %arg7[%get3A_533, %get3A_534] {strides = array<i32>} : memref<80x768xf32, #tpu.memory_space<vmem>>, vector<1x16xf32>,
        %get3A_536 = vector.shape_cast %get3A_535 : vector<1x16xf32> to vector<16xf32>
        %add3A_537 = arith.constant 0 : i32
        %add3A_538 = arith.addi %add3A_537, %scan3A_149 : i32
        %get3A_539 = arith.index_cast %add3A_538 : i32 to index
        %get3A_540 = arith.constant 608 : index
        %get3A_541 = tpu.vector_load %arg7[%get3A_539, %get3A_540] {strides = array<i32>} : memref<80x768xf32, #tpu.memory_space<vmem>>, vector<1x16xf32>,
        %get3A_542 = vector.shape_cast %get3A_541 : vector<1x16xf32> to vector<16xf32>
        %add3A_543 = arith.constant 0 : i32
        %add3A_544 = arith.addi %add3A_543, %scan3A_149 : i32
        %get3A_545 = arith.index_cast %add3A_544 : i32 to index
        %get3A_546 = arith.constant 624 : index
        %get3A_547 = tpu.vector_load %arg7[%get3A_545, %get3A_546] {strides = array<i32>} : memref<80x768xf32, #tpu.memory_space<vmem>>, vector<1x16xf32>,
        %get3A_548 = vector.shape_cast %get3A_547 : vector<1x16xf32> to vector<16xf32>
        %add3A_549 = arith.constant 0 : i32
        %add3A_550 = arith.addi %add3A_549, %scan3A_149 : i32
        %get3A_551 = arith.index_cast %add3A_550 : i32 to index
        %get3A_552 = arith.constant 640 : index
        %get3A_553 = tpu.vector_load %arg7[%get3A_551, %get3A_552] {strides = array<i32>} : memref<80x768xf32, #tpu.memory_space<vmem>>, vector<1x16xf32>,
        %get3A_554 = vector.shape_cast %get3A_553 : vector<1x16xf32> to vector<16xf32>
        %add3A_555 = arith.constant 0 : i32
        %add3A_556 = arith.addi %add3A_555, %scan3A_149 : i32
        %get3A_557 = arith.index_cast %add3A_556 : i32 to index
        %get3A_558 = arith.constant 656 : index
        %get3A_559 = tpu.vector_load %arg7[%get3A_557, %get3A_558] {strides = array<i32>} : memref<80x768xf32, #tpu.memory_space<vmem>>, vector<1x16xf32>,
        %get3A_560 = vector.shape_cast %get3A_559 : vector<1x16xf32> to vector<16xf32>
        %add3A_561 = arith.constant 0 : i32
        %add3A_562 = arith.addi %add3A_561, %scan3A_149 : i32
        %get3A_563 = arith.index_cast %add3A_562 : i32 to index
        %get3A_564 = arith.constant 672 : index
        %get3A_565 = tpu.vector_load %arg7[%get3A_563, %get3A_564] {strides = array<i32>} : memref<80x768xf32, #tpu.memory_space<vmem>>, vector<1x16xf32>,
        %get3A_566 = vector.shape_cast %get3A_565 : vector<1x16xf32> to vector<16xf32>
        %add3A_567 = arith.constant 0 : i32
        %add3A_568 = arith.addi %add3A_567, %scan3A_149 : i32
        %get3A_569 = arith.index_cast %add3A_568 : i32 to index
        %get3A_570 = arith.constant 688 : index
        %get3A_571 = tpu.vector_load %arg7[%get3A_569, %get3A_570] {strides = array<i32>} : memref<80x768xf32, #tpu.memory_space<vmem>>, vector<1x16xf32>,
        %get3A_572 = vector.shape_cast %get3A_571 : vector<1x16xf32> to vector<16xf32>
        %add3A_573 = arith.constant 0 : i32
        %add3A_574 = arith.addi %add3A_573, %scan3A_149 : i32
        %get3A_575 = arith.index_cast %add3A_574 : i32 to index
        %get3A_576 = arith.constant 704 : index
        %get3A_577 = tpu.vector_load %arg7[%get3A_575, %get3A_576] {strides = array<i32>} : memref<80x768xf32, #tpu.memory_space<vmem>>, vector<1x16xf32>,
        %get3A_578 = vector.shape_cast %get3A_577 : vector<1x16xf32> to vector<16xf32>
        %add3A_579 = arith.constant 0 : i32
        %add3A_580 = arith.addi %add3A_579, %scan3A_149 : i32
        %get3A_581 = arith.index_cast %add3A_580 : i32 to index
        %get3A_582 = arith.constant 720 : index
        %get3A_583 = tpu.vector_load %arg7[%get3A_581, %get3A_582] {strides = array<i32>} : memref<80x768xf32, #tpu.memory_space<vmem>>, vector<1x16xf32>,
        %get3A_584 = vector.shape_cast %get3A_583 : vector<1x16xf32> to vector<16xf32>
        %add3A_585 = arith.constant 0 : i32
        %add3A_586 = arith.addi %add3A_585, %scan3A_149 : i32
        %get3A_587 = arith.index_cast %add3A_586 : i32 to index
        %get3A_588 = arith.constant 736 : index
        %get3A_589 = tpu.vector_load %arg7[%get3A_587, %get3A_588] {strides = array<i32>} : memref<80x768xf32, #tpu.memory_space<vmem>>, vector<1x16xf32>,
        %get3A_590 = vector.shape_cast %get3A_589 : vector<1x16xf32> to vector<16xf32>
        %add3A_591 = arith.constant 0 : i32
        %add3A_592 = arith.addi %add3A_591, %scan3A_149 : i32
        %get3A_593 = arith.index_cast %add3A_592 : i32 to index
        %get3A_594 = arith.constant 752 : index
        %get3A_595 = tpu.vector_load %arg7[%get3A_593, %get3A_594] {strides = array<i32>} : memref<80x768xf32, #tpu.memory_space<vmem>>, vector<1x16xf32>,
        %get3A_596 = vector.shape_cast %get3A_595 : vector<1x16xf32> to vector<16xf32>
        %swap3A_597 = arith.index_cast %scan3A_149 : i32 to index
        %swap3A_598 = arith.constant 512 : index
        %swap3A_599 = tpu.vector_load %arg8[%swap3A_597, %swap3A_598] {strides = array<i32>} : memref<24x768xf32, #tpu.memory_space<vmem>>, vector<1x16xf32>,
        %swap3A_600 = vector.shape_cast %swap3A_599 : vector<1x16xf32> to vector<16xf32>
        %swap3A_601 = vector.shape_cast %get3A_506 : vector<16xf32> to vector<1x16xf32>
        tpu.vector_store %arg8[%swap3A_597, %swap3A_598], %swap3A_601 {add = true, strides = array<i32>} : memref<24x768xf32, #tpu.memory_space<vmem>>, vector<1x16xf32>,
        %swap3A_602 = arith.index_cast %scan3A_149 : i32 to index
        %swap3A_603 = arith.constant 528 : index
        %swap3A_604 = tpu.vector_load %arg8[%swap3A_602, %swap3A_603] {strides = array<i32>} : memref<24x768xf32, #tpu.memory_space<vmem>>, vector<1x16xf32>,
        %swap3A_605 = vector.shape_cast %swap3A_604 : vector<1x16xf32> to vector<16xf32>
        %swap3A_606 = vector.shape_cast %get3A_512 : vector<16xf32> to vector<1x16xf32>
        tpu.vector_store %arg8[%swap3A_602, %swap3A_603], %swap3A_606 {add = true, strides = array<i32>} : memref<24x768xf32, #tpu.memory_space<vmem>>, vector<1x16xf32>,
        %swap3A_607 = arith.index_cast %scan3A_149 : i32 to index
        %swap3A_608 = arith.constant 544 : index
        %swap3A_609 = tpu.vector_load %arg8[%swap3A_607, %swap3A_608] {strides = array<i32>} : memref<24x768xf32, #tpu.memory_space<vmem>>, vector<1x16xf32>,
        %swap3A_610 = vector.shape_cast %swap3A_609 : vector<1x16xf32> to vector<16xf32>
        %swap3A_611 = vector.shape_cast %get3A_518 : vector<16xf32> to vector<1x16xf32>
        tpu.vector_store %arg8[%swap3A_607, %swap3A_608], %swap3A_611 {add = true, strides = array<i32>} : memref<24x768xf32, #tpu.memory_space<vmem>>, vector<1x16xf32>,
        %swap3A_612 = arith.index_cast %scan3A_149 : i32 to index
        %swap3A_613 = arith.constant 560 : index
        %swap3A_614 = tpu.vector_load %arg8[%swap3A_612, %swap3A_613] {strides = array<i32>} : memref<24x768xf32, #tpu.memory_space<vmem>>, vector<1x16xf32>,
        %swap3A_615 = vector.shape_cast %swap3A_614 : vector<1x16xf32> to vector<16xf32>
        %swap3A_616 = vector.shape_cast %get3A_524 : vector<16xf32> to vector<1x16xf32>
        tpu.vector_store %arg8[%swap3A_612, %swap3A_613], %swap3A_616 {add = true, strides = array<i32>} : memref<24x768xf32, #tpu.memory_space<vmem>>, vector<1x16xf32>,
        %swap3A_617 = arith.index_cast %scan3A_149 : i32 to index
        %swap3A_618 = arith.constant 576 : index
        %swap3A_619 = tpu.vector_load %arg8[%swap3A_617, %swap3A_618] {strides = array<i32>} : memref<24x768xf32, #tpu.memory_space<vmem>>, vector<1x16xf32>,
        %swap3A_620 = vector.shape_cast %swap3A_619 : vector<1x16xf32> to vector<16xf32>
        %swap3A_621 = vector.shape_cast %get3A_530 : vector<16xf32> to vector<1x16xf32>
        tpu.vector_store %arg8[%swap3A_617, %swap3A_618], %swap3A_621 {add = true, strides = array<i32>} : memref<24x768xf32, #tpu.memory_space<vmem>>, vector<1x16xf32>,
        %swap3A_622 = arith.index_cast %scan3A_149 : i32 to index
        %swap3A_623 = arith.constant 592 : index
        %swap3A_624 = tpu.vector_load %arg8[%swap3A_622, %swap3A_623] {strides = array<i32>} : memref<24x768xf32, #tpu.memory_space<vmem>>, vector<1x16xf32>,
        %swap3A_625 = vector.shape_cast %swap3A_624 : vector<1x16xf32> to vector<16xf32>
        %swap3A_626 = vector.shape_cast %get3A_536 : vector<16xf32> to vector<1x16xf32>
        tpu.vector_store %arg8[%swap3A_622, %swap3A_623], %swap3A_626 {add = true, strides = array<i32>} : memref<24x768xf32, #tpu.memory_space<vmem>>, vector<1x16xf32>,
        %swap3A_627 = arith.index_cast %scan3A_149 : i32 to index
        %swap3A_628 = arith.constant 608 : index
        %swap3A_629 = tpu.vector_load %arg8[%swap3A_627, %swap3A_628] {strides = array<i32>} : memref<24x768xf32, #tpu.memory_space<vmem>>, vector<1x16xf32>,
        %swap3A_630 = vector.shape_cast %swap3A_629 : vector<1x16xf32> to vector<16xf32>
        %swap3A_631 = vector.shape_cast %get3A_542 : vector<16xf32> to vector<1x16xf32>
        tpu.vector_store %arg8[%swap3A_627, %swap3A_628], %swap3A_631 {add = true, strides = array<i32>} : memref<24x768xf32, #tpu.memory_space<vmem>>, vector<1x16xf32>,
        %swap3A_632 = arith.index_cast %scan3A_149 : i32 to index
        %swap3A_633 = arith.constant 624 : index
        %swap3A_634 = tpu.vector_load %arg8[%swap3A_632, %swap3A_633] {strides = array<i32>} : memref<24x768xf32, #tpu.memory_space<vmem>>, vector<1x16xf32>,
        %swap3A_635 = vector.shape_cast %swap3A_634 : vector<1x16xf32> to vector<16xf32>
        %swap3A_636 = vector.shape_cast %get3A_548 : vector<16xf32> to vector<1x16xf32>
        tpu.vector_store %arg8[%swap3A_632, %swap3A_633], %swap3A_636 {add = true, strides = array<i32>} : memref<24x768xf32, #tpu.memory_space<vmem>>, vector<1x16xf32>,
        %swap3A_637 = arith.index_cast %scan3A_149 : i32 to index
        %swap3A_638 = arith.constant 640 : index
        %swap3A_639 = tpu.vector_load %arg8[%swap3A_637, %swap3A_638] {strides = array<i32>} : memref<24x768xf32, #tpu.memory_space<vmem>>, vector<1x16xf32>,
        %swap3A_640 = vector.shape_cast %swap3A_639 : vector<1x16xf32> to vector<16xf32>
        %swap3A_641 = vector.shape_cast %get3A_554 : vector<16xf32> to vector<1x16xf32>
        tpu.vector_store %arg8[%swap3A_637, %swap3A_638], %swap3A_641 {add = true, strides = array<i32>} : memref<24x768xf32, #tpu.memory_space<vmem>>, vector<1x16xf32>,
        %swap3A_642 = arith.index_cast %scan3A_149 : i32 to index
        %swap3A_643 = arith.constant 656 : index
        %swap3A_644 = tpu.vector_load %arg8[%swap3A_642, %swap3A_643] {strides = array<i32>} : memref<24x768xf32, #tpu.memory_space<vmem>>, vector<1x16xf32>,
        %swap3A_645 = vector.shape_cast %swap3A_644 : vector<1x16xf32> to vector<16xf32>
        %swap3A_646 = vector.shape_cast %get3A_560 : vector<16xf32> to vector<1x16xf32>
        tpu.vector_store %arg8[%swap3A_642, %swap3A_643], %swap3A_646 {add = true, strides = array<i32>} : memref<24x768xf32, #tpu.memory_space<vmem>>, vector<1x16xf32>,
        %swap3A_647 = arith.index_cast %scan3A_149 : i32 to index
        %swap3A_648 = arith.constant 672 : index
        %swap3A_649 = tpu.vector_load %arg8[%swap3A_647, %swap3A_648] {strides = array<i32>} : memref<24x768xf32, #tpu.memory_space<vmem>>, vector<1x16xf32>,
        %swap3A_650 = vector.shape_cast %swap3A_649 : vector<1x16xf32> to vector<16xf32>
        %swap3A_651 = vector.shape_cast %get3A_566 : vector<16xf32> to vector<1x16xf32>
        tpu.vector_store %arg8[%swap3A_647, %swap3A_648], %swap3A_651 {add = true, strides = array<i32>} : memref<24x768xf32, #tpu.memory_space<vmem>>, vector<1x16xf32>,
        %swap3A_652 = arith.index_cast %scan3A_149 : i32 to index
        %swap3A_653 = arith.constant 688 : index
        %swap3A_654 = tpu.vector_load %arg8[%swap3A_652, %swap3A_653] {strides = array<i32>} : memref<24x768xf32, #tpu.memory_space<vmem>>, vector<1x16xf32>,
        %swap3A_655 = vector.shape_cast %swap3A_654 : vector<1x16xf32> to vector<16xf32>
        %swap3A_656 = vector.shape_cast %get3A_572 : vector<16xf32> to vector<1x16xf32>
        tpu.vector_store %arg8[%swap3A_652, %swap3A_653], %swap3A_656 {add = true, strides = array<i32>} : memref<24x768xf32, #tpu.memory_space<vmem>>, vector<1x16xf32>,
        %swap3A_657 = arith.index_cast %scan3A_149 : i32 to index
        %swap3A_658 = arith.constant 704 : index
        %swap3A_659 = tpu.vector_load %arg8[%swap3A_657, %swap3A_658] {strides = array<i32>} : memref<24x768xf32, #tpu.memory_space<vmem>>, vector<1x16xf32>,
        %swap3A_660 = vector.shape_cast %swap3A_659 : vector<1x16xf32> to vector<16xf32>
        %swap3A_661 = vector.shape_cast %get3A_578 : vector<16xf32> to vector<1x16xf32>
        tpu.vector_store %arg8[%swap3A_657, %swap3A_658], %swap3A_661 {add = true, strides = array<i32>} : memref<24x768xf32, #tpu.memory_space<vmem>>, vector<1x16xf32>,
        %swap3A_662 = arith.index_cast %scan3A_149 : i32 to index
        %swap3A_663 = arith.constant 720 : index
        %swap3A_664 = tpu.vector_load %arg8[%swap3A_662, %swap3A_663] {strides = array<i32>} : memref<24x768xf32, #tpu.memory_space<vmem>>, vector<1x16xf32>,
        %swap3A_665 = vector.shape_cast %swap3A_664 : vector<1x16xf32> to vector<16xf32>
        %swap3A_666 = vector.shape_cast %get3A_584 : vector<16xf32> to vector<1x16xf32>
        tpu.vector_store %arg8[%swap3A_662, %swap3A_663], %swap3A_666 {add = true, strides = array<i32>} : memref<24x768xf32, #tpu.memory_space<vmem>>, vector<1x16xf32>,
        %swap3A_667 = arith.index_cast %scan3A_149 : i32 to index
        %swap3A_668 = arith.constant 736 : index
        %swap3A_669 = tpu.vector_load %arg8[%swap3A_667, %swap3A_668] {strides = array<i32>} : memref<24x768xf32, #tpu.memory_space<vmem>>, vector<1x16xf32>,
        %swap3A_670 = vector.shape_cast %swap3A_669 : vector<1x16xf32> to vector<16xf32>
        %swap3A_671 = vector.shape_cast %get3A_590 : vector<16xf32> to vector<1x16xf32>
        tpu.vector_store %arg8[%swap3A_667, %swap3A_668], %swap3A_671 {add = true, strides = array<i32>} : memref<24x768xf32, #tpu.memory_space<vmem>>, vector<1x16xf32>,
        %swap3A_672 = arith.index_cast %scan3A_149 : i32 to index
        %swap3A_673 = arith.constant 752 : index
        %swap3A_674 = tpu.vector_load %arg8[%swap3A_672, %swap3A_673] {strides = array<i32>} : memref<24x768xf32, #tpu.memory_space<vmem>>, vector<1x16xf32>,
        %swap3A_675 = vector.shape_cast %swap3A_674 : vector<1x16xf32> to vector<16xf32>
        %swap3A_676 = vector.shape_cast %get3A_596 : vector<16xf32> to vector<1x16xf32>
        tpu.vector_store %arg8[%swap3A_672, %swap3A_673], %swap3A_676 {add = true, strides = array<i32>} : memref<24x768xf32, #tpu.memory_space<vmem>>, vector<1x16xf32>,
        %scan3A_677 = arith.constant 0 : i32
        scf.yield %scan3A_677 : i32
      }
      %scan3A_62 = arith.constant 24 : i32
      %add3A_63 = arith.addi %mul3A_2, %scan3A_36 : i32
      %mul3A_64 = arith.constant 80 : i32
      %mul3A_65 = arith.muli %add3A_63, %mul3A_64 : i32
      %add3A_66 = arith.constant 0 : i32
      %add3A_67 = arith.addi %mul3A_65, %add3A_66 : i32
      %dma_start3A_68 = arith.constant 0 : i32
      %dma_start3A_69 = tpu.memref_slice %arg5[%add3A_67, %dma_start3A_68] : memref<81920x768xf32, #tpu.memory_space<hbm>> -> memref<24x768xf32, #tpu.memory_space<hbm>>
      %dma_start3A_70 = arith.constant 0 : i32
      %dma_start3A_71 = tpu.memref_slice %arg5[%add3A_67, %dma_start3A_70] : memref<81920x768xf32, #tpu.memory_space<hbm>> -> memref<24x768xf32, #tpu.memory_space<hbm>>
      tpu.enqueue_dma source(%arg8 : memref<24x768xf32, #tpu.memory_space<vmem>>) target(%dma_start3A_71 : memref<24x768xf32, #tpu.memory_space<hbm>>) target_semaphore(%arg14 : memref<!tpu.dma_semaphore, #tpu.memory_space<semaphore_mem>>)
      %ge3A_72 = arith.constant 1 : i32
      %ge3A_73 = arith.cmpi sge, %scan3A_36, %ge3A_72 : i32
      %convert_element_type3A_74 = arith.extui %ge3A_73 : i1 to i32
      %cond3A_75 = arith.constant 0 : i32
      %cond3A_76 = arith.cmpi ne, %convert_element_type3A_74, %cond3A_75 : i32
      scf.if %cond3A_76 {
        %sub3A = arith.constant 1 : i32
        %sub3A_149 = arith.subi %scan3A_36, %sub3A : i32
        %add3A_150 = arith.addi %mul3A_2, %sub3A_149 : i32
        %mul3A_151 = arith.constant 80 : i32
        %mul3A_152 = arith.muli %add3A_150, %mul3A_151 : i32
        %add3A_153 = arith.constant 48 : i32
        %add3A_154 = arith.addi %mul3A_152, %add3A_153 : i32
        %dma_wait3A_155 = arith.constant 0 : i32
        %dma_wait3A_156 = tpu.memref_slice %arg5[%add3A_154, %dma_wait3A_155] : memref<81920x768xf32, #tpu.memory_space<hbm>> -> memref<32x768xf32, #tpu.memory_space<hbm>>
        %dma_wait3A_157 = arith.constant 0 : i32
        %dma_wait3A_158 = tpu.memref_slice %arg5[%add3A_154, %dma_wait3A_157] : memref<81920x768xf32, #tpu.memory_space<hbm>> -> memref<32x768xf32, #tpu.memory_space<hbm>>
        tpu.wait_dma2 semaphore(%arg16 : memref<!tpu.dma_semaphore, #tpu.memory_space<semaphore_mem>>) src(%arg10 : memref<32x768xf32, #tpu.memory_space<vmem>>) dst(%dma_wait3A_158 : memref<32x768xf32, #tpu.memory_space<hbm>>)
      } else {
      }
      %mul3A_77 = arith.constant 80 : i32
      %mul3A_78 = arith.muli %scan3A_36, %mul3A_77 : i32
      %add3A_79 = arith.constant 48 : i32
      %add3A_80 = arith.addi %mul3A_78, %add3A_79 : i32
      %dma_start3A_81 = tpu.memref_slice %arg6[%add3A_80] : memref<2560xi32, #tpu.memory_space<vmem>> -> memref<32xi32, #tpu.memory_space<vmem>>
      %dma_start3A_82 = arith.constant 0 : i32
      %dma_start3A_83 = arith.constant 0 : i32
      %dma_start3A_84 = tpu.memref_slice %arg2[%dma_start3A_82, %dma_start3A_83] : memref<49408x768xf32, #tpu.memory_space<hbm>> -> memref<49408x768xf32, #tpu.memory_space<hbm>>
      tpu.enqueue_indirect_dma source(%dma_start3A_84 : memref<49408x768xf32, #tpu.memory_space<hbm>>) target(%arg10 : memref<32x768xf32, #tpu.memory_space<vmem>>) offsets(%dma_start3A_81 : memref<32xi32, #tpu.memory_space<vmem>>) semaphore(%arg13 : memref<!tpu.dma_semaphore, #tpu.memory_space<semaphore_mem>>)
      %mul3A_85 = arith.constant 80 : i32
      %mul3A_86 = arith.muli %scan3A_36, %mul3A_85 : i32
      %add3A_87 = arith.constant 24 : i32
      %add3A_88 = arith.addi %mul3A_86, %add3A_87 : i32
      %dma_wait3A_89 = tpu.memref_slice %arg6[%add3A_88] : memref<2560xi32, #tpu.memory_space<vmem>> -> memref<24xi32, #tpu.memory_space<vmem>>
      %dma_wait3A_90 = arith.constant 0 : i32
      %dma_wait3A_91 = arith.constant 0 : i32
      %dma_wait3A_92 = tpu.memref_slice %arg2[%dma_wait3A_90, %dma_wait3A_91] : memref<49408x768xf32, #tpu.memory_space<hbm>> -> memref<49408x768xf32, #tpu.memory_space<hbm>>
      tpu.wait_indirect_dma semaphore(%arg12 : memref<!tpu.dma_semaphore, #tpu.memory_space<semaphore_mem>>) src(%dma_wait3A_92 : memref<49408x768xf32, #tpu.memory_space<hbm>>) dst(%arg9 : memref<24x768xf32, #tpu.memory_space<vmem>>)
      %scan3A_93 = arith.constant 0 : i32
      %scan3A_94 = arith.constant 0 : i32
      %scan3A_95 = arith.constant 24 : i32
      %scan3A_96 = arith.addi %scan3A_94, %scan3A_95 : i32
      %scan3A_97 = arith.constant 1 : i32
      %scan3A_98 = scf.for %scan3A_149 = %scan3A_94 to %scan3A_96 step %scan3A_97 iter_args(%scan3A_150 = %scan3A_93) -> (i32)  : i32 {
        %add3A_151 = arith.constant 24 : i32
        %add3A_152 = arith.addi %add3A_151, %scan3A_149 : i32
        %get3A = arith.index_cast %add3A_152 : i32 to index
        %get3A_153 = arith.constant 0 : index
        %get3A_154 = tpu.vector_load %arg7[%get3A, %get3A_153] {strides = array<i32>} : memref<80x768xf32, #tpu.memory_space<vmem>>, vector<1x16xf32>,
        %get3A_155 = vector.shape_cast %get3A_154 : vector<1x16xf32> to vector<16xf32>
        %add3A_156 = arith.constant 24 : i32
        %add3A_157 = arith.addi %add3A_156, %scan3A_149 : i32
        %get3A_158 = arith.index_cast %add3A_157 : i32 to index
        %get3A_159 = arith.constant 16 : index
        %get3A_160 = tpu.vector_load %arg7[%get3A_158, %get3A_159] {strides = array<i32>} : memref<80x768xf32, #tpu.memory_space<vmem>>, vector<1x16xf32>,
        %get3A_161 = vector.shape_cast %get3A_160 : vector<1x16xf32> to vector<16xf32>
        %add3A_162 = arith.constant 24 : i32
        %add3A_163 = arith.addi %add3A_162, %scan3A_149 : i32
        %get3A_164 = arith.index_cast %add3A_163 : i32 to index
        %get3A_165 = arith.constant 32 : index
        %get3A_166 = tpu.vector_load %arg7[%get3A_164, %get3A_165] {strides = array<i32>} : memref<80x768xf32, #tpu.memory_space<vmem>>, vector<1x16xf32>,
        %get3A_167 = vector.shape_cast %get3A_166 : vector<1x16xf32> to vector<16xf32>
        %add3A_168 = arith.constant 24 : i32
        %add3A_169 = arith.addi %add3A_168, %scan3A_149 : i32
        %get3A_170 = arith.index_cast %add3A_169 : i32 to index
        %get3A_171 = arith.constant 48 : index
        %get3A_172 = tpu.vector_load %arg7[%get3A_170, %get3A_171] {strides = array<i32>} : memref<80x768xf32, #tpu.memory_space<vmem>>, vector<1x16xf32>,
        %get3A_173 = vector.shape_cast %get3A_172 : vector<1x16xf32> to vector<16xf32>
        %add3A_174 = arith.constant 24 : i32
        %add3A_175 = arith.addi %add3A_174, %scan3A_149 : i32
        %get3A_176 = arith.index_cast %add3A_175 : i32 to index
        %get3A_177 = arith.constant 64 : index
        %get3A_178 = tpu.vector_load %arg7[%get3A_176, %get3A_177] {strides = array<i32>} : memref<80x768xf32, #tpu.memory_space<vmem>>, vector<1x16xf32>,
        %get3A_179 = vector.shape_cast %get3A_178 : vector<1x16xf32> to vector<16xf32>
        %add3A_180 = arith.constant 24 : i32
        %add3A_181 = arith.addi %add3A_180, %scan3A_149 : i32
        %get3A_182 = arith.index_cast %add3A_181 : i32 to index
        %get3A_183 = arith.constant 80 : index
        %get3A_184 = tpu.vector_load %arg7[%get3A_182, %get3A_183] {strides = array<i32>} : memref<80x768xf32, #tpu.memory_space<vmem>>, vector<1x16xf32>,
        %get3A_185 = vector.shape_cast %get3A_184 : vector<1x16xf32> to vector<16xf32>
        %add3A_186 = arith.constant 24 : i32
        %add3A_187 = arith.addi %add3A_186, %scan3A_149 : i32
        %get3A_188 = arith.index_cast %add3A_187 : i32 to index
        %get3A_189 = arith.constant 96 : index
        %get3A_190 = tpu.vector_load %arg7[%get3A_188, %get3A_189] {strides = array<i32>} : memref<80x768xf32, #tpu.memory_space<vmem>>, vector<1x16xf32>,
        %get3A_191 = vector.shape_cast %get3A_190 : vector<1x16xf32> to vector<16xf32>
        %add3A_192 = arith.constant 24 : i32
        %add3A_193 = arith.addi %add3A_192, %scan3A_149 : i32
        %get3A_194 = arith.index_cast %add3A_193 : i32 to index
        %get3A_195 = arith.constant 112 : index
        %get3A_196 = tpu.vector_load %arg7[%get3A_194, %get3A_195] {strides = array<i32>} : memref<80x768xf32, #tpu.memory_space<vmem>>, vector<1x16xf32>,
        %get3A_197 = vector.shape_cast %get3A_196 : vector<1x16xf32> to vector<16xf32>
        %add3A_198 = arith.constant 24 : i32
        %add3A_199 = arith.addi %add3A_198, %scan3A_149 : i32
        %get3A_200 = arith.index_cast %add3A_199 : i32 to index
        %get3A_201 = arith.constant 128 : index
        %get3A_202 = tpu.vector_load %arg7[%get3A_200, %get3A_201] {strides = array<i32>} : memref<80x768xf32, #tpu.memory_space<vmem>>, vector<1x16xf32>,
        %get3A_203 = vector.shape_cast %get3A_202 : vector<1x16xf32> to vector<16xf32>
        %add3A_204 = arith.constant 24 : i32
        %add3A_205 = arith.addi %add3A_204, %scan3A_149 : i32
        %get3A_206 = arith.index_cast %add3A_205 : i32 to index
        %get3A_207 = arith.constant 144 : index
        %get3A_208 = tpu.vector_load %arg7[%get3A_206, %get3A_207] {strides = array<i32>} : memref<80x768xf32, #tpu.memory_space<vmem>>, vector<1x16xf32>,
        %get3A_209 = vector.shape_cast %get3A_208 : vector<1x16xf32> to vector<16xf32>
        %add3A_210 = arith.constant 24 : i32
        %add3A_211 = arith.addi %add3A_210, %scan3A_149 : i32
        %get3A_212 = arith.index_cast %add3A_211 : i32 to index
        %get3A_213 = arith.constant 160 : index
        %get3A_214 = tpu.vector_load %arg7[%get3A_212, %get3A_213] {strides = array<i32>} : memref<80x768xf32, #tpu.memory_space<vmem>>, vector<1x16xf32>,
        %get3A_215 = vector.shape_cast %get3A_214 : vector<1x16xf32> to vector<16xf32>
        %add3A_216 = arith.constant 24 : i32
        %add3A_217 = arith.addi %add3A_216, %scan3A_149 : i32
        %get3A_218 = arith.index_cast %add3A_217 : i32 to index
        %get3A_219 = arith.constant 176 : index
        %get3A_220 = tpu.vector_load %arg7[%get3A_218, %get3A_219] {strides = array<i32>} : memref<80x768xf32, #tpu.memory_space<vmem>>, vector<1x16xf32>,
        %get3A_221 = vector.shape_cast %get3A_220 : vector<1x16xf32> to vector<16xf32>
        %add3A_222 = arith.constant 24 : i32
        %add3A_223 = arith.addi %add3A_222, %scan3A_149 : i32
        %get3A_224 = arith.index_cast %add3A_223 : i32 to index
        %get3A_225 = arith.constant 192 : index
        %get3A_226 = tpu.vector_load %arg7[%get3A_224, %get3A_225] {strides = array<i32>} : memref<80x768xf32, #tpu.memory_space<vmem>>, vector<1x16xf32>,
        %get3A_227 = vector.shape_cast %get3A_226 : vector<1x16xf32> to vector<16xf32>
        %add3A_228 = arith.constant 24 : i32
        %add3A_229 = arith.addi %add3A_228, %scan3A_149 : i32
        %get3A_230 = arith.index_cast %add3A_229 : i32 to index
        %get3A_231 = arith.constant 208 : index
        %get3A_232 = tpu.vector_load %arg7[%get3A_230, %get3A_231] {strides = array<i32>} : memref<80x768xf32, #tpu.memory_space<vmem>>, vector<1x16xf32>,
        %get3A_233 = vector.shape_cast %get3A_232 : vector<1x16xf32> to vector<16xf32>
        %add3A_234 = arith.constant 24 : i32
        %add3A_235 = arith.addi %add3A_234, %scan3A_149 : i32
        %get3A_236 = arith.index_cast %add3A_235 : i32 to index
        %get3A_237 = arith.constant 224 : index
        %get3A_238 = tpu.vector_load %arg7[%get3A_236, %get3A_237] {strides = array<i32>} : memref<80x768xf32, #tpu.memory_space<vmem>>, vector<1x16xf32>,
        %get3A_239 = vector.shape_cast %get3A_238 : vector<1x16xf32> to vector<16xf32>
        %add3A_240 = arith.constant 24 : i32
        %add3A_241 = arith.addi %add3A_240, %scan3A_149 : i32
        %get3A_242 = arith.index_cast %add3A_241 : i32 to index
        %get3A_243 = arith.constant 240 : index
        %get3A_244 = tpu.vector_load %arg7[%get3A_242, %get3A_243] {strides = array<i32>} : memref<80x768xf32, #tpu.memory_space<vmem>>, vector<1x16xf32>,
        %get3A_245 = vector.shape_cast %get3A_244 : vector<1x16xf32> to vector<16xf32>
        %swap3A = arith.index_cast %scan3A_149 : i32 to index
        %swap3A_246 = arith.constant 0 : index
        %swap3A_247 = tpu.vector_load %arg9[%swap3A, %swap3A_246] {strides = array<i32>} : memref<24x768xf32, #tpu.memory_space<vmem>>, vector<1x16xf32>,
        %swap3A_248 = vector.shape_cast %swap3A_247 : vector<1x16xf32> to vector<16xf32>
        %swap3A_249 = vector.shape_cast %get3A_155 : vector<16xf32> to vector<1x16xf32>
        tpu.vector_store %arg9[%swap3A, %swap3A_246], %swap3A_249 {add = true, strides = array<i32>} : memref<24x768xf32, #tpu.memory_space<vmem>>, vector<1x16xf32>,
        %swap3A_250 = arith.index_cast %scan3A_149 : i32 to index
        %swap3A_251 = arith.constant 16 : index
        %swap3A_252 = tpu.vector_load %arg9[%swap3A_250, %swap3A_251] {strides = array<i32>} : memref<24x768xf32, #tpu.memory_space<vmem>>, vector<1x16xf32>,
        %swap3A_253 = vector.shape_cast %swap3A_252 : vector<1x16xf32> to vector<16xf32>
        %swap3A_254 = vector.shape_cast %get3A_161 : vector<16xf32> to vector<1x16xf32>
        tpu.vector_store %arg9[%swap3A_250, %swap3A_251], %swap3A_254 {add = true, strides = array<i32>} : memref<24x768xf32, #tpu.memory_space<vmem>>, vector<1x16xf32>,
        %swap3A_255 = arith.index_cast %scan3A_149 : i32 to index
        %swap3A_256 = arith.constant 32 : index
        %swap3A_257 = tpu.vector_load %arg9[%swap3A_255, %swap3A_256] {strides = array<i32>} : memref<24x768xf32, #tpu.memory_space<vmem>>, vector<1x16xf32>,
        %swap3A_258 = vector.shape_cast %swap3A_257 : vector<1x16xf32> to vector<16xf32>
        %swap3A_259 = vector.shape_cast %get3A_167 : vector<16xf32> to vector<1x16xf32>
        tpu.vector_store %arg9[%swap3A_255, %swap3A_256], %swap3A_259 {add = true, strides = array<i32>} : memref<24x768xf32, #tpu.memory_space<vmem>>, vector<1x16xf32>,
        %swap3A_260 = arith.index_cast %scan3A_149 : i32 to index
        %swap3A_261 = arith.constant 48 : index
        %swap3A_262 = tpu.vector_load %arg9[%swap3A_260, %swap3A_261] {strides = array<i32>} : memref<24x768xf32, #tpu.memory_space<vmem>>, vector<1x16xf32>,
        %swap3A_263 = vector.shape_cast %swap3A_262 : vector<1x16xf32> to vector<16xf32>
        %swap3A_264 = vector.shape_cast %get3A_173 : vector<16xf32> to vector<1x16xf32>
        tpu.vector_store %arg9[%swap3A_260, %swap3A_261], %swap3A_264 {add = true, strides = array<i32>} : memref<24x768xf32, #tpu.memory_space<vmem>>, vector<1x16xf32>,
        %swap3A_265 = arith.index_cast %scan3A_149 : i32 to index
        %swap3A_266 = arith.constant 64 : index
        %swap3A_267 = tpu.vector_load %arg9[%swap3A_265, %swap3A_266] {strides = array<i32>} : memref<24x768xf32, #tpu.memory_space<vmem>>, vector<1x16xf32>,
        %swap3A_268 = vector.shape_cast %swap3A_267 : vector<1x16xf32> to vector<16xf32>
        %swap3A_269 = vector.shape_cast %get3A_179 : vector<16xf32> to vector<1x16xf32>
        tpu.vector_store %arg9[%swap3A_265, %swap3A_266], %swap3A_269 {add = true, strides = array<i32>} : memref<24x768xf32, #tpu.memory_space<vmem>>, vector<1x16xf32>,
        %swap3A_270 = arith.index_cast %scan3A_149 : i32 to index
        %swap3A_271 = arith.constant 80 : index
        %swap3A_272 = tpu.vector_load %arg9[%swap3A_270, %swap3A_271] {strides = array<i32>} : memref<24x768xf32, #tpu.memory_space<vmem>>, vector<1x16xf32>,
        %swap3A_273 = vector.shape_cast %swap3A_272 : vector<1x16xf32> to vector<16xf32>
        %swap3A_274 = vector.shape_cast %get3A_185 : vector<16xf32> to vector<1x16xf32>
        tpu.vector_store %arg9[%swap3A_270, %swap3A_271], %swap3A_274 {add = true, strides = array<i32>} : memref<24x768xf32, #tpu.memory_space<vmem>>, vector<1x16xf32>,
        %swap3A_275 = arith.index_cast %scan3A_149 : i32 to index
        %swap3A_276 = arith.constant 96 : index
        %swap3A_277 = tpu.vector_load %arg9[%swap3A_275, %swap3A_276] {strides = array<i32>} : memref<24x768xf32, #tpu.memory_space<vmem>>, vector<1x16xf32>,
        %swap3A_278 = vector.shape_cast %swap3A_277 : vector<1x16xf32> to vector<16xf32>
        %swap3A_279 = vector.shape_cast %get3A_191 : vector<16xf32> to vector<1x16xf32>
        tpu.vector_store %arg9[%swap3A_275, %swap3A_276], %swap3A_279 {add = true, strides = array<i32>} : memref<24x768xf32, #tpu.memory_space<vmem>>, vector<1x16xf32>,
        %swap3A_280 = arith.index_cast %scan3A_149 : i32 to index
        %swap3A_281 = arith.constant 112 : index
        %swap3A_282 = tpu.vector_load %arg9[%swap3A_280, %swap3A_281] {strides = array<i32>} : memref<24x768xf32, #tpu.memory_space<vmem>>, vector<1x16xf32>,
        %swap3A_283 = vector.shape_cast %swap3A_282 : vector<1x16xf32> to vector<16xf32>
        %swap3A_284 = vector.shape_cast %get3A_197 : vector<16xf32> to vector<1x16xf32>
        tpu.vector_store %arg9[%swap3A_280, %swap3A_281], %swap3A_284 {add = true, strides = array<i32>} : memref<24x768xf32, #tpu.memory_space<vmem>>, vector<1x16xf32>,
        %swap3A_285 = arith.index_cast %scan3A_149 : i32 to index
        %swap3A_286 = arith.constant 128 : index
        %swap3A_287 = tpu.vector_load %arg9[%swap3A_285, %swap3A_286] {strides = array<i32>} : memref<24x768xf32, #tpu.memory_space<vmem>>, vector<1x16xf32>,
        %swap3A_288 = vector.shape_cast %swap3A_287 : vector<1x16xf32> to vector<16xf32>
        %swap3A_289 = vector.shape_cast %get3A_203 : vector<16xf32> to vector<1x16xf32>
        tpu.vector_store %arg9[%swap3A_285, %swap3A_286], %swap3A_289 {add = true, strides = array<i32>} : memref<24x768xf32, #tpu.memory_space<vmem>>, vector<1x16xf32>,
        %swap3A_290 = arith.index_cast %scan3A_149 : i32 to index
        %swap3A_291 = arith.constant 144 : index
        %swap3A_292 = tpu.vector_load %arg9[%swap3A_290, %swap3A_291] {strides = array<i32>} : memref<24x768xf32, #tpu.memory_space<vmem>>, vector<1x16xf32>,
        %swap3A_293 = vector.shape_cast %swap3A_292 : vector<1x16xf32> to vector<16xf32>
        %swap3A_294 = vector.shape_cast %get3A_209 : vector<16xf32> to vector<1x16xf32>
        tpu.vector_store %arg9[%swap3A_290, %swap3A_291], %swap3A_294 {add = true, strides = array<i32>} : memref<24x768xf32, #tpu.memory_space<vmem>>, vector<1x16xf32>,
        %swap3A_295 = arith.index_cast %scan3A_149 : i32 to index
        %swap3A_296 = arith.constant 160 : index
        %swap3A_297 = tpu.vector_load %arg9[%swap3A_295, %swap3A_296] {strides = array<i32>} : memref<24x768xf32, #tpu.memory_space<vmem>>, vector<1x16xf32>,
        %swap3A_298 = vector.shape_cast %swap3A_297 : vector<1x16xf32> to vector<16xf32>
        %swap3A_299 = vector.shape_cast %get3A_215 : vector<16xf32> to vector<1x16xf32>
        tpu.vector_store %arg9[%swap3A_295, %swap3A_296], %swap3A_299 {add = true, strides = array<i32>} : memref<24x768xf32, #tpu.memory_space<vmem>>, vector<1x16xf32>,
        %swap3A_300 = arith.index_cast %scan3A_149 : i32 to index
        %swap3A_301 = arith.constant 176 : index
        %swap3A_302 = tpu.vector_load %arg9[%swap3A_300, %swap3A_301] {strides = array<i32>} : memref<24x768xf32, #tpu.memory_space<vmem>>, vector<1x16xf32>,
        %swap3A_303 = vector.shape_cast %swap3A_302 : vector<1x16xf32> to vector<16xf32>
        %swap3A_304 = vector.shape_cast %get3A_221 : vector<16xf32> to vector<1x16xf32>
        tpu.vector_store %arg9[%swap3A_300, %swap3A_301], %swap3A_304 {add = true, strides = array<i32>} : memref<24x768xf32, #tpu.memory_space<vmem>>, vector<1x16xf32>,
        %swap3A_305 = arith.index_cast %scan3A_149 : i32 to index
        %swap3A_306 = arith.constant 192 : index
        %swap3A_307 = tpu.vector_load %arg9[%swap3A_305, %swap3A_306] {strides = array<i32>} : memref<24x768xf32, #tpu.memory_space<vmem>>, vector<1x16xf32>,
        %swap3A_308 = vector.shape_cast %swap3A_307 : vector<1x16xf32> to vector<16xf32>
        %swap3A_309 = vector.shape_cast %get3A_227 : vector<16xf32> to vector<1x16xf32>
        tpu.vector_store %arg9[%swap3A_305, %swap3A_306], %swap3A_309 {add = true, strides = array<i32>} : memref<24x768xf32, #tpu.memory_space<vmem>>, vector<1x16xf32>,
        %swap3A_310 = arith.index_cast %scan3A_149 : i32 to index
        %swap3A_311 = arith.constant 208 : index
        %swap3A_312 = tpu.vector_load %arg9[%swap3A_310, %swap3A_311] {strides = array<i32>} : memref<24x768xf32, #tpu.memory_space<vmem>>, vector<1x16xf32>,
        %swap3A_313 = vector.shape_cast %swap3A_312 : vector<1x16xf32> to vector<16xf32>
        %swap3A_314 = vector.shape_cast %get3A_233 : vector<16xf32> to vector<1x16xf32>
        tpu.vector_store %arg9[%swap3A_310, %swap3A_311], %swap3A_314 {add = true, strides = array<i32>} : memref<24x768xf32, #tpu.memory_space<vmem>>, vector<1x16xf32>,
        %swap3A_315 = arith.index_cast %scan3A_149 : i32 to index
        %swap3A_316 = arith.constant 224 : index
        %swap3A_317 = tpu.vector_load %arg9[%swap3A_315, %swap3A_316] {strides = array<i32>} : memref<24x768xf32, #tpu.memory_space<vmem>>, vector<1x16xf32>,
        %swap3A_318 = vector.shape_cast %swap3A_317 : vector<1x16xf32> to vector<16xf32>
        %swap3A_319 = vector.shape_cast %get3A_239 : vector<16xf32> to vector<1x16xf32>
        tpu.vector_store %arg9[%swap3A_315, %swap3A_316], %swap3A_319 {add = true, strides = array<i32>} : memref<24x768xf32, #tpu.memory_space<vmem>>, vector<1x16xf32>,
        %swap3A_320 = arith.index_cast %scan3A_149 : i32 to index
        %swap3A_321 = arith.constant 240 : index
        %swap3A_322 = tpu.vector_load %arg9[%swap3A_320, %swap3A_321] {strides = array<i32>} : memref<24x768xf32, #tpu.memory_space<vmem>>, vector<1x16xf32>,
        %swap3A_323 = vector.shape_cast %swap3A_322 : vector<1x16xf32> to vector<16xf32>
        %swap3A_324 = vector.shape_cast %get3A_245 : vector<16xf32> to vector<1x16xf32>
        tpu.vector_store %arg9[%swap3A_320, %swap3A_321], %swap3A_324 {add = true, strides = array<i32>} : memref<24x768xf32, #tpu.memory_space<vmem>>, vector<1x16xf32>,
        %add3A_325 = arith.constant 24 : i32
        %add3A_326 = arith.addi %add3A_325, %scan3A_149 : i32
        %get3A_327 = arith.index_cast %add3A_326 : i32 to index
        %get3A_328 = arith.constant 256 : index
        %get3A_329 = tpu.vector_load %arg7[%get3A_327, %get3A_328] {strides = array<i32>} : memref<80x768xf32, #tpu.memory_space<vmem>>, vector<1x16xf32>,
        %get3A_330 = vector.shape_cast %get3A_329 : vector<1x16xf32> to vector<16xf32>
        %add3A_331 = arith.constant 24 : i32
        %add3A_332 = arith.addi %add3A_331, %scan3A_149 : i32
        %get3A_333 = arith.index_cast %add3A_332 : i32 to index
        %get3A_334 = arith.constant 272 : index
        %get3A_335 = tpu.vector_load %arg7[%get3A_333, %get3A_334] {strides = array<i32>} : memref<80x768xf32, #tpu.memory_space<vmem>>, vector<1x16xf32>,
        %get3A_336 = vector.shape_cast %get3A_335 : vector<1x16xf32> to vector<16xf32>
        %add3A_337 = arith.constant 24 : i32
        %add3A_338 = arith.addi %add3A_337, %scan3A_149 : i32
        %get3A_339 = arith.index_cast %add3A_338 : i32 to index
        %get3A_340 = arith.constant 288 : index
        %get3A_341 = tpu.vector_load %arg7[%get3A_339, %get3A_340] {strides = array<i32>} : memref<80x768xf32, #tpu.memory_space<vmem>>, vector<1x16xf32>,
        %get3A_342 = vector.shape_cast %get3A_341 : vector<1x16xf32> to vector<16xf32>
        %add3A_343 = arith.constant 24 : i32
        %add3A_344 = arith.addi %add3A_343, %scan3A_149 : i32
        %get3A_345 = arith.index_cast %add3A_344 : i32 to index
        %get3A_346 = arith.constant 304 : index
        %get3A_347 = tpu.vector_load %arg7[%get3A_345, %get3A_346] {strides = array<i32>} : memref<80x768xf32, #tpu.memory_space<vmem>>, vector<1x16xf32>,
        %get3A_348 = vector.shape_cast %get3A_347 : vector<1x16xf32> to vector<16xf32>
        %add3A_349 = arith.constant 24 : i32
        %add3A_350 = arith.addi %add3A_349, %scan3A_149 : i32
        %get3A_351 = arith.index_cast %add3A_350 : i32 to index
        %get3A_352 = arith.constant 320 : index
        %get3A_353 = tpu.vector_load %arg7[%get3A_351, %get3A_352] {strides = array<i32>} : memref<80x768xf32, #tpu.memory_space<vmem>>, vector<1x16xf32>,
        %get3A_354 = vector.shape_cast %get3A_353 : vector<1x16xf32> to vector<16xf32>
        %add3A_355 = arith.constant 24 : i32
        %add3A_356 = arith.addi %add3A_355, %scan3A_149 : i32
        %get3A_357 = arith.index_cast %add3A_356 : i32 to index
        %get3A_358 = arith.constant 336 : index
        %get3A_359 = tpu.vector_load %arg7[%get3A_357, %get3A_358] {strides = array<i32>} : memref<80x768xf32, #tpu.memory_space<vmem>>, vector<1x16xf32>,
        %get3A_360 = vector.shape_cast %get3A_359 : vector<1x16xf32> to vector<16xf32>
        %add3A_361 = arith.constant 24 : i32
        %add3A_362 = arith.addi %add3A_361, %scan3A_149 : i32
        %get3A_363 = arith.index_cast %add3A_362 : i32 to index
        %get3A_364 = arith.constant 352 : index
        %get3A_365 = tpu.vector_load %arg7[%get3A_363, %get3A_364] {strides = array<i32>} : memref<80x768xf32, #tpu.memory_space<vmem>>, vector<1x16xf32>,
        %get3A_366 = vector.shape_cast %get3A_365 : vector<1x16xf32> to vector<16xf32>
        %add3A_367 = arith.constant 24 : i32
        %add3A_368 = arith.addi %add3A_367, %scan3A_149 : i32
        %get3A_369 = arith.index_cast %add3A_368 : i32 to index
        %get3A_370 = arith.constant 368 : index
        %get3A_371 = tpu.vector_load %arg7[%get3A_369, %get3A_370] {strides = array<i32>} : memref<80x768xf32, #tpu.memory_space<vmem>>, vector<1x16xf32>,
        %get3A_372 = vector.shape_cast %get3A_371 : vector<1x16xf32> to vector<16xf32>
        %add3A_373 = arith.constant 24 : i32
        %add3A_374 = arith.addi %add3A_373, %scan3A_149 : i32
        %get3A_375 = arith.index_cast %add3A_374 : i32 to index
        %get3A_376 = arith.constant 384 : index
        %get3A_377 = tpu.vector_load %arg7[%get3A_375, %get3A_376] {strides = array<i32>} : memref<80x768xf32, #tpu.memory_space<vmem>>, vector<1x16xf32>,
        %get3A_378 = vector.shape_cast %get3A_377 : vector<1x16xf32> to vector<16xf32>
        %add3A_379 = arith.constant 24 : i32
        %add3A_380 = arith.addi %add3A_379, %scan3A_149 : i32
        %get3A_381 = arith.index_cast %add3A_380 : i32 to index
        %get3A_382 = arith.constant 400 : index
        %get3A_383 = tpu.vector_load %arg7[%get3A_381, %get3A_382] {strides = array<i32>} : memref<80x768xf32, #tpu.memory_space<vmem>>, vector<1x16xf32>,
        %get3A_384 = vector.shape_cast %get3A_383 : vector<1x16xf32> to vector<16xf32>
        %add3A_385 = arith.constant 24 : i32
        %add3A_386 = arith.addi %add3A_385, %scan3A_149 : i32
        %get3A_387 = arith.index_cast %add3A_386 : i32 to index
        %get3A_388 = arith.constant 416 : index
        %get3A_389 = tpu.vector_load %arg7[%get3A_387, %get3A_388] {strides = array<i32>} : memref<80x768xf32, #tpu.memory_space<vmem>>, vector<1x16xf32>,
        %get3A_390 = vector.shape_cast %get3A_389 : vector<1x16xf32> to vector<16xf32>
        %add3A_391 = arith.constant 24 : i32
        %add3A_392 = arith.addi %add3A_391, %scan3A_149 : i32
        %get3A_393 = arith.index_cast %add3A_392 : i32 to index
        %get3A_394 = arith.constant 432 : index
        %get3A_395 = tpu.vector_load %arg7[%get3A_393, %get3A_394] {strides = array<i32>} : memref<80x768xf32, #tpu.memory_space<vmem>>, vector<1x16xf32>,
        %get3A_396 = vector.shape_cast %get3A_395 : vector<1x16xf32> to vector<16xf32>
        %add3A_397 = arith.constant 24 : i32
        %add3A_398 = arith.addi %add3A_397, %scan3A_149 : i32
        %get3A_399 = arith.index_cast %add3A_398 : i32 to index
        %get3A_400 = arith.constant 448 : index
        %get3A_401 = tpu.vector_load %arg7[%get3A_399, %get3A_400] {strides = array<i32>} : memref<80x768xf32, #tpu.memory_space<vmem>>, vector<1x16xf32>,
        %get3A_402 = vector.shape_cast %get3A_401 : vector<1x16xf32> to vector<16xf32>
        %add3A_403 = arith.constant 24 : i32
        %add3A_404 = arith.addi %add3A_403, %scan3A_149 : i32
        %get3A_405 = arith.index_cast %add3A_404 : i32 to index
        %get3A_406 = arith.constant 464 : index
        %get3A_407 = tpu.vector_load %arg7[%get3A_405, %get3A_406] {strides = array<i32>} : memref<80x768xf32, #tpu.memory_space<vmem>>, vector<1x16xf32>,
        %get3A_408 = vector.shape_cast %get3A_407 : vector<1x16xf32> to vector<16xf32>
        %add3A_409 = arith.constant 24 : i32
        %add3A_410 = arith.addi %add3A_409, %scan3A_149 : i32
        %get3A_411 = arith.index_cast %add3A_410 : i32 to index
        %get3A_412 = arith.constant 480 : index
        %get3A_413 = tpu.vector_load %arg7[%get3A_411, %get3A_412] {strides = array<i32>} : memref<80x768xf32, #tpu.memory_space<vmem>>, vector<1x16xf32>,
        %get3A_414 = vector.shape_cast %get3A_413 : vector<1x16xf32> to vector<16xf32>
        %add3A_415 = arith.constant 24 : i32
        %add3A_416 = arith.addi %add3A_415, %scan3A_149 : i32
        %get3A_417 = arith.index_cast %add3A_416 : i32 to index
        %get3A_418 = arith.constant 496 : index
        %get3A_419 = tpu.vector_load %arg7[%get3A_417, %get3A_418] {strides = array<i32>} : memref<80x768xf32, #tpu.memory_space<vmem>>, vector<1x16xf32>,
        %get3A_420 = vector.shape_cast %get3A_419 : vector<1x16xf32> to vector<16xf32>
        %swap3A_421 = arith.index_cast %scan3A_149 : i32 to index
        %swap3A_422 = arith.constant 256 : index
        %swap3A_423 = tpu.vector_load %arg9[%swap3A_421, %swap3A_422] {strides = array<i32>} : memref<24x768xf32, #tpu.memory_space<vmem>>, vector<1x16xf32>,
        %swap3A_424 = vector.shape_cast %swap3A_423 : vector<1x16xf32> to vector<16xf32>
        %swap3A_425 = vector.shape_cast %get3A_330 : vector<16xf32> to vector<1x16xf32>
        tpu.vector_store %arg9[%swap3A_421, %swap3A_422], %swap3A_425 {add = true, strides = array<i32>} : memref<24x768xf32, #tpu.memory_space<vmem>>, vector<1x16xf32>,
        %swap3A_426 = arith.index_cast %scan3A_149 : i32 to index
        %swap3A_427 = arith.constant 272 : index
        %swap3A_428 = tpu.vector_load %arg9[%swap3A_426, %swap3A_427] {strides = array<i32>} : memref<24x768xf32, #tpu.memory_space<vmem>>, vector<1x16xf32>,
        %swap3A_429 = vector.shape_cast %swap3A_428 : vector<1x16xf32> to vector<16xf32>
        %swap3A_430 = vector.shape_cast %get3A_336 : vector<16xf32> to vector<1x16xf32>
        tpu.vector_store %arg9[%swap3A_426, %swap3A_427], %swap3A_430 {add = true, strides = array<i32>} : memref<24x768xf32, #tpu.memory_space<vmem>>, vector<1x16xf32>,
        %swap3A_431 = arith.index_cast %scan3A_149 : i32 to index
        %swap3A_432 = arith.constant 288 : index
        %swap3A_433 = tpu.vector_load %arg9[%swap3A_431, %swap3A_432] {strides = array<i32>} : memref<24x768xf32, #tpu.memory_space<vmem>>, vector<1x16xf32>,
        %swap3A_434 = vector.shape_cast %swap3A_433 : vector<1x16xf32> to vector<16xf32>
        %swap3A_435 = vector.shape_cast %get3A_342 : vector<16xf32> to vector<1x16xf32>
        tpu.vector_store %arg9[%swap3A_431, %swap3A_432], %swap3A_435 {add = true, strides = array<i32>} : memref<24x768xf32, #tpu.memory_space<vmem>>, vector<1x16xf32>,
        %swap3A_436 = arith.index_cast %scan3A_149 : i32 to index
        %swap3A_437 = arith.constant 304 : index
        %swap3A_438 = tpu.vector_load %arg9[%swap3A_436, %swap3A_437] {strides = array<i32>} : memref<24x768xf32, #tpu.memory_space<vmem>>, vector<1x16xf32>,
        %swap3A_439 = vector.shape_cast %swap3A_438 : vector<1x16xf32> to vector<16xf32>
        %swap3A_440 = vector.shape_cast %get3A_348 : vector<16xf32> to vector<1x16xf32>
        tpu.vector_store %arg9[%swap3A_436, %swap3A_437], %swap3A_440 {add = true, strides = array<i32>} : memref<24x768xf32, #tpu.memory_space<vmem>>, vector<1x16xf32>,
        %swap3A_441 = arith.index_cast %scan3A_149 : i32 to index
        %swap3A_442 = arith.constant 320 : index
        %swap3A_443 = tpu.vector_load %arg9[%swap3A_441, %swap3A_442] {strides = array<i32>} : memref<24x768xf32, #tpu.memory_space<vmem>>, vector<1x16xf32>,
        %swap3A_444 = vector.shape_cast %swap3A_443 : vector<1x16xf32> to vector<16xf32>
        %swap3A_445 = vector.shape_cast %get3A_354 : vector<16xf32> to vector<1x16xf32>
        tpu.vector_store %arg9[%swap3A_441, %swap3A_442], %swap3A_445 {add = true, strides = array<i32>} : memref<24x768xf32, #tpu.memory_space<vmem>>, vector<1x16xf32>,
        %swap3A_446 = arith.index_cast %scan3A_149 : i32 to index
        %swap3A_447 = arith.constant 336 : index
        %swap3A_448 = tpu.vector_load %arg9[%swap3A_446, %swap3A_447] {strides = array<i32>} : memref<24x768xf32, #tpu.memory_space<vmem>>, vector<1x16xf32>,
        %swap3A_449 = vector.shape_cast %swap3A_448 : vector<1x16xf32> to vector<16xf32>
        %swap3A_450 = vector.shape_cast %get3A_360 : vector<16xf32> to vector<1x16xf32>
        tpu.vector_store %arg9[%swap3A_446, %swap3A_447], %swap3A_450 {add = true, strides = array<i32>} : memref<24x768xf32, #tpu.memory_space<vmem>>, vector<1x16xf32>,
        %swap3A_451 = arith.index_cast %scan3A_149 : i32 to index
        %swap3A_452 = arith.constant 352 : index
        %swap3A_453 = tpu.vector_load %arg9[%swap3A_451, %swap3A_452] {strides = array<i32>} : memref<24x768xf32, #tpu.memory_space<vmem>>, vector<1x16xf32>,
        %swap3A_454 = vector.shape_cast %swap3A_453 : vector<1x16xf32> to vector<16xf32>
        %swap3A_455 = vector.shape_cast %get3A_366 : vector<16xf32> to vector<1x16xf32>
        tpu.vector_store %arg9[%swap3A_451, %swap3A_452], %swap3A_455 {add = true, strides = array<i32>} : memref<24x768xf32, #tpu.memory_space<vmem>>, vector<1x16xf32>,
        %swap3A_456 = arith.index_cast %scan3A_149 : i32 to index
        %swap3A_457 = arith.constant 368 : index
        %swap3A_458 = tpu.vector_load %arg9[%swap3A_456, %swap3A_457] {strides = array<i32>} : memref<24x768xf32, #tpu.memory_space<vmem>>, vector<1x16xf32>,
        %swap3A_459 = vector.shape_cast %swap3A_458 : vector<1x16xf32> to vector<16xf32>
        %swap3A_460 = vector.shape_cast %get3A_372 : vector<16xf32> to vector<1x16xf32>
        tpu.vector_store %arg9[%swap3A_456, %swap3A_457], %swap3A_460 {add = true, strides = array<i32>} : memref<24x768xf32, #tpu.memory_space<vmem>>, vector<1x16xf32>,
        %swap3A_461 = arith.index_cast %scan3A_149 : i32 to index
        %swap3A_462 = arith.constant 384 : index
        %swap3A_463 = tpu.vector_load %arg9[%swap3A_461, %swap3A_462] {strides = array<i32>} : memref<24x768xf32, #tpu.memory_space<vmem>>, vector<1x16xf32>,
        %swap3A_464 = vector.shape_cast %swap3A_463 : vector<1x16xf32> to vector<16xf32>
        %swap3A_465 = vector.shape_cast %get3A_378 : vector<16xf32> to vector<1x16xf32>
        tpu.vector_store %arg9[%swap3A_461, %swap3A_462], %swap3A_465 {add = true, strides = array<i32>} : memref<24x768xf32, #tpu.memory_space<vmem>>, vector<1x16xf32>,
        %swap3A_466 = arith.index_cast %scan3A_149 : i32 to index
        %swap3A_467 = arith.constant 400 : index
        %swap3A_468 = tpu.vector_load %arg9[%swap3A_466, %swap3A_467] {strides = array<i32>} : memref<24x768xf32, #tpu.memory_space<vmem>>, vector<1x16xf32>,
        %swap3A_469 = vector.shape_cast %swap3A_468 : vector<1x16xf32> to vector<16xf32>
        %swap3A_470 = vector.shape_cast %get3A_384 : vector<16xf32> to vector<1x16xf32>
        tpu.vector_store %arg9[%swap3A_466, %swap3A_467], %swap3A_470 {add = true, strides = array<i32>} : memref<24x768xf32, #tpu.memory_space<vmem>>, vector<1x16xf32>,
        %swap3A_471 = arith.index_cast %scan3A_149 : i32 to index
        %swap3A_472 = arith.constant 416 : index
        %swap3A_473 = tpu.vector_load %arg9[%swap3A_471, %swap3A_472] {strides = array<i32>} : memref<24x768xf32, #tpu.memory_space<vmem>>, vector<1x16xf32>,
        %swap3A_474 = vector.shape_cast %swap3A_473 : vector<1x16xf32> to vector<16xf32>
        %swap3A_475 = vector.shape_cast %get3A_390 : vector<16xf32> to vector<1x16xf32>
        tpu.vector_store %arg9[%swap3A_471, %swap3A_472], %swap3A_475 {add = true, strides = array<i32>} : memref<24x768xf32, #tpu.memory_space<vmem>>, vector<1x16xf32>,
        %swap3A_476 = arith.index_cast %scan3A_149 : i32 to index
        %swap3A_477 = arith.constant 432 : index
        %swap3A_478 = tpu.vector_load %arg9[%swap3A_476, %swap3A_477] {strides = array<i32>} : memref<24x768xf32, #tpu.memory_space<vmem>>, vector<1x16xf32>,
        %swap3A_479 = vector.shape_cast %swap3A_478 : vector<1x16xf32> to vector<16xf32>
        %swap3A_480 = vector.shape_cast %get3A_396 : vector<16xf32> to vector<1x16xf32>
        tpu.vector_store %arg9[%swap3A_476, %swap3A_477], %swap3A_480 {add = true, strides = array<i32>} : memref<24x768xf32, #tpu.memory_space<vmem>>, vector<1x16xf32>,
        %swap3A_481 = arith.index_cast %scan3A_149 : i32 to index
        %swap3A_482 = arith.constant 448 : index
        %swap3A_483 = tpu.vector_load %arg9[%swap3A_481, %swap3A_482] {strides = array<i32>} : memref<24x768xf32, #tpu.memory_space<vmem>>, vector<1x16xf32>,
        %swap3A_484 = vector.shape_cast %swap3A_483 : vector<1x16xf32> to vector<16xf32>
        %swap3A_485 = vector.shape_cast %get3A_402 : vector<16xf32> to vector<1x16xf32>
        tpu.vector_store %arg9[%swap3A_481, %swap3A_482], %swap3A_485 {add = true, strides = array<i32>} : memref<24x768xf32, #tpu.memory_space<vmem>>, vector<1x16xf32>,
        %swap3A_486 = arith.index_cast %scan3A_149 : i32 to index
        %swap3A_487 = arith.constant 464 : index
        %swap3A_488 = tpu.vector_load %arg9[%swap3A_486, %swap3A_487] {strides = array<i32>} : memref<24x768xf32, #tpu.memory_space<vmem>>, vector<1x16xf32>,
        %swap3A_489 = vector.shape_cast %swap3A_488 : vector<1x16xf32> to vector<16xf32>
        %swap3A_490 = vector.shape_cast %get3A_408 : vector<16xf32> to vector<1x16xf32>
        tpu.vector_store %arg9[%swap3A_486, %swap3A_487], %swap3A_490 {add = true, strides = array<i32>} : memref<24x768xf32, #tpu.memory_space<vmem>>, vector<1x16xf32>,
        %swap3A_491 = arith.index_cast %scan3A_149 : i32 to index
        %swap3A_492 = arith.constant 480 : index
        %swap3A_493 = tpu.vector_load %arg9[%swap3A_491, %swap3A_492] {strides = array<i32>} : memref<24x768xf32, #tpu.memory_space<vmem>>, vector<1x16xf32>,
        %swap3A_494 = vector.shape_cast %swap3A_493 : vector<1x16xf32> to vector<16xf32>
        %swap3A_495 = vector.shape_cast %get3A_414 : vector<16xf32> to vector<1x16xf32>
        tpu.vector_store %arg9[%swap3A_491, %swap3A_492], %swap3A_495 {add = true, strides = array<i32>} : memref<24x768xf32, #tpu.memory_space<vmem>>, vector<1x16xf32>,
        %swap3A_496 = arith.index_cast %scan3A_149 : i32 to index
        %swap3A_497 = arith.constant 496 : index
        %swap3A_498 = tpu.vector_load %arg9[%swap3A_496, %swap3A_497] {strides = array<i32>} : memref<24x768xf32, #tpu.memory_space<vmem>>, vector<1x16xf32>,
        %swap3A_499 = vector.shape_cast %swap3A_498 : vector<1x16xf32> to vector<16xf32>
        %swap3A_500 = vector.shape_cast %get3A_420 : vector<16xf32> to vector<1x16xf32>
        tpu.vector_store %arg9[%swap3A_496, %swap3A_497], %swap3A_500 {add = true, strides = array<i32>} : memref<24x768xf32, #tpu.memory_space<vmem>>, vector<1x16xf32>,
        %add3A_501 = arith.constant 24 : i32
        %add3A_502 = arith.addi %add3A_501, %scan3A_149 : i32
        %get3A_503 = arith.index_cast %add3A_502 : i32 to index
        %get3A_504 = arith.constant 512 : index
        %get3A_505 = tpu.vector_load %arg7[%get3A_503, %get3A_504] {strides = array<i32>} : memref<80x768xf32, #tpu.memory_space<vmem>>, vector<1x16xf32>,
        %get3A_506 = vector.shape_cast %get3A_505 : vector<1x16xf32> to vector<16xf32>
        %add3A_507 = arith.constant 24 : i32
        %add3A_508 = arith.addi %add3A_507, %scan3A_149 : i32
        %get3A_509 = arith.index_cast %add3A_508 : i32 to index
        %get3A_510 = arith.constant 528 : index
        %get3A_511 = tpu.vector_load %arg7[%get3A_509, %get3A_510] {strides = array<i32>} : memref<80x768xf32, #tpu.memory_space<vmem>>, vector<1x16xf32>,
        %get3A_512 = vector.shape_cast %get3A_511 : vector<1x16xf32> to vector<16xf32>
        %add3A_513 = arith.constant 24 : i32
        %add3A_514 = arith.addi %add3A_513, %scan3A_149 : i32
        %get3A_515 = arith.index_cast %add3A_514 : i32 to index
        %get3A_516 = arith.constant 544 : index
        %get3A_517 = tpu.vector_load %arg7[%get3A_515, %get3A_516] {strides = array<i32>} : memref<80x768xf32, #tpu.memory_space<vmem>>, vector<1x16xf32>,
        %get3A_518 = vector.shape_cast %get3A_517 : vector<1x16xf32> to vector<16xf32>
        %add3A_519 = arith.constant 24 : i32
        %add3A_520 = arith.addi %add3A_519, %scan3A_149 : i32
        %get3A_521 = arith.index_cast %add3A_520 : i32 to index
        %get3A_522 = arith.constant 560 : index
        %get3A_523 = tpu.vector_load %arg7[%get3A_521, %get3A_522] {strides = array<i32>} : memref<80x768xf32, #tpu.memory_space<vmem>>, vector<1x16xf32>,
        %get3A_524 = vector.shape_cast %get3A_523 : vector<1x16xf32> to vector<16xf32>
        %add3A_525 = arith.constant 24 : i32
        %add3A_526 = arith.addi %add3A_525, %scan3A_149 : i32
        %get3A_527 = arith.index_cast %add3A_526 : i32 to index
        %get3A_528 = arith.constant 576 : index
        %get3A_529 = tpu.vector_load %arg7[%get3A_527, %get3A_528] {strides = array<i32>} : memref<80x768xf32, #tpu.memory_space<vmem>>, vector<1x16xf32>,
        %get3A_530 = vector.shape_cast %get3A_529 : vector<1x16xf32> to vector<16xf32>
        %add3A_531 = arith.constant 24 : i32
        %add3A_532 = arith.addi %add3A_531, %scan3A_149 : i32
        %get3A_533 = arith.index_cast %add3A_532 : i32 to index
        %get3A_534 = arith.constant 592 : index
        %get3A_535 = tpu.vector_load %arg7[%get3A_533, %get3A_534] {strides = array<i32>} : memref<80x768xf32, #tpu.memory_space<vmem>>, vector<1x16xf32>,
        %get3A_536 = vector.shape_cast %get3A_535 : vector<1x16xf32> to vector<16xf32>
        %add3A_537 = arith.constant 24 : i32
        %add3A_538 = arith.addi %add3A_537, %scan3A_149 : i32
        %get3A_539 = arith.index_cast %add3A_538 : i32 to index
        %get3A_540 = arith.constant 608 : index
        %get3A_541 = tpu.vector_load %arg7[%get3A_539, %get3A_540] {strides = array<i32>} : memref<80x768xf32, #tpu.memory_space<vmem>>, vector<1x16xf32>,
        %get3A_542 = vector.shape_cast %get3A_541 : vector<1x16xf32> to vector<16xf32>
        %add3A_543 = arith.constant 24 : i32
        %add3A_544 = arith.addi %add3A_543, %scan3A_149 : i32
        %get3A_545 = arith.index_cast %add3A_544 : i32 to index
        %get3A_546 = arith.constant 624 : index
        %get3A_547 = tpu.vector_load %arg7[%get3A_545, %get3A_546] {strides = array<i32>} : memref<80x768xf32, #tpu.memory_space<vmem>>, vector<1x16xf32>,
        %get3A_548 = vector.shape_cast %get3A_547 : vector<1x16xf32> to vector<16xf32>
        %add3A_549 = arith.constant 24 : i32
        %add3A_550 = arith.addi %add3A_549, %scan3A_149 : i32
        %get3A_551 = arith.index_cast %add3A_550 : i32 to index
        %get3A_552 = arith.constant 640 : index
        %get3A_553 = tpu.vector_load %arg7[%get3A_551, %get3A_552] {strides = array<i32>} : memref<80x768xf32, #tpu.memory_space<vmem>>, vector<1x16xf32>,
        %get3A_554 = vector.shape_cast %get3A_553 : vector<1x16xf32> to vector<16xf32>
        %add3A_555 = arith.constant 24 : i32
        %add3A_556 = arith.addi %add3A_555, %scan3A_149 : i32
        %get3A_557 = arith.index_cast %add3A_556 : i32 to index
        %get3A_558 = arith.constant 656 : index
        %get3A_559 = tpu.vector_load %arg7[%get3A_557, %get3A_558] {strides = array<i32>} : memref<80x768xf32, #tpu.memory_space<vmem>>, vector<1x16xf32>,
        %get3A_560 = vector.shape_cast %get3A_559 : vector<1x16xf32> to vector<16xf32>
        %add3A_561 = arith.constant 24 : i32
        %add3A_562 = arith.addi %add3A_561, %scan3A_149 : i32
        %get3A_563 = arith.index_cast %add3A_562 : i32 to index
        %get3A_564 = arith.constant 672 : index
        %get3A_565 = tpu.vector_load %arg7[%get3A_563, %get3A_564] {strides = array<i32>} : memref<80x768xf32, #tpu.memory_space<vmem>>, vector<1x16xf32>,
        %get3A_566 = vector.shape_cast %get3A_565 : vector<1x16xf32> to vector<16xf32>
        %add3A_567 = arith.constant 24 : i32
        %add3A_568 = arith.addi %add3A_567, %scan3A_149 : i32
        %get3A_569 = arith.index_cast %add3A_568 : i32 to index
        %get3A_570 = arith.constant 688 : index
        %get3A_571 = tpu.vector_load %arg7[%get3A_569, %get3A_570] {strides = array<i32>} : memref<80x768xf32, #tpu.memory_space<vmem>>, vector<1x16xf32>,
        %get3A_572 = vector.shape_cast %get3A_571 : vector<1x16xf32> to vector<16xf32>
        %add3A_573 = arith.constant 24 : i32
        %add3A_574 = arith.addi %add3A_573, %scan3A_149 : i32
        %get3A_575 = arith.index_cast %add3A_574 : i32 to index
        %get3A_576 = arith.constant 704 : index
        %get3A_577 = tpu.vector_load %arg7[%get3A_575, %get3A_576] {strides = array<i32>} : memref<80x768xf32, #tpu.memory_space<vmem>>, vector<1x16xf32>,
        %get3A_578 = vector.shape_cast %get3A_577 : vector<1x16xf32> to vector<16xf32>
        %add3A_579 = arith.constant 24 : i32
        %add3A_580 = arith.addi %add3A_579, %scan3A_149 : i32
        %get3A_581 = arith.index_cast %add3A_580 : i32 to index
        %get3A_582 = arith.constant 720 : index
        %get3A_583 = tpu.vector_load %arg7[%get3A_581, %get3A_582] {strides = array<i32>} : memref<80x768xf32, #tpu.memory_space<vmem>>, vector<1x16xf32>,
        %get3A_584 = vector.shape_cast %get3A_583 : vector<1x16xf32> to vector<16xf32>
        %add3A_585 = arith.constant 24 : i32
        %add3A_586 = arith.addi %add3A_585, %scan3A_149 : i32
        %get3A_587 = arith.index_cast %add3A_586 : i32 to index
        %get3A_588 = arith.constant 736 : index
        %get3A_589 = tpu.vector_load %arg7[%get3A_587, %get3A_588] {strides = array<i32>} : memref<80x768xf32, #tpu.memory_space<vmem>>, vector<1x16xf32>,
        %get3A_590 = vector.shape_cast %get3A_589 : vector<1x16xf32> to vector<16xf32>
        %add3A_591 = arith.constant 24 : i32
        %add3A_592 = arith.addi %add3A_591, %scan3A_149 : i32
        %get3A_593 = arith.index_cast %add3A_592 : i32 to index
        %get3A_594 = arith.constant 752 : index
        %get3A_595 = tpu.vector_load %arg7[%get3A_593, %get3A_594] {strides = array<i32>} : memref<80x768xf32, #tpu.memory_space<vmem>>, vector<1x16xf32>,
        %get3A_596 = vector.shape_cast %get3A_595 : vector<1x16xf32> to vector<16xf32>
        %swap3A_597 = arith.index_cast %scan3A_149 : i32 to index
        %swap3A_598 = arith.constant 512 : index
        %swap3A_599 = tpu.vector_load %arg9[%swap3A_597, %swap3A_598] {strides = array<i32>} : memref<24x768xf32, #tpu.memory_space<vmem>>, vector<1x16xf32>,
        %swap3A_600 = vector.shape_cast %swap3A_599 : vector<1x16xf32> to vector<16xf32>
        %swap3A_601 = vector.shape_cast %get3A_506 : vector<16xf32> to vector<1x16xf32>
        tpu.vector_store %arg9[%swap3A_597, %swap3A_598], %swap3A_601 {add = true, strides = array<i32>} : memref<24x768xf32, #tpu.memory_space<vmem>>, vector<1x16xf32>,
        %swap3A_602 = arith.index_cast %scan3A_149 : i32 to index
        %swap3A_603 = arith.constant 528 : index
        %swap3A_604 = tpu.vector_load %arg9[%swap3A_602, %swap3A_603] {strides = array<i32>} : memref<24x768xf32, #tpu.memory_space<vmem>>, vector<1x16xf32>,
        %swap3A_605 = vector.shape_cast %swap3A_604 : vector<1x16xf32> to vector<16xf32>
        %swap3A_606 = vector.shape_cast %get3A_512 : vector<16xf32> to vector<1x16xf32>
        tpu.vector_store %arg9[%swap3A_602, %swap3A_603], %swap3A_606 {add = true, strides = array<i32>} : memref<24x768xf32, #tpu.memory_space<vmem>>, vector<1x16xf32>,
        %swap3A_607 = arith.index_cast %scan3A_149 : i32 to index
        %swap3A_608 = arith.constant 544 : index
        %swap3A_609 = tpu.vector_load %arg9[%swap3A_607, %swap3A_608] {strides = array<i32>} : memref<24x768xf32, #tpu.memory_space<vmem>>, vector<1x16xf32>,
        %swap3A_610 = vector.shape_cast %swap3A_609 : vector<1x16xf32> to vector<16xf32>
        %swap3A_611 = vector.shape_cast %get3A_518 : vector<16xf32> to vector<1x16xf32>
        tpu.vector_store %arg9[%swap3A_607, %swap3A_608], %swap3A_611 {add = true, strides = array<i32>} : memref<24x768xf32, #tpu.memory_space<vmem>>, vector<1x16xf32>,
        %swap3A_612 = arith.index_cast %scan3A_149 : i32 to index
        %swap3A_613 = arith.constant 560 : index
        %swap3A_614 = tpu.vector_load %arg9[%swap3A_612, %swap3A_613] {strides = array<i32>} : memref<24x768xf32, #tpu.memory_space<vmem>>, vector<1x16xf32>,
        %swap3A_615 = vector.shape_cast %swap3A_614 : vector<1x16xf32> to vector<16xf32>
        %swap3A_616 = vector.shape_cast %get3A_524 : vector<16xf32> to vector<1x16xf32>
        tpu.vector_store %arg9[%swap3A_612, %swap3A_613], %swap3A_616 {add = true, strides = array<i32>} : memref<24x768xf32, #tpu.memory_space<vmem>>, vector<1x16xf32>,
        %swap3A_617 = arith.index_cast %scan3A_149 : i32 to index
        %swap3A_618 = arith.constant 576 : index
        %swap3A_619 = tpu.vector_load %arg9[%swap3A_617, %swap3A_618] {strides = array<i32>} : memref<24x768xf32, #tpu.memory_space<vmem>>, vector<1x16xf32>,
        %swap3A_620 = vector.shape_cast %swap3A_619 : vector<1x16xf32> to vector<16xf32>
        %swap3A_621 = vector.shape_cast %get3A_530 : vector<16xf32> to vector<1x16xf32>
        tpu.vector_store %arg9[%swap3A_617, %swap3A_618], %swap3A_621 {add = true, strides = array<i32>} : memref<24x768xf32, #tpu.memory_space<vmem>>, vector<1x16xf32>,
        %swap3A_622 = arith.index_cast %scan3A_149 : i32 to index
        %swap3A_623 = arith.constant 592 : index
        %swap3A_624 = tpu.vector_load %arg9[%swap3A_622, %swap3A_623] {strides = array<i32>} : memref<24x768xf32, #tpu.memory_space<vmem>>, vector<1x16xf32>,
        %swap3A_625 = vector.shape_cast %swap3A_624 : vector<1x16xf32> to vector<16xf32>
        %swap3A_626 = vector.shape_cast %get3A_536 : vector<16xf32> to vector<1x16xf32>
        tpu.vector_store %arg9[%swap3A_622, %swap3A_623], %swap3A_626 {add = true, strides = array<i32>} : memref<24x768xf32, #tpu.memory_space<vmem>>, vector<1x16xf32>,
        %swap3A_627 = arith.index_cast %scan3A_149 : i32 to index
        %swap3A_628 = arith.constant 608 : index
        %swap3A_629 = tpu.vector_load %arg9[%swap3A_627, %swap3A_628] {strides = array<i32>} : memref<24x768xf32, #tpu.memory_space<vmem>>, vector<1x16xf32>,
        %swap3A_630 = vector.shape_cast %swap3A_629 : vector<1x16xf32> to vector<16xf32>
        %swap3A_631 = vector.shape_cast %get3A_542 : vector<16xf32> to vector<1x16xf32>
        tpu.vector_store %arg9[%swap3A_627, %swap3A_628], %swap3A_631 {add = true, strides = array<i32>} : memref<24x768xf32, #tpu.memory_space<vmem>>, vector<1x16xf32>,
        %swap3A_632 = arith.index_cast %scan3A_149 : i32 to index
        %swap3A_633 = arith.constant 624 : index
        %swap3A_634 = tpu.vector_load %arg9[%swap3A_632, %swap3A_633] {strides = array<i32>} : memref<24x768xf32, #tpu.memory_space<vmem>>, vector<1x16xf32>,
        %swap3A_635 = vector.shape_cast %swap3A_634 : vector<1x16xf32> to vector<16xf32>
        %swap3A_636 = vector.shape_cast %get3A_548 : vector<16xf32> to vector<1x16xf32>
        tpu.vector_store %arg9[%swap3A_632, %swap3A_633], %swap3A_636 {add = true, strides = array<i32>} : memref<24x768xf32, #tpu.memory_space<vmem>>, vector<1x16xf32>,
        %swap3A_637 = arith.index_cast %scan3A_149 : i32 to index
        %swap3A_638 = arith.constant 640 : index
        %swap3A_639 = tpu.vector_load %arg9[%swap3A_637, %swap3A_638] {strides = array<i32>} : memref<24x768xf32, #tpu.memory_space<vmem>>, vector<1x16xf32>,
        %swap3A_640 = vector.shape_cast %swap3A_639 : vector<1x16xf32> to vector<16xf32>
        %swap3A_641 = vector.shape_cast %get3A_554 : vector<16xf32> to vector<1x16xf32>
        tpu.vector_store %arg9[%swap3A_637, %swap3A_638], %swap3A_641 {add = true, strides = array<i32>} : memref<24x768xf32, #tpu.memory_space<vmem>>, vector<1x16xf32>,
        %swap3A_642 = arith.index_cast %scan3A_149 : i32 to index
        %swap3A_643 = arith.constant 656 : index
        %swap3A_644 = tpu.vector_load %arg9[%swap3A_642, %swap3A_643] {strides = array<i32>} : memref<24x768xf32, #tpu.memory_space<vmem>>, vector<1x16xf32>,
        %swap3A_645 = vector.shape_cast %swap3A_644 : vector<1x16xf32> to vector<16xf32>
        %swap3A_646 = vector.shape_cast %get3A_560 : vector<16xf32> to vector<1x16xf32>
        tpu.vector_store %arg9[%swap3A_642, %swap3A_643], %swap3A_646 {add = true, strides = array<i32>} : memref<24x768xf32, #tpu.memory_space<vmem>>, vector<1x16xf32>,
        %swap3A_647 = arith.index_cast %scan3A_149 : i32 to index
        %swap3A_648 = arith.constant 672 : index
        %swap3A_649 = tpu.vector_load %arg9[%swap3A_647, %swap3A_648] {strides = array<i32>} : memref<24x768xf32, #tpu.memory_space<vmem>>, vector<1x16xf32>,
        %swap3A_650 = vector.shape_cast %swap3A_649 : vector<1x16xf32> to vector<16xf32>
        %swap3A_651 = vector.shape_cast %get3A_566 : vector<16xf32> to vector<1x16xf32>
        tpu.vector_store %arg9[%swap3A_647, %swap3A_648], %swap3A_651 {add = true, strides = array<i32>} : memref<24x768xf32, #tpu.memory_space<vmem>>, vector<1x16xf32>,
        %swap3A_652 = arith.index_cast %scan3A_149 : i32 to index
        %swap3A_653 = arith.constant 688 : index
        %swap3A_654 = tpu.vector_load %arg9[%swap3A_652, %swap3A_653] {strides = array<i32>} : memref<24x768xf32, #tpu.memory_space<vmem>>, vector<1x16xf32>,
        %swap3A_655 = vector.shape_cast %swap3A_654 : vector<1x16xf32> to vector<16xf32>
        %swap3A_656 = vector.shape_cast %get3A_572 : vector<16xf32> to vector<1x16xf32>
        tpu.vector_store %arg9[%swap3A_652, %swap3A_653], %swap3A_656 {add = true, strides = array<i32>} : memref<24x768xf32, #tpu.memory_space<vmem>>, vector<1x16xf32>,
        %swap3A_657 = arith.index_cast %scan3A_149 : i32 to index
        %swap3A_658 = arith.constant 704 : index
        %swap3A_659 = tpu.vector_load %arg9[%swap3A_657, %swap3A_658] {strides = array<i32>} : memref<24x768xf32, #tpu.memory_space<vmem>>, vector<1x16xf32>,
        %swap3A_660 = vector.shape_cast %swap3A_659 : vector<1x16xf32> to vector<16xf32>
        %swap3A_661 = vector.shape_cast %get3A_578 : vector<16xf32> to vector<1x16xf32>
        tpu.vector_store %arg9[%swap3A_657, %swap3A_658], %swap3A_661 {add = true, strides = array<i32>} : memref<24x768xf32, #tpu.memory_space<vmem>>, vector<1x16xf32>,
        %swap3A_662 = arith.index_cast %scan3A_149 : i32 to index
        %swap3A_663 = arith.constant 720 : index
        %swap3A_664 = tpu.vector_load %arg9[%swap3A_662, %swap3A_663] {strides = array<i32>} : memref<24x768xf32, #tpu.memory_space<vmem>>, vector<1x16xf32>,
        %swap3A_665 = vector.shape_cast %swap3A_664 : vector<1x16xf32> to vector<16xf32>
        %swap3A_666 = vector.shape_cast %get3A_584 : vector<16xf32> to vector<1x16xf32>
        tpu.vector_store %arg9[%swap3A_662, %swap3A_663], %swap3A_666 {add = true, strides = array<i32>} : memref<24x768xf32, #tpu.memory_space<vmem>>, vector<1x16xf32>,
        %swap3A_667 = arith.index_cast %scan3A_149 : i32 to index
        %swap3A_668 = arith.constant 736 : index
        %swap3A_669 = tpu.vector_load %arg9[%swap3A_667, %swap3A_668] {strides = array<i32>} : memref<24x768xf32, #tpu.memory_space<vmem>>, vector<1x16xf32>,
        %swap3A_670 = vector.shape_cast %swap3A_669 : vector<1x16xf32> to vector<16xf32>
        %swap3A_671 = vector.shape_cast %get3A_590 : vector<16xf32> to vector<1x16xf32>
        tpu.vector_store %arg9[%swap3A_667, %swap3A_668], %swap3A_671 {add = true, strides = array<i32>} : memref<24x768xf32, #tpu.memory_space<vmem>>, vector<1x16xf32>,
        %swap3A_672 = arith.index_cast %scan3A_149 : i32 to index
        %swap3A_673 = arith.constant 752 : index
        %swap3A_674 = tpu.vector_load %arg9[%swap3A_672, %swap3A_673] {strides = array<i32>} : memref<24x768xf32, #tpu.memory_space<vmem>>, vector<1x16xf32>,
        %swap3A_675 = vector.shape_cast %swap3A_674 : vector<1x16xf32> to vector<16xf32>
        %swap3A_676 = vector.shape_cast %get3A_596 : vector<16xf32> to vector<1x16xf32>
        tpu.vector_store %arg9[%swap3A_672, %swap3A_673], %swap3A_676 {add = true, strides = array<i32>} : memref<24x768xf32, #tpu.memory_space<vmem>>, vector<1x16xf32>,
        %scan3A_677 = arith.constant 0 : i32
        scf.yield %scan3A_677 : i32
      }
      %scan3A_99 = arith.constant 24 : i32
      %add3A_100 = arith.addi %mul3A_2, %scan3A_36 : i32
      %mul3A_101 = arith.constant 80 : i32
      %mul3A_102 = arith.muli %add3A_100, %mul3A_101 : i32
      %add3A_103 = arith.constant 24 : i32
      %add3A_104 = arith.addi %mul3A_102, %add3A_103 : i32
      %dma_start3A_105 = arith.constant 0 : i32
      %dma_start3A_106 = tpu.memref_slice %arg5[%add3A_104, %dma_start3A_105] : memref<81920x768xf32, #tpu.memory_space<hbm>> -> memref<24x768xf32, #tpu.memory_space<hbm>>
      %dma_start3A_107 = arith.constant 0 : i32
      %dma_start3A_108 = tpu.memref_slice %arg5[%add3A_104, %dma_start3A_107] : memref<81920x768xf32, #tpu.memory_space<hbm>> -> memref<24x768xf32, #tpu.memory_space<hbm>>
      tpu.enqueue_dma source(%arg9 : memref<24x768xf32, #tpu.memory_space<vmem>>) target(%dma_start3A_108 : memref<24x768xf32, #tpu.memory_space<hbm>>) target_semaphore(%arg15 : memref<!tpu.dma_semaphore, #tpu.memory_space<semaphore_mem>>)
      %add3A_109 = arith.addi %mul3A_2, %scan3A_36 : i32
      %mul3A_110 = arith.constant 80 : i32
      %mul3A_111 = arith.muli %add3A_109, %mul3A_110 : i32
      %add3A_112 = arith.constant 0 : i32
      %add3A_113 = arith.addi %mul3A_111, %add3A_112 : i32
      %dma_wait3A_114 = arith.constant 0 : i32
      %dma_wait3A_115 = tpu.memref_slice %arg5[%add3A_113, %dma_wait3A_114] : memref<81920x768xf32, #tpu.memory_space<hbm>> -> memref<24x768xf32, #tpu.memory_space<hbm>>
      %dma_wait3A_116 = arith.constant 0 : i32
      %dma_wait3A_117 = tpu.memref_slice %arg5[%add3A_113, %dma_wait3A_116] : memref<81920x768xf32, #tpu.memory_space<hbm>> -> memref<24x768xf32, #tpu.memory_space<hbm>>
      tpu.wait_dma2 semaphore(%arg14 : memref<!tpu.dma_semaphore, #tpu.memory_space<semaphore_mem>>) src(%arg8 : memref<24x768xf32, #tpu.memory_space<vmem>>) dst(%dma_wait3A_117 : memref<24x768xf32, #tpu.memory_space<hbm>>)
      %add3A_118 = arith.constant 1 : i32
      %add3A_119 = arith.addi %scan3A_36, %add3A_118 : i32
      %lt3A = arith.constant 32 : i32
      %lt3A_120 = arith.cmpi slt, %add3A_119, %lt3A : i32
      %convert_element_type3A_121 = arith.extui %lt3A_120 : i1 to i32
      %cond3A_122 = arith.constant 0 : i32
      %cond3A_123 = arith.cmpi ne, %convert_element_type3A_121, %cond3A_122 : i32
      scf.if %cond3A_123 {
        %add3A_149 = arith.constant 1 : i32
        %add3A_150 = arith.addi %scan3A_36, %add3A_149 : i32
        %mul3A_151 = arith.constant 80 : i32
        %mul3A_152 = arith.muli %add3A_150, %mul3A_151 : i32
        %add3A_153 = arith.constant 0 : i32
        %add3A_154 = arith.addi %mul3A_152, %add3A_153 : i32
        %dma_start3A_155 = tpu.memref_slice %arg6[%add3A_154] : memref<2560xi32, #tpu.memory_space<vmem>> -> memref<24xi32, #tpu.memory_space<vmem>>
        %dma_start3A_156 = arith.constant 0 : i32
        %dma_start3A_157 = arith.constant 0 : i32
        %dma_start3A_158 = tpu.memref_slice %arg2[%dma_start3A_156, %dma_start3A_157] : memref<49408x768xf32, #tpu.memory_space<hbm>> -> memref<49408x768xf32, #tpu.memory_space<hbm>>
        tpu.enqueue_indirect_dma source(%dma_start3A_158 : memref<49408x768xf32, #tpu.memory_space<hbm>>) target(%arg8 : memref<24x768xf32, #tpu.memory_space<vmem>>) offsets(%dma_start3A_155 : memref<24xi32, #tpu.memory_space<vmem>>) semaphore(%arg11 : memref<!tpu.dma_semaphore, #tpu.memory_space<semaphore_mem>>)
      } else {
      }
      %mul3A_124 = arith.constant 80 : i32
      %mul3A_125 = arith.muli %scan3A_36, %mul3A_124 : i32
      %add3A_126 = arith.constant 48 : i32
      %add3A_127 = arith.addi %mul3A_125, %add3A_126 : i32
      %dma_wait3A_128 = tpu.memref_slice %arg6[%add3A_127] : memref<2560xi32, #tpu.memory_space<vmem>> -> memref<32xi32, #tpu.memory_space<vmem>>
      %dma_wait3A_129 = arith.constant 0 : i32
      %dma_wait3A_130 = arith.constant 0 : i32
      %dma_wait3A_131 = tpu.memref_slice %arg2[%dma_wait3A_129, %dma_wait3A_130] : memref<49408x768xf32, #tpu.memory_space<hbm>> -> memref<49408x768xf32, #tpu.memory_space<hbm>>
      tpu.wait_indirect_dma semaphore(%arg13 : memref<!tpu.dma_semaphore, #tpu.memory_space<semaphore_mem>>) src(%dma_wait3A_131 : memref<49408x768xf32, #tpu.memory_space<hbm>>) dst(%arg10 : memref<32x768xf32, #tpu.memory_space<vmem>>)
      %scan3A_132 = arith.constant 0 : i32
      %scan3A_133 = arith.constant 0 : i32
      %scan3A_134 = arith.constant 32 : i32
      %scan3A_135 = arith.addi %scan3A_133, %scan3A_134 : i32
      %scan3A_136 = arith.constant 1 : i32
      %scan3A_137 = scf.for %scan3A_149 = %scan3A_133 to %scan3A_135 step %scan3A_136 iter_args(%scan3A_150 = %scan3A_132) -> (i32)  : i32 {
        %add3A_151 = arith.constant 48 : i32
        %add3A_152 = arith.addi %add3A_151, %scan3A_149 : i32
        %get3A = arith.index_cast %add3A_152 : i32 to index
        %get3A_153 = arith.constant 0 : index
        %get3A_154 = tpu.vector_load %arg7[%get3A, %get3A_153] {strides = array<i32>} : memref<80x768xf32, #tpu.memory_space<vmem>>, vector<1x16xf32>,
        %get3A_155 = vector.shape_cast %get3A_154 : vector<1x16xf32> to vector<16xf32>
        %add3A_156 = arith.constant 48 : i32
        %add3A_157 = arith.addi %add3A_156, %scan3A_149 : i32
        %get3A_158 = arith.index_cast %add3A_157 : i32 to index
        %get3A_159 = arith.constant 16 : index
        %get3A_160 = tpu.vector_load %arg7[%get3A_158, %get3A_159] {strides = array<i32>} : memref<80x768xf32, #tpu.memory_space<vmem>>, vector<1x16xf32>,
        %get3A_161 = vector.shape_cast %get3A_160 : vector<1x16xf32> to vector<16xf32>
        %add3A_162 = arith.constant 48 : i32
        %add3A_163 = arith.addi %add3A_162, %scan3A_149 : i32
        %get3A_164 = arith.index_cast %add3A_163 : i32 to index
        %get3A_165 = arith.constant 32 : index
        %get3A_166 = tpu.vector_load %arg7[%get3A_164, %get3A_165] {strides = array<i32>} : memref<80x768xf32, #tpu.memory_space<vmem>>, vector<1x16xf32>,
        %get3A_167 = vector.shape_cast %get3A_166 : vector<1x16xf32> to vector<16xf32>
        %add3A_168 = arith.constant 48 : i32
        %add3A_169 = arith.addi %add3A_168, %scan3A_149 : i32
        %get3A_170 = arith.index_cast %add3A_169 : i32 to index
        %get3A_171 = arith.constant 48 : index
        %get3A_172 = tpu.vector_load %arg7[%get3A_170, %get3A_171] {strides = array<i32>} : memref<80x768xf32, #tpu.memory_space<vmem>>, vector<1x16xf32>,
        %get3A_173 = vector.shape_cast %get3A_172 : vector<1x16xf32> to vector<16xf32>
        %add3A_174 = arith.constant 48 : i32
        %add3A_175 = arith.addi %add3A_174, %scan3A_149 : i32
        %get3A_176 = arith.index_cast %add3A_175 : i32 to index
        %get3A_177 = arith.constant 64 : index
        %get3A_178 = tpu.vector_load %arg7[%get3A_176, %get3A_177] {strides = array<i32>} : memref<80x768xf32, #tpu.memory_space<vmem>>, vector<1x16xf32>,
        %get3A_179 = vector.shape_cast %get3A_178 : vector<1x16xf32> to vector<16xf32>
        %add3A_180 = arith.constant 48 : i32
        %add3A_181 = arith.addi %add3A_180, %scan3A_149 : i32
        %get3A_182 = arith.index_cast %add3A_181 : i32 to index
        %get3A_183 = arith.constant 80 : index
        %get3A_184 = tpu.vector_load %arg7[%get3A_182, %get3A_183] {strides = array<i32>} : memref<80x768xf32, #tpu.memory_space<vmem>>, vector<1x16xf32>,
        %get3A_185 = vector.shape_cast %get3A_184 : vector<1x16xf32> to vector<16xf32>
        %add3A_186 = arith.constant 48 : i32
        %add3A_187 = arith.addi %add3A_186, %scan3A_149 : i32
        %get3A_188 = arith.index_cast %add3A_187 : i32 to index
        %get3A_189 = arith.constant 96 : index
        %get3A_190 = tpu.vector_load %arg7[%get3A_188, %get3A_189] {strides = array<i32>} : memref<80x768xf32, #tpu.memory_space<vmem>>, vector<1x16xf32>,
        %get3A_191 = vector.shape_cast %get3A_190 : vector<1x16xf32> to vector<16xf32>
        %add3A_192 = arith.constant 48 : i32
        %add3A_193 = arith.addi %add3A_192, %scan3A_149 : i32
        %get3A_194 = arith.index_cast %add3A_193 : i32 to index
        %get3A_195 = arith.constant 112 : index
        %get3A_196 = tpu.vector_load %arg7[%get3A_194, %get3A_195] {strides = array<i32>} : memref<80x768xf32, #tpu.memory_space<vmem>>, vector<1x16xf32>,
        %get3A_197 = vector.shape_cast %get3A_196 : vector<1x16xf32> to vector<16xf32>
        %add3A_198 = arith.constant 48 : i32
        %add3A_199 = arith.addi %add3A_198, %scan3A_149 : i32
        %get3A_200 = arith.index_cast %add3A_199 : i32 to index
        %get3A_201 = arith.constant 128 : index
        %get3A_202 = tpu.vector_load %arg7[%get3A_200, %get3A_201] {strides = array<i32>} : memref<80x768xf32, #tpu.memory_space<vmem>>, vector<1x16xf32>,
        %get3A_203 = vector.shape_cast %get3A_202 : vector<1x16xf32> to vector<16xf32>
        %add3A_204 = arith.constant 48 : i32
        %add3A_205 = arith.addi %add3A_204, %scan3A_149 : i32
        %get3A_206 = arith.index_cast %add3A_205 : i32 to index
        %get3A_207 = arith.constant 144 : index
        %get3A_208 = tpu.vector_load %arg7[%get3A_206, %get3A_207] {strides = array<i32>} : memref<80x768xf32, #tpu.memory_space<vmem>>, vector<1x16xf32>,
        %get3A_209 = vector.shape_cast %get3A_208 : vector<1x16xf32> to vector<16xf32>
        %add3A_210 = arith.constant 48 : i32
        %add3A_211 = arith.addi %add3A_210, %scan3A_149 : i32
        %get3A_212 = arith.index_cast %add3A_211 : i32 to index
        %get3A_213 = arith.constant 160 : index
        %get3A_214 = tpu.vector_load %arg7[%get3A_212, %get3A_213] {strides = array<i32>} : memref<80x768xf32, #tpu.memory_space<vmem>>, vector<1x16xf32>,
        %get3A_215 = vector.shape_cast %get3A_214 : vector<1x16xf32> to vector<16xf32>
        %add3A_216 = arith.constant 48 : i32
        %add3A_217 = arith.addi %add3A_216, %scan3A_149 : i32
        %get3A_218 = arith.index_cast %add3A_217 : i32 to index
        %get3A_219 = arith.constant 176 : index
        %get3A_220 = tpu.vector_load %arg7[%get3A_218, %get3A_219] {strides = array<i32>} : memref<80x768xf32, #tpu.memory_space<vmem>>, vector<1x16xf32>,
        %get3A_221 = vector.shape_cast %get3A_220 : vector<1x16xf32> to vector<16xf32>
        %add3A_222 = arith.constant 48 : i32
        %add3A_223 = arith.addi %add3A_222, %scan3A_149 : i32
        %get3A_224 = arith.index_cast %add3A_223 : i32 to index
        %get3A_225 = arith.constant 192 : index
        %get3A_226 = tpu.vector_load %arg7[%get3A_224, %get3A_225] {strides = array<i32>} : memref<80x768xf32, #tpu.memory_space<vmem>>, vector<1x16xf32>,
        %get3A_227 = vector.shape_cast %get3A_226 : vector<1x16xf32> to vector<16xf32>
        %add3A_228 = arith.constant 48 : i32
        %add3A_229 = arith.addi %add3A_228, %scan3A_149 : i32
        %get3A_230 = arith.index_cast %add3A_229 : i32 to index
        %get3A_231 = arith.constant 208 : index
        %get3A_232 = tpu.vector_load %arg7[%get3A_230, %get3A_231] {strides = array<i32>} : memref<80x768xf32, #tpu.memory_space<vmem>>, vector<1x16xf32>,
        %get3A_233 = vector.shape_cast %get3A_232 : vector<1x16xf32> to vector<16xf32>
        %add3A_234 = arith.constant 48 : i32
        %add3A_235 = arith.addi %add3A_234, %scan3A_149 : i32
        %get3A_236 = arith.index_cast %add3A_235 : i32 to index
        %get3A_237 = arith.constant 224 : index
        %get3A_238 = tpu.vector_load %arg7[%get3A_236, %get3A_237] {strides = array<i32>} : memref<80x768xf32, #tpu.memory_space<vmem>>, vector<1x16xf32>,
        %get3A_239 = vector.shape_cast %get3A_238 : vector<1x16xf32> to vector<16xf32>
        %add3A_240 = arith.constant 48 : i32
        %add3A_241 = arith.addi %add3A_240, %scan3A_149 : i32
        %get3A_242 = arith.index_cast %add3A_241 : i32 to index
        %get3A_243 = arith.constant 240 : index
        %get3A_244 = tpu.vector_load %arg7[%get3A_242, %get3A_243] {strides = array<i32>} : memref<80x768xf32, #tpu.memory_space<vmem>>, vector<1x16xf32>,
        %get3A_245 = vector.shape_cast %get3A_244 : vector<1x16xf32> to vector<16xf32>
        %swap3A = arith.index_cast %scan3A_149 : i32 to index
        %swap3A_246 = arith.constant 0 : index
        %swap3A_247 = tpu.vector_load %arg10[%swap3A, %swap3A_246] {strides = array<i32>} : memref<32x768xf32, #tpu.memory_space<vmem>>, vector<1x16xf32>,
        %swap3A_248 = vector.shape_cast %swap3A_247 : vector<1x16xf32> to vector<16xf32>
        %swap3A_249 = vector.shape_cast %get3A_155 : vector<16xf32> to vector<1x16xf32>
        tpu.vector_store %arg10[%swap3A, %swap3A_246], %swap3A_249 {add = true, strides = array<i32>} : memref<32x768xf32, #tpu.memory_space<vmem>>, vector<1x16xf32>,
        %swap3A_250 = arith.index_cast %scan3A_149 : i32 to index
        %swap3A_251 = arith.constant 16 : index
        %swap3A_252 = tpu.vector_load %arg10[%swap3A_250, %swap3A_251] {strides = array<i32>} : memref<32x768xf32, #tpu.memory_space<vmem>>, vector<1x16xf32>,
        %swap3A_253 = vector.shape_cast %swap3A_252 : vector<1x16xf32> to vector<16xf32>
        %swap3A_254 = vector.shape_cast %get3A_161 : vector<16xf32> to vector<1x16xf32>
        tpu.vector_store %arg10[%swap3A_250, %swap3A_251], %swap3A_254 {add = true, strides = array<i32>} : memref<32x768xf32, #tpu.memory_space<vmem>>, vector<1x16xf32>,
        %swap3A_255 = arith.index_cast %scan3A_149 : i32 to index
        %swap3A_256 = arith.constant 32 : index
        %swap3A_257 = tpu.vector_load %arg10[%swap3A_255, %swap3A_256] {strides = array<i32>} : memref<32x768xf32, #tpu.memory_space<vmem>>, vector<1x16xf32>,
        %swap3A_258 = vector.shape_cast %swap3A_257 : vector<1x16xf32> to vector<16xf32>
        %swap3A_259 = vector.shape_cast %get3A_167 : vector<16xf32> to vector<1x16xf32>
        tpu.vector_store %arg10[%swap3A_255, %swap3A_256], %swap3A_259 {add = true, strides = array<i32>} : memref<32x768xf32, #tpu.memory_space<vmem>>, vector<1x16xf32>,
        %swap3A_260 = arith.index_cast %scan3A_149 : i32 to index
        %swap3A_261 = arith.constant 48 : index
        %swap3A_262 = tpu.vector_load %arg10[%swap3A_260, %swap3A_261] {strides = array<i32>} : memref<32x768xf32, #tpu.memory_space<vmem>>, vector<1x16xf32>,
        %swap3A_263 = vector.shape_cast %swap3A_262 : vector<1x16xf32> to vector<16xf32>
        %swap3A_264 = vector.shape_cast %get3A_173 : vector<16xf32> to vector<1x16xf32>
        tpu.vector_store %arg10[%swap3A_260, %swap3A_261], %swap3A_264 {add = true, strides = array<i32>} : memref<32x768xf32, #tpu.memory_space<vmem>>, vector<1x16xf32>,
        %swap3A_265 = arith.index_cast %scan3A_149 : i32 to index
        %swap3A_266 = arith.constant 64 : index
        %swap3A_267 = tpu.vector_load %arg10[%swap3A_265, %swap3A_266] {strides = array<i32>} : memref<32x768xf32, #tpu.memory_space<vmem>>, vector<1x16xf32>,
        %swap3A_268 = vector.shape_cast %swap3A_267 : vector<1x16xf32> to vector<16xf32>
        %swap3A_269 = vector.shape_cast %get3A_179 : vector<16xf32> to vector<1x16xf32>
        tpu.vector_store %arg10[%swap3A_265, %swap3A_266], %swap3A_269 {add = true, strides = array<i32>} : memref<32x768xf32, #tpu.memory_space<vmem>>, vector<1x16xf32>,
        %swap3A_270 = arith.index_cast %scan3A_149 : i32 to index
        %swap3A_271 = arith.constant 80 : index
        %swap3A_272 = tpu.vector_load %arg10[%swap3A_270, %swap3A_271] {strides = array<i32>} : memref<32x768xf32, #tpu.memory_space<vmem>>, vector<1x16xf32>,
        %swap3A_273 = vector.shape_cast %swap3A_272 : vector<1x16xf32> to vector<16xf32>
        %swap3A_274 = vector.shape_cast %get3A_185 : vector<16xf32> to vector<1x16xf32>
        tpu.vector_store %arg10[%swap3A_270, %swap3A_271], %swap3A_274 {add = true, strides = array<i32>} : memref<32x768xf32, #tpu.memory_space<vmem>>, vector<1x16xf32>,
        %swap3A_275 = arith.index_cast %scan3A_149 : i32 to index
        %swap3A_276 = arith.constant 96 : index
        %swap3A_277 = tpu.vector_load %arg10[%swap3A_275, %swap3A_276] {strides = array<i32>} : memref<32x768xf32, #tpu.memory_space<vmem>>, vector<1x16xf32>,
        %swap3A_278 = vector.shape_cast %swap3A_277 : vector<1x16xf32> to vector<16xf32>
        %swap3A_279 = vector.shape_cast %get3A_191 : vector<16xf32> to vector<1x16xf32>
        tpu.vector_store %arg10[%swap3A_275, %swap3A_276], %swap3A_279 {add = true, strides = array<i32>} : memref<32x768xf32, #tpu.memory_space<vmem>>, vector<1x16xf32>,
        %swap3A_280 = arith.index_cast %scan3A_149 : i32 to index
        %swap3A_281 = arith.constant 112 : index
        %swap3A_282 = tpu.vector_load %arg10[%swap3A_280, %swap3A_281] {strides = array<i32>} : memref<32x768xf32, #tpu.memory_space<vmem>>, vector<1x16xf32>,
        %swap3A_283 = vector.shape_cast %swap3A_282 : vector<1x16xf32> to vector<16xf32>
        %swap3A_284 = vector.shape_cast %get3A_197 : vector<16xf32> to vector<1x16xf32>
        tpu.vector_store %arg10[%swap3A_280, %swap3A_281], %swap3A_284 {add = true, strides = array<i32>} : memref<32x768xf32, #tpu.memory_space<vmem>>, vector<1x16xf32>,
        %swap3A_285 = arith.index_cast %scan3A_149 : i32 to index
        %swap3A_286 = arith.constant 128 : index
        %swap3A_287 = tpu.vector_load %arg10[%swap3A_285, %swap3A_286] {strides = array<i32>} : memref<32x768xf32, #tpu.memory_space<vmem>>, vector<1x16xf32>,
        %swap3A_288 = vector.shape_cast %swap3A_287 : vector<1x16xf32> to vector<16xf32>
        %swap3A_289 = vector.shape_cast %get3A_203 : vector<16xf32> to vector<1x16xf32>
        tpu.vector_store %arg10[%swap3A_285, %swap3A_286], %swap3A_289 {add = true, strides = array<i32>} : memref<32x768xf32, #tpu.memory_space<vmem>>, vector<1x16xf32>,
        %swap3A_290 = arith.index_cast %scan3A_149 : i32 to index
        %swap3A_291 = arith.constant 144 : index
        %swap3A_292 = tpu.vector_load %arg10[%swap3A_290, %swap3A_291] {strides = array<i32>} : memref<32x768xf32, #tpu.memory_space<vmem>>, vector<1x16xf32>,
        %swap3A_293 = vector.shape_cast %swap3A_292 : vector<1x16xf32> to vector<16xf32>
        %swap3A_294 = vector.shape_cast %get3A_209 : vector<16xf32> to vector<1x16xf32>
        tpu.vector_store %arg10[%swap3A_290, %swap3A_291], %swap3A_294 {add = true, strides = array<i32>} : memref<32x768xf32, #tpu.memory_space<vmem>>, vector<1x16xf32>,
        %swap3A_295 = arith.index_cast %scan3A_149 : i32 to index
        %swap3A_296 = arith.constant 160 : index
        %swap3A_297 = tpu.vector_load %arg10[%swap3A_295, %swap3A_296] {strides = array<i32>} : memref<32x768xf32, #tpu.memory_space<vmem>>, vector<1x16xf32>,
        %swap3A_298 = vector.shape_cast %swap3A_297 : vector<1x16xf32> to vector<16xf32>
        %swap3A_299 = vector.shape_cast %get3A_215 : vector<16xf32> to vector<1x16xf32>
        tpu.vector_store %arg10[%swap3A_295, %swap3A_296], %swap3A_299 {add = true, strides = array<i32>} : memref<32x768xf32, #tpu.memory_space<vmem>>, vector<1x16xf32>,
        %swap3A_300 = arith.index_cast %scan3A_149 : i32 to index
        %swap3A_301 = arith.constant 176 : index
        %swap3A_302 = tpu.vector_load %arg10[%swap3A_300, %swap3A_301] {strides = array<i32>} : memref<32x768xf32, #tpu.memory_space<vmem>>, vector<1x16xf32>,
        %swap3A_303 = vector.shape_cast %swap3A_302 : vector<1x16xf32> to vector<16xf32>
        %swap3A_304 = vector.shape_cast %get3A_221 : vector<16xf32> to vector<1x16xf32>
        tpu.vector_store %arg10[%swap3A_300, %swap3A_301], %swap3A_304 {add = true, strides = array<i32>} : memref<32x768xf32, #tpu.memory_space<vmem>>, vector<1x16xf32>,
        %swap3A_305 = arith.index_cast %scan3A_149 : i32 to index
        %swap3A_306 = arith.constant 192 : index
        %swap3A_307 = tpu.vector_load %arg10[%swap3A_305, %swap3A_306] {strides = array<i32>} : memref<32x768xf32, #tpu.memory_space<vmem>>, vector<1x16xf32>,
        %swap3A_308 = vector.shape_cast %swap3A_307 : vector<1x16xf32> to vector<16xf32>
        %swap3A_309 = vector.shape_cast %get3A_227 : vector<16xf32> to vector<1x16xf32>
        tpu.vector_store %arg10[%swap3A_305, %swap3A_306], %swap3A_309 {add = true, strides = array<i32>} : memref<32x768xf32, #tpu.memory_space<vmem>>, vector<1x16xf32>,
        %swap3A_310 = arith.index_cast %scan3A_149 : i32 to index
        %swap3A_311 = arith.constant 208 : index
        %swap3A_312 = tpu.vector_load %arg10[%swap3A_310, %swap3A_311] {strides = array<i32>} : memref<32x768xf32, #tpu.memory_space<vmem>>, vector<1x16xf32>,
        %swap3A_313 = vector.shape_cast %swap3A_312 : vector<1x16xf32> to vector<16xf32>
        %swap3A_314 = vector.shape_cast %get3A_233 : vector<16xf32> to vector<1x16xf32>
        tpu.vector_store %arg10[%swap3A_310, %swap3A_311], %swap3A_314 {add = true, strides = array<i32>} : memref<32x768xf32, #tpu.memory_space<vmem>>, vector<1x16xf32>,
        %swap3A_315 = arith.index_cast %scan3A_149 : i32 to index
        %swap3A_316 = arith.constant 224 : index
        %swap3A_317 = tpu.vector_load %arg10[%swap3A_315, %swap3A_316] {strides = array<i32>} : memref<32x768xf32, #tpu.memory_space<vmem>>, vector<1x16xf32>,
        %swap3A_318 = vector.shape_cast %swap3A_317 : vector<1x16xf32> to vector<16xf32>
        %swap3A_319 = vector.shape_cast %get3A_239 : vector<16xf32> to vector<1x16xf32>
        tpu.vector_store %arg10[%swap3A_315, %swap3A_316], %swap3A_319 {add = true, strides = array<i32>} : memref<32x768xf32, #tpu.memory_space<vmem>>, vector<1x16xf32>,
        %swap3A_320 = arith.index_cast %scan3A_149 : i32 to index
        %swap3A_321 = arith.constant 240 : index
        %swap3A_322 = tpu.vector_load %arg10[%swap3A_320, %swap3A_321] {strides = array<i32>} : memref<32x768xf32, #tpu.memory_space<vmem>>, vector<1x16xf32>,
        %swap3A_323 = vector.shape_cast %swap3A_322 : vector<1x16xf32> to vector<16xf32>
        %swap3A_324 = vector.shape_cast %get3A_245 : vector<16xf32> to vector<1x16xf32>
        tpu.vector_store %arg10[%swap3A_320, %swap3A_321], %swap3A_324 {add = true, strides = array<i32>} : memref<32x768xf32, #tpu.memory_space<vmem>>, vector<1x16xf32>,
        %add3A_325 = arith.constant 48 : i32
        %add3A_326 = arith.addi %add3A_325, %scan3A_149 : i32
        %get3A_327 = arith.index_cast %add3A_326 : i32 to index
        %get3A_328 = arith.constant 256 : index
        %get3A_329 = tpu.vector_load %arg7[%get3A_327, %get3A_328] {strides = array<i32>} : memref<80x768xf32, #tpu.memory_space<vmem>>, vector<1x16xf32>,
        %get3A_330 = vector.shape_cast %get3A_329 : vector<1x16xf32> to vector<16xf32>
        %add3A_331 = arith.constant 48 : i32
        %add3A_332 = arith.addi %add3A_331, %scan3A_149 : i32
        %get3A_333 = arith.index_cast %add3A_332 : i32 to index
        %get3A_334 = arith.constant 272 : index
        %get3A_335 = tpu.vector_load %arg7[%get3A_333, %get3A_334] {strides = array<i32>} : memref<80x768xf32, #tpu.memory_space<vmem>>, vector<1x16xf32>,
        %get3A_336 = vector.shape_cast %get3A_335 : vector<1x16xf32> to vector<16xf32>
        %add3A_337 = arith.constant 48 : i32
        %add3A_338 = arith.addi %add3A_337, %scan3A_149 : i32
        %get3A_339 = arith.index_cast %add3A_338 : i32 to index
        %get3A_340 = arith.constant 288 : index
        %get3A_341 = tpu.vector_load %arg7[%get3A_339, %get3A_340] {strides = array<i32>} : memref<80x768xf32, #tpu.memory_space<vmem>>, vector<1x16xf32>,
        %get3A_342 = vector.shape_cast %get3A_341 : vector<1x16xf32> to vector<16xf32>
        %add3A_343 = arith.constant 48 : i32
        %add3A_344 = arith.addi %add3A_343, %scan3A_149 : i32
        %get3A_345 = arith.index_cast %add3A_344 : i32 to index
        %get3A_346 = arith.constant 304 : index
        %get3A_347 = tpu.vector_load %arg7[%get3A_345, %get3A_346] {strides = array<i32>} : memref<80x768xf32, #tpu.memory_space<vmem>>, vector<1x16xf32>,
        %get3A_348 = vector.shape_cast %get3A_347 : vector<1x16xf32> to vector<16xf32>
        %add3A_349 = arith.constant 48 : i32
        %add3A_350 = arith.addi %add3A_349, %scan3A_149 : i32
        %get3A_351 = arith.index_cast %add3A_350 : i32 to index
        %get3A_352 = arith.constant 320 : index
        %get3A_353 = tpu.vector_load %arg7[%get3A_351, %get3A_352] {strides = array<i32>} : memref<80x768xf32, #tpu.memory_space<vmem>>, vector<1x16xf32>,
        %get3A_354 = vector.shape_cast %get3A_353 : vector<1x16xf32> to vector<16xf32>
        %add3A_355 = arith.constant 48 : i32
        %add3A_356 = arith.addi %add3A_355, %scan3A_149 : i32
        %get3A_357 = arith.index_cast %add3A_356 : i32 to index
        %get3A_358 = arith.constant 336 : index
        %get3A_359 = tpu.vector_load %arg7[%get3A_357, %get3A_358] {strides = array<i32>} : memref<80x768xf32, #tpu.memory_space<vmem>>, vector<1x16xf32>,
        %get3A_360 = vector.shape_cast %get3A_359 : vector<1x16xf32> to vector<16xf32>
        %add3A_361 = arith.constant 48 : i32
        %add3A_362 = arith.addi %add3A_361, %scan3A_149 : i32
        %get3A_363 = arith.index_cast %add3A_362 : i32 to index
        %get3A_364 = arith.constant 352 : index
        %get3A_365 = tpu.vector_load %arg7[%get3A_363, %get3A_364] {strides = array<i32>} : memref<80x768xf32, #tpu.memory_space<vmem>>, vector<1x16xf32>,
        %get3A_366 = vector.shape_cast %get3A_365 : vector<1x16xf32> to vector<16xf32>
        %add3A_367 = arith.constant 48 : i32
        %add3A_368 = arith.addi %add3A_367, %scan3A_149 : i32
        %get3A_369 = arith.index_cast %add3A_368 : i32 to index
        %get3A_370 = arith.constant 368 : index
        %get3A_371 = tpu.vector_load %arg7[%get3A_369, %get3A_370] {strides = array<i32>} : memref<80x768xf32, #tpu.memory_space<vmem>>, vector<1x16xf32>,
        %get3A_372 = vector.shape_cast %get3A_371 : vector<1x16xf32> to vector<16xf32>
        %add3A_373 = arith.constant 48 : i32
        %add3A_374 = arith.addi %add3A_373, %scan3A_149 : i32
        %get3A_375 = arith.index_cast %add3A_374 : i32 to index
        %get3A_376 = arith.constant 384 : index
        %get3A_377 = tpu.vector_load %arg7[%get3A_375, %get3A_376] {strides = array<i32>} : memref<80x768xf32, #tpu.memory_space<vmem>>, vector<1x16xf32>,
        %get3A_378 = vector.shape_cast %get3A_377 : vector<1x16xf32> to vector<16xf32>
        %add3A_379 = arith.constant 48 : i32
        %add3A_380 = arith.addi %add3A_379, %scan3A_149 : i32
        %get3A_381 = arith.index_cast %add3A_380 : i32 to index
        %get3A_382 = arith.constant 400 : index
        %get3A_383 = tpu.vector_load %arg7[%get3A_381, %get3A_382] {strides = array<i32>} : memref<80x768xf32, #tpu.memory_space<vmem>>, vector<1x16xf32>,
        %get3A_384 = vector.shape_cast %get3A_383 : vector<1x16xf32> to vector<16xf32>
        %add3A_385 = arith.constant 48 : i32
        %add3A_386 = arith.addi %add3A_385, %scan3A_149 : i32
        %get3A_387 = arith.index_cast %add3A_386 : i32 to index
        %get3A_388 = arith.constant 416 : index
        %get3A_389 = tpu.vector_load %arg7[%get3A_387, %get3A_388] {strides = array<i32>} : memref<80x768xf32, #tpu.memory_space<vmem>>, vector<1x16xf32>,
        %get3A_390 = vector.shape_cast %get3A_389 : vector<1x16xf32> to vector<16xf32>
        %add3A_391 = arith.constant 48 : i32
        %add3A_392 = arith.addi %add3A_391, %scan3A_149 : i32
        %get3A_393 = arith.index_cast %add3A_392 : i32 to index
        %get3A_394 = arith.constant 432 : index
        %get3A_395 = tpu.vector_load %arg7[%get3A_393, %get3A_394] {strides = array<i32>} : memref<80x768xf32, #tpu.memory_space<vmem>>, vector<1x16xf32>,
        %get3A_396 = vector.shape_cast %get3A_395 : vector<1x16xf32> to vector<16xf32>
        %add3A_397 = arith.constant 48 : i32
        %add3A_398 = arith.addi %add3A_397, %scan3A_149 : i32
        %get3A_399 = arith.index_cast %add3A_398 : i32 to index
        %get3A_400 = arith.constant 448 : index
        %get3A_401 = tpu.vector_load %arg7[%get3A_399, %get3A_400] {strides = array<i32>} : memref<80x768xf32, #tpu.memory_space<vmem>>, vector<1x16xf32>,
        %get3A_402 = vector.shape_cast %get3A_401 : vector<1x16xf32> to vector<16xf32>
        %add3A_403 = arith.constant 48 : i32
        %add3A_404 = arith.addi %add3A_403, %scan3A_149 : i32
        %get3A_405 = arith.index_cast %add3A_404 : i32 to index
        %get3A_406 = arith.constant 464 : index
        %get3A_407 = tpu.vector_load %arg7[%get3A_405, %get3A_406] {strides = array<i32>} : memref<80x768xf32, #tpu.memory_space<vmem>>, vector<1x16xf32>,
        %get3A_408 = vector.shape_cast %get3A_407 : vector<1x16xf32> to vector<16xf32>
        %add3A_409 = arith.constant 48 : i32
        %add3A_410 = arith.addi %add3A_409, %scan3A_149 : i32
        %get3A_411 = arith.index_cast %add3A_410 : i32 to index
        %get3A_412 = arith.constant 480 : index
        %get3A_413 = tpu.vector_load %arg7[%get3A_411, %get3A_412] {strides = array<i32>} : memref<80x768xf32, #tpu.memory_space<vmem>>, vector<1x16xf32>,
        %get3A_414 = vector.shape_cast %get3A_413 : vector<1x16xf32> to vector<16xf32>
        %add3A_415 = arith.constant 48 : i32
        %add3A_416 = arith.addi %add3A_415, %scan3A_149 : i32
        %get3A_417 = arith.index_cast %add3A_416 : i32 to index
        %get3A_418 = arith.constant 496 : index
        %get3A_419 = tpu.vector_load %arg7[%get3A_417, %get3A_418] {strides = array<i32>} : memref<80x768xf32, #tpu.memory_space<vmem>>, vector<1x16xf32>,
        %get3A_420 = vector.shape_cast %get3A_419 : vector<1x16xf32> to vector<16xf32>
        %swap3A_421 = arith.index_cast %scan3A_149 : i32 to index
        %swap3A_422 = arith.constant 256 : index
        %swap3A_423 = tpu.vector_load %arg10[%swap3A_421, %swap3A_422] {strides = array<i32>} : memref<32x768xf32, #tpu.memory_space<vmem>>, vector<1x16xf32>,
        %swap3A_424 = vector.shape_cast %swap3A_423 : vector<1x16xf32> to vector<16xf32>
        %swap3A_425 = vector.shape_cast %get3A_330 : vector<16xf32> to vector<1x16xf32>
        tpu.vector_store %arg10[%swap3A_421, %swap3A_422], %swap3A_425 {add = true, strides = array<i32>} : memref<32x768xf32, #tpu.memory_space<vmem>>, vector<1x16xf32>,
        %swap3A_426 = arith.index_cast %scan3A_149 : i32 to index
        %swap3A_427 = arith.constant 272 : index
        %swap3A_428 = tpu.vector_load %arg10[%swap3A_426, %swap3A_427] {strides = array<i32>} : memref<32x768xf32, #tpu.memory_space<vmem>>, vector<1x16xf32>,
        %swap3A_429 = vector.shape_cast %swap3A_428 : vector<1x16xf32> to vector<16xf32>
        %swap3A_430 = vector.shape_cast %get3A_336 : vector<16xf32> to vector<1x16xf32>
        tpu.vector_store %arg10[%swap3A_426, %swap3A_427], %swap3A_430 {add = true, strides = array<i32>} : memref<32x768xf32, #tpu.memory_space<vmem>>, vector<1x16xf32>,
        %swap3A_431 = arith.index_cast %scan3A_149 : i32 to index
        %swap3A_432 = arith.constant 288 : index
        %swap3A_433 = tpu.vector_load %arg10[%swap3A_431, %swap3A_432] {strides = array<i32>} : memref<32x768xf32, #tpu.memory_space<vmem>>, vector<1x16xf32>,
        %swap3A_434 = vector.shape_cast %swap3A_433 : vector<1x16xf32> to vector<16xf32>
        %swap3A_435 = vector.shape_cast %get3A_342 : vector<16xf32> to vector<1x16xf32>
        tpu.vector_store %arg10[%swap3A_431, %swap3A_432], %swap3A_435 {add = true, strides = array<i32>} : memref<32x768xf32, #tpu.memory_space<vmem>>, vector<1x16xf32>,
        %swap3A_436 = arith.index_cast %scan3A_149 : i32 to index
        %swap3A_437 = arith.constant 304 : index
        %swap3A_438 = tpu.vector_load %arg10[%swap3A_436, %swap3A_437] {strides = array<i32>} : memref<32x768xf32, #tpu.memory_space<vmem>>, vector<1x16xf32>,
        %swap3A_439 = vector.shape_cast %swap3A_438 : vector<1x16xf32> to vector<16xf32>
        %swap3A_440 = vector.shape_cast %get3A_348 : vector<16xf32> to vector<1x16xf32>
        tpu.vector_store %arg10[%swap3A_436, %swap3A_437], %swap3A_440 {add = true, strides = array<i32>} : memref<32x768xf32, #tpu.memory_space<vmem>>, vector<1x16xf32>,
        %swap3A_441 = arith.index_cast %scan3A_149 : i32 to index
        %swap3A_442 = arith.constant 320 : index
        %swap3A_443 = tpu.vector_load %arg10[%swap3A_441, %swap3A_442] {strides = array<i32>} : memref<32x768xf32, #tpu.memory_space<vmem>>, vector<1x16xf32>,
        %swap3A_444 = vector.shape_cast %swap3A_443 : vector<1x16xf32> to vector<16xf32>
        %swap3A_445 = vector.shape_cast %get3A_354 : vector<16xf32> to vector<1x16xf32>
        tpu.vector_store %arg10[%swap3A_441, %swap3A_442], %swap3A_445 {add = true, strides = array<i32>} : memref<32x768xf32, #tpu.memory_space<vmem>>, vector<1x16xf32>,
        %swap3A_446 = arith.index_cast %scan3A_149 : i32 to index
        %swap3A_447 = arith.constant 336 : index
        %swap3A_448 = tpu.vector_load %arg10[%swap3A_446, %swap3A_447] {strides = array<i32>} : memref<32x768xf32, #tpu.memory_space<vmem>>, vector<1x16xf32>,
        %swap3A_449 = vector.shape_cast %swap3A_448 : vector<1x16xf32> to vector<16xf32>
        %swap3A_450 = vector.shape_cast %get3A_360 : vector<16xf32> to vector<1x16xf32>
        tpu.vector_store %arg10[%swap3A_446, %swap3A_447], %swap3A_450 {add = true, strides = array<i32>} : memref<32x768xf32, #tpu.memory_space<vmem>>, vector<1x16xf32>,
        %swap3A_451 = arith.index_cast %scan3A_149 : i32 to index
        %swap3A_452 = arith.constant 352 : index
        %swap3A_453 = tpu.vector_load %arg10[%swap3A_451, %swap3A_452] {strides = array<i32>} : memref<32x768xf32, #tpu.memory_space<vmem>>, vector<1x16xf32>,
        %swap3A_454 = vector.shape_cast %swap3A_453 : vector<1x16xf32> to vector<16xf32>
        %swap3A_455 = vector.shape_cast %get3A_366 : vector<16xf32> to vector<1x16xf32>
        tpu.vector_store %arg10[%swap3A_451, %swap3A_452], %swap3A_455 {add = true, strides = array<i32>} : memref<32x768xf32, #tpu.memory_space<vmem>>, vector<1x16xf32>,
        %swap3A_456 = arith.index_cast %scan3A_149 : i32 to index
        %swap3A_457 = arith.constant 368 : index
        %swap3A_458 = tpu.vector_load %arg10[%swap3A_456, %swap3A_457] {strides = array<i32>} : memref<32x768xf32, #tpu.memory_space<vmem>>, vector<1x16xf32>,
        %swap3A_459 = vector.shape_cast %swap3A_458 : vector<1x16xf32> to vector<16xf32>
        %swap3A_460 = vector.shape_cast %get3A_372 : vector<16xf32> to vector<1x16xf32>
        tpu.vector_store %arg10[%swap3A_456, %swap3A_457], %swap3A_460 {add = true, strides = array<i32>} : memref<32x768xf32, #tpu.memory_space<vmem>>, vector<1x16xf32>,
        %swap3A_461 = arith.index_cast %scan3A_149 : i32 to index
        %swap3A_462 = arith.constant 384 : index
        %swap3A_463 = tpu.vector_load %arg10[%swap3A_461, %swap3A_462] {strides = array<i32>} : memref<32x768xf32, #tpu.memory_space<vmem>>, vector<1x16xf32>,
        %swap3A_464 = vector.shape_cast %swap3A_463 : vector<1x16xf32> to vector<16xf32>
        %swap3A_465 = vector.shape_cast %get3A_378 : vector<16xf32> to vector<1x16xf32>
        tpu.vector_store %arg10[%swap3A_461, %swap3A_462], %swap3A_465 {add = true, strides = array<i32>} : memref<32x768xf32, #tpu.memory_space<vmem>>, vector<1x16xf32>,
        %swap3A_466 = arith.index_cast %scan3A_149 : i32 to index
        %swap3A_467 = arith.constant 400 : index
        %swap3A_468 = tpu.vector_load %arg10[%swap3A_466, %swap3A_467] {strides = array<i32>} : memref<32x768xf32, #tpu.memory_space<vmem>>, vector<1x16xf32>,
        %swap3A_469 = vector.shape_cast %swap3A_468 : vector<1x16xf32> to vector<16xf32>
        %swap3A_470 = vector.shape_cast %get3A_384 : vector<16xf32> to vector<1x16xf32>
        tpu.vector_store %arg10[%swap3A_466, %swap3A_467], %swap3A_470 {add = true, strides = array<i32>} : memref<32x768xf32, #tpu.memory_space<vmem>>, vector<1x16xf32>,
        %swap3A_471 = arith.index_cast %scan3A_149 : i32 to index
        %swap3A_472 = arith.constant 416 : index
        %swap3A_473 = tpu.vector_load %arg10[%swap3A_471, %swap3A_472] {strides = array<i32>} : memref<32x768xf32, #tpu.memory_space<vmem>>, vector<1x16xf32>,
        %swap3A_474 = vector.shape_cast %swap3A_473 : vector<1x16xf32> to vector<16xf32>
        %swap3A_475 = vector.shape_cast %get3A_390 : vector<16xf32> to vector<1x16xf32>
        tpu.vector_store %arg10[%swap3A_471, %swap3A_472], %swap3A_475 {add = true, strides = array<i32>} : memref<32x768xf32, #tpu.memory_space<vmem>>, vector<1x16xf32>,
        %swap3A_476 = arith.index_cast %scan3A_149 : i32 to index
        %swap3A_477 = arith.constant 432 : index
        %swap3A_478 = tpu.vector_load %arg10[%swap3A_476, %swap3A_477] {strides = array<i32>} : memref<32x768xf32, #tpu.memory_space<vmem>>, vector<1x16xf32>,
        %swap3A_479 = vector.shape_cast %swap3A_478 : vector<1x16xf32> to vector<16xf32>
        %swap3A_480 = vector.shape_cast %get3A_396 : vector<16xf32> to vector<1x16xf32>
        tpu.vector_store %arg10[%swap3A_476, %swap3A_477], %swap3A_480 {add = true, strides = array<i32>} : memref<32x768xf32, #tpu.memory_space<vmem>>, vector<1x16xf32>,
        %swap3A_481 = arith.index_cast %scan3A_149 : i32 to index
        %swap3A_482 = arith.constant 448 : index
        %swap3A_483 = tpu.vector_load %arg10[%swap3A_481, %swap3A_482] {strides = array<i32>} : memref<32x768xf32, #tpu.memory_space<vmem>>, vector<1x16xf32>,
        %swap3A_484 = vector.shape_cast %swap3A_483 : vector<1x16xf32> to vector<16xf32>
        %swap3A_485 = vector.shape_cast %get3A_402 : vector<16xf32> to vector<1x16xf32>
        tpu.vector_store %arg10[%swap3A_481, %swap3A_482], %swap3A_485 {add = true, strides = array<i32>} : memref<32x768xf32, #tpu.memory_space<vmem>>, vector<1x16xf32>,
        %swap3A_486 = arith.index_cast %scan3A_149 : i32 to index
        %swap3A_487 = arith.constant 464 : index
        %swap3A_488 = tpu.vector_load %arg10[%swap3A_486, %swap3A_487] {strides = array<i32>} : memref<32x768xf32, #tpu.memory_space<vmem>>, vector<1x16xf32>,
        %swap3A_489 = vector.shape_cast %swap3A_488 : vector<1x16xf32> to vector<16xf32>
        %swap3A_490 = vector.shape_cast %get3A_408 : vector<16xf32> to vector<1x16xf32>
        tpu.vector_store %arg10[%swap3A_486, %swap3A_487], %swap3A_490 {add = true, strides = array<i32>} : memref<32x768xf32, #tpu.memory_space<vmem>>, vector<1x16xf32>,
        %swap3A_491 = arith.index_cast %scan3A_149 : i32 to index
        %swap3A_492 = arith.constant 480 : index
        %swap3A_493 = tpu.vector_load %arg10[%swap3A_491, %swap3A_492] {strides = array<i32>} : memref<32x768xf32, #tpu.memory_space<vmem>>, vector<1x16xf32>,
        %swap3A_494 = vector.shape_cast %swap3A_493 : vector<1x16xf32> to vector<16xf32>
        %swap3A_495 = vector.shape_cast %get3A_414 : vector<16xf32> to vector<1x16xf32>
        tpu.vector_store %arg10[%swap3A_491, %swap3A_492], %swap3A_495 {add = true, strides = array<i32>} : memref<32x768xf32, #tpu.memory_space<vmem>>, vector<1x16xf32>,
        %swap3A_496 = arith.index_cast %scan3A_149 : i32 to index
        %swap3A_497 = arith.constant 496 : index
        %swap3A_498 = tpu.vector_load %arg10[%swap3A_496, %swap3A_497] {strides = array<i32>} : memref<32x768xf32, #tpu.memory_space<vmem>>, vector<1x16xf32>,
        %swap3A_499 = vector.shape_cast %swap3A_498 : vector<1x16xf32> to vector<16xf32>
        %swap3A_500 = vector.shape_cast %get3A_420 : vector<16xf32> to vector<1x16xf32>
        tpu.vector_store %arg10[%swap3A_496, %swap3A_497], %swap3A_500 {add = true, strides = array<i32>} : memref<32x768xf32, #tpu.memory_space<vmem>>, vector<1x16xf32>,
        %add3A_501 = arith.constant 48 : i32
        %add3A_502 = arith.addi %add3A_501, %scan3A_149 : i32
        %get3A_503 = arith.index_cast %add3A_502 : i32 to index
        %get3A_504 = arith.constant 512 : index
        %get3A_505 = tpu.vector_load %arg7[%get3A_503, %get3A_504] {strides = array<i32>} : memref<80x768xf32, #tpu.memory_space<vmem>>, vector<1x16xf32>,
        %get3A_506 = vector.shape_cast %get3A_505 : vector<1x16xf32> to vector<16xf32>
        %add3A_507 = arith.constant 48 : i32
        %add3A_508 = arith.addi %add3A_507, %scan3A_149 : i32
        %get3A_509 = arith.index_cast %add3A_508 : i32 to index
        %get3A_510 = arith.constant 528 : index
        %get3A_511 = tpu.vector_load %arg7[%get3A_509, %get3A_510] {strides = array<i32>} : memref<80x768xf32, #tpu.memory_space<vmem>>, vector<1x16xf32>,
        %get3A_512 = vector.shape_cast %get3A_511 : vector<1x16xf32> to vector<16xf32>
        %add3A_513 = arith.constant 48 : i32
        %add3A_514 = arith.addi %add3A_513, %scan3A_149 : i32
        %get3A_515 = arith.index_cast %add3A_514 : i32 to index
        %get3A_516 = arith.constant 544 : index
        %get3A_517 = tpu.vector_load %arg7[%get3A_515, %get3A_516] {strides = array<i32>} : memref<80x768xf32, #tpu.memory_space<vmem>>, vector<1x16xf32>,
        %get3A_518 = vector.shape_cast %get3A_517 : vector<1x16xf32> to vector<16xf32>
        %add3A_519 = arith.constant 48 : i32
        %add3A_520 = arith.addi %add3A_519, %scan3A_149 : i32
        %get3A_521 = arith.index_cast %add3A_520 : i32 to index
        %get3A_522 = arith.constant 560 : index
        %get3A_523 = tpu.vector_load %arg7[%get3A_521, %get3A_522] {strides = array<i32>} : memref<80x768xf32, #tpu.memory_space<vmem>>, vector<1x16xf32>,
        %get3A_524 = vector.shape_cast %get3A_523 : vector<1x16xf32> to vector<16xf32>
        %add3A_525 = arith.constant 48 : i32
        %add3A_526 = arith.addi %add3A_525, %scan3A_149 : i32
        %get3A_527 = arith.index_cast %add3A_526 : i32 to index
        %get3A_528 = arith.constant 576 : index
        %get3A_529 = tpu.vector_load %arg7[%get3A_527, %get3A_528] {strides = array<i32>} : memref<80x768xf32, #tpu.memory_space<vmem>>, vector<1x16xf32>,
        %get3A_530 = vector.shape_cast %get3A_529 : vector<1x16xf32> to vector<16xf32>
        %add3A_531 = arith.constant 48 : i32
        %add3A_532 = arith.addi %add3A_531, %scan3A_149 : i32
        %get3A_533 = arith.index_cast %add3A_532 : i32 to index
        %get3A_534 = arith.constant 592 : index
        %get3A_535 = tpu.vector_load %arg7[%get3A_533, %get3A_534] {strides = array<i32>} : memref<80x768xf32, #tpu.memory_space<vmem>>, vector<1x16xf32>,
        %get3A_536 = vector.shape_cast %get3A_535 : vector<1x16xf32> to vector<16xf32>
        %add3A_537 = arith.constant 48 : i32
        %add3A_538 = arith.addi %add3A_537, %scan3A_149 : i32
        %get3A_539 = arith.index_cast %add3A_538 : i32 to index
        %get3A_540 = arith.constant 608 : index
        %get3A_541 = tpu.vector_load %arg7[%get3A_539, %get3A_540] {strides = array<i32>} : memref<80x768xf32, #tpu.memory_space<vmem>>, vector<1x16xf32>,
        %get3A_542 = vector.shape_cast %get3A_541 : vector<1x16xf32> to vector<16xf32>
        %add3A_543 = arith.constant 48 : i32
        %add3A_544 = arith.addi %add3A_543, %scan3A_149 : i32
        %get3A_545 = arith.index_cast %add3A_544 : i32 to index
        %get3A_546 = arith.constant 624 : index
        %get3A_547 = tpu.vector_load %arg7[%get3A_545, %get3A_546] {strides = array<i32>} : memref<80x768xf32, #tpu.memory_space<vmem>>, vector<1x16xf32>,
        %get3A_548 = vector.shape_cast %get3A_547 : vector<1x16xf32> to vector<16xf32>
        %add3A_549 = arith.constant 48 : i32
        %add3A_550 = arith.addi %add3A_549, %scan3A_149 : i32
        %get3A_551 = arith.index_cast %add3A_550 : i32 to index
        %get3A_552 = arith.constant 640 : index
        %get3A_553 = tpu.vector_load %arg7[%get3A_551, %get3A_552] {strides = array<i32>} : memref<80x768xf32, #tpu.memory_space<vmem>>, vector<1x16xf32>,
        %get3A_554 = vector.shape_cast %get3A_553 : vector<1x16xf32> to vector<16xf32>
        %add3A_555 = arith.constant 48 : i32
        %add3A_556 = arith.addi %add3A_555, %scan3A_149 : i32
        %get3A_557 = arith.index_cast %add3A_556 : i32 to index
        %get3A_558 = arith.constant 656 : index
        %get3A_559 = tpu.vector_load %arg7[%get3A_557, %get3A_558] {strides = array<i32>} : memref<80x768xf32, #tpu.memory_space<vmem>>, vector<1x16xf32>,
        %get3A_560 = vector.shape_cast %get3A_559 : vector<1x16xf32> to vector<16xf32>
        %add3A_561 = arith.constant 48 : i32
        %add3A_562 = arith.addi %add3A_561, %scan3A_149 : i32
        %get3A_563 = arith.index_cast %add3A_562 : i32 to index
        %get3A_564 = arith.constant 672 : index
        %get3A_565 = tpu.vector_load %arg7[%get3A_563, %get3A_564] {strides = array<i32>} : memref<80x768xf32, #tpu.memory_space<vmem>>, vector<1x16xf32>,
        %get3A_566 = vector.shape_cast %get3A_565 : vector<1x16xf32> to vector<16xf32>
        %add3A_567 = arith.constant 48 : i32
        %add3A_568 = arith.addi %add3A_567, %scan3A_149 : i32
        %get3A_569 = arith.index_cast %add3A_568 : i32 to index
        %get3A_570 = arith.constant 688 : index
        %get3A_571 = tpu.vector_load %arg7[%get3A_569, %get3A_570] {strides = array<i32>} : memref<80x768xf32, #tpu.memory_space<vmem>>, vector<1x16xf32>,
        %get3A_572 = vector.shape_cast %get3A_571 : vector<1x16xf32> to vector<16xf32>
        %add3A_573 = arith.constant 48 : i32
        %add3A_574 = arith.addi %add3A_573, %scan3A_149 : i32
        %get3A_575 = arith.index_cast %add3A_574 : i32 to index
        %get3A_576 = arith.constant 704 : index
        %get3A_577 = tpu.vector_load %arg7[%get3A_575, %get3A_576] {strides = array<i32>} : memref<80x768xf32, #tpu.memory_space<vmem>>, vector<1x16xf32>,
        %get3A_578 = vector.shape_cast %get3A_577 : vector<1x16xf32> to vector<16xf32>
        %add3A_579 = arith.constant 48 : i32
        %add3A_580 = arith.addi %add3A_579, %scan3A_149 : i32
        %get3A_581 = arith.index_cast %add3A_580 : i32 to index
        %get3A_582 = arith.constant 720 : index
        %get3A_583 = tpu.vector_load %arg7[%get3A_581, %get3A_582] {strides = array<i32>} : memref<80x768xf32, #tpu.memory_space<vmem>>, vector<1x16xf32>,
        %get3A_584 = vector.shape_cast %get3A_583 : vector<1x16xf32> to vector<16xf32>
        %add3A_585 = arith.constant 48 : i32
        %add3A_586 = arith.addi %add3A_585, %scan3A_149 : i32
        %get3A_587 = arith.index_cast %add3A_586 : i32 to index
        %get3A_588 = arith.constant 736 : index
        %get3A_589 = tpu.vector_load %arg7[%get3A_587, %get3A_588] {strides = array<i32>} : memref<80x768xf32, #tpu.memory_space<vmem>>, vector<1x16xf32>,
        %get3A_590 = vector.shape_cast %get3A_589 : vector<1x16xf32> to vector<16xf32>
        %add3A_591 = arith.constant 48 : i32
        %add3A_592 = arith.addi %add3A_591, %scan3A_149 : i32
        %get3A_593 = arith.index_cast %add3A_592 : i32 to index
        %get3A_594 = arith.constant 752 : index
        %get3A_595 = tpu.vector_load %arg7[%get3A_593, %get3A_594] {strides = array<i32>} : memref<80x768xf32, #tpu.memory_space<vmem>>, vector<1x16xf32>,
        %get3A_596 = vector.shape_cast %get3A_595 : vector<1x16xf32> to vector<16xf32>
        %swap3A_597 = arith.index_cast %scan3A_149 : i32 to index
        %swap3A_598 = arith.constant 512 : index
        %swap3A_599 = tpu.vector_load %arg10[%swap3A_597, %swap3A_598] {strides = array<i32>} : memref<32x768xf32, #tpu.memory_space<vmem>>, vector<1x16xf32>,
        %swap3A_600 = vector.shape_cast %swap3A_599 : vector<1x16xf32> to vector<16xf32>
        %swap3A_601 = vector.shape_cast %get3A_506 : vector<16xf32> to vector<1x16xf32>
        tpu.vector_store %arg10[%swap3A_597, %swap3A_598], %swap3A_601 {add = true, strides = array<i32>} : memref<32x768xf32, #tpu.memory_space<vmem>>, vector<1x16xf32>,
        %swap3A_602 = arith.index_cast %scan3A_149 : i32 to index
        %swap3A_603 = arith.constant 528 : index
        %swap3A_604 = tpu.vector_load %arg10[%swap3A_602, %swap3A_603] {strides = array<i32>} : memref<32x768xf32, #tpu.memory_space<vmem>>, vector<1x16xf32>,
        %swap3A_605 = vector.shape_cast %swap3A_604 : vector<1x16xf32> to vector<16xf32>
        %swap3A_606 = vector.shape_cast %get3A_512 : vector<16xf32> to vector<1x16xf32>
        tpu.vector_store %arg10[%swap3A_602, %swap3A_603], %swap3A_606 {add = true, strides = array<i32>} : memref<32x768xf32, #tpu.memory_space<vmem>>, vector<1x16xf32>,
        %swap3A_607 = arith.index_cast %scan3A_149 : i32 to index
        %swap3A_608 = arith.constant 544 : index
        %swap3A_609 = tpu.vector_load %arg10[%swap3A_607, %swap3A_608] {strides = array<i32>} : memref<32x768xf32, #tpu.memory_space<vmem>>, vector<1x16xf32>,
        %swap3A_610 = vector.shape_cast %swap3A_609 : vector<1x16xf32> to vector<16xf32>
        %swap3A_611 = vector.shape_cast %get3A_518 : vector<16xf32> to vector<1x16xf32>
        tpu.vector_store %arg10[%swap3A_607, %swap3A_608], %swap3A_611 {add = true, strides = array<i32>} : memref<32x768xf32, #tpu.memory_space<vmem>>, vector<1x16xf32>,
        %swap3A_612 = arith.index_cast %scan3A_149 : i32 to index
        %swap3A_613 = arith.constant 560 : index
        %swap3A_614 = tpu.vector_load %arg10[%swap3A_612, %swap3A_613] {strides = array<i32>} : memref<32x768xf32, #tpu.memory_space<vmem>>, vector<1x16xf32>,
        %swap3A_615 = vector.shape_cast %swap3A_614 : vector<1x16xf32> to vector<16xf32>
        %swap3A_616 = vector.shape_cast %get3A_524 : vector<16xf32> to vector<1x16xf32>
        tpu.vector_store %arg10[%swap3A_612, %swap3A_613], %swap3A_616 {add = true, strides = array<i32>} : memref<32x768xf32, #tpu.memory_space<vmem>>, vector<1x16xf32>,
        %swap3A_617 = arith.index_cast %scan3A_149 : i32 to index
        %swap3A_618 = arith.constant 576 : index
        %swap3A_619 = tpu.vector_load %arg10[%swap3A_617, %swap3A_618] {strides = array<i32>} : memref<32x768xf32, #tpu.memory_space<vmem>>, vector<1x16xf32>,
        %swap3A_620 = vector.shape_cast %swap3A_619 : vector<1x16xf32> to vector<16xf32>
        %swap3A_621 = vector.shape_cast %get3A_530 : vector<16xf32> to vector<1x16xf32>
        tpu.vector_store %arg10[%swap3A_617, %swap3A_618], %swap3A_621 {add = true, strides = array<i32>} : memref<32x768xf32, #tpu.memory_space<vmem>>, vector<1x16xf32>,
        %swap3A_622 = arith.index_cast %scan3A_149 : i32 to index
        %swap3A_623 = arith.constant 592 : index
        %swap3A_624 = tpu.vector_load %arg10[%swap3A_622, %swap3A_623] {strides = array<i32>} : memref<32x768xf32, #tpu.memory_space<vmem>>, vector<1x16xf32>,
        %swap3A_625 = vector.shape_cast %swap3A_624 : vector<1x16xf32> to vector<16xf32>
        %swap3A_626 = vector.shape_cast %get3A_536 : vector<16xf32> to vector<1x16xf32>
        tpu.vector_store %arg10[%swap3A_622, %swap3A_623], %swap3A_626 {add = true, strides = array<i32>} : memref<32x768xf32, #tpu.memory_space<vmem>>, vector<1x16xf32>,
        %swap3A_627 = arith.index_cast %scan3A_149 : i32 to index
        %swap3A_628 = arith.constant 608 : index
        %swap3A_629 = tpu.vector_load %arg10[%swap3A_627, %swap3A_628] {strides = array<i32>} : memref<32x768xf32, #tpu.memory_space<vmem>>, vector<1x16xf32>,
        %swap3A_630 = vector.shape_cast %swap3A_629 : vector<1x16xf32> to vector<16xf32>
        %swap3A_631 = vector.shape_cast %get3A_542 : vector<16xf32> to vector<1x16xf32>
        tpu.vector_store %arg10[%swap3A_627, %swap3A_628], %swap3A_631 {add = true, strides = array<i32>} : memref<32x768xf32, #tpu.memory_space<vmem>>, vector<1x16xf32>,
        %swap3A_632 = arith.index_cast %scan3A_149 : i32 to index
        %swap3A_633 = arith.constant 624 : index
        %swap3A_634 = tpu.vector_load %arg10[%swap3A_632, %swap3A_633] {strides = array<i32>} : memref<32x768xf32, #tpu.memory_space<vmem>>, vector<1x16xf32>,
        %swap3A_635 = vector.shape_cast %swap3A_634 : vector<1x16xf32> to vector<16xf32>
        %swap3A_636 = vector.shape_cast %get3A_548 : vector<16xf32> to vector<1x16xf32>
        tpu.vector_store %arg10[%swap3A_632, %swap3A_633], %swap3A_636 {add = true, strides = array<i32>} : memref<32x768xf32, #tpu.memory_space<vmem>>, vector<1x16xf32>,
        %swap3A_637 = arith.index_cast %scan3A_149 : i32 to index
        %swap3A_638 = arith.constant 640 : index
        %swap3A_639 = tpu.vector_load %arg10[%swap3A_637, %swap3A_638] {strides = array<i32>} : memref<32x768xf32, #tpu.memory_space<vmem>>, vector<1x16xf32>,
        %swap3A_640 = vector.shape_cast %swap3A_639 : vector<1x16xf32> to vector<16xf32>
        %swap3A_641 = vector.shape_cast %get3A_554 : vector<16xf32> to vector<1x16xf32>
        tpu.vector_store %arg10[%swap3A_637, %swap3A_638], %swap3A_641 {add = true, strides = array<i32>} : memref<32x768xf32, #tpu.memory_space<vmem>>, vector<1x16xf32>,
        %swap3A_642 = arith.index_cast %scan3A_149 : i32 to index
        %swap3A_643 = arith.constant 656 : index
        %swap3A_644 = tpu.vector_load %arg10[%swap3A_642, %swap3A_643] {strides = array<i32>} : memref<32x768xf32, #tpu.memory_space<vmem>>, vector<1x16xf32>,
        %swap3A_645 = vector.shape_cast %swap3A_644 : vector<1x16xf32> to vector<16xf32>
        %swap3A_646 = vector.shape_cast %get3A_560 : vector<16xf32> to vector<1x16xf32>
        tpu.vector_store %arg10[%swap3A_642, %swap3A_643], %swap3A_646 {add = true, strides = array<i32>} : memref<32x768xf32, #tpu.memory_space<vmem>>, vector<1x16xf32>,
        %swap3A_647 = arith.index_cast %scan3A_149 : i32 to index
        %swap3A_648 = arith.constant 672 : index
        %swap3A_649 = tpu.vector_load %arg10[%swap3A_647, %swap3A_648] {strides = array<i32>} : memref<32x768xf32, #tpu.memory_space<vmem>>, vector<1x16xf32>,
        %swap3A_650 = vector.shape_cast %swap3A_649 : vector<1x16xf32> to vector<16xf32>
        %swap3A_651 = vector.shape_cast %get3A_566 : vector<16xf32> to vector<1x16xf32>
        tpu.vector_store %arg10[%swap3A_647, %swap3A_648], %swap3A_651 {add = true, strides = array<i32>} : memref<32x768xf32, #tpu.memory_space<vmem>>, vector<1x16xf32>,
        %swap3A_652 = arith.index_cast %scan3A_149 : i32 to index
        %swap3A_653 = arith.constant 688 : index
        %swap3A_654 = tpu.vector_load %arg10[%swap3A_652, %swap3A_653] {strides = array<i32>} : memref<32x768xf32, #tpu.memory_space<vmem>>, vector<1x16xf32>,
        %swap3A_655 = vector.shape_cast %swap3A_654 : vector<1x16xf32> to vector<16xf32>
        %swap3A_656 = vector.shape_cast %get3A_572 : vector<16xf32> to vector<1x16xf32>
        tpu.vector_store %arg10[%swap3A_652, %swap3A_653], %swap3A_656 {add = true, strides = array<i32>} : memref<32x768xf32, #tpu.memory_space<vmem>>, vector<1x16xf32>,
        %swap3A_657 = arith.index_cast %scan3A_149 : i32 to index
        %swap3A_658 = arith.constant 704 : index
        %swap3A_659 = tpu.vector_load %arg10[%swap3A_657, %swap3A_658] {strides = array<i32>} : memref<32x768xf32, #tpu.memory_space<vmem>>, vector<1x16xf32>,
        %swap3A_660 = vector.shape_cast %swap3A_659 : vector<1x16xf32> to vector<16xf32>
        %swap3A_661 = vector.shape_cast %get3A_578 : vector<16xf32> to vector<1x16xf32>
        tpu.vector_store %arg10[%swap3A_657, %swap3A_658], %swap3A_661 {add = true, strides = array<i32>} : memref<32x768xf32, #tpu.memory_space<vmem>>, vector<1x16xf32>,
        %swap3A_662 = arith.index_cast %scan3A_149 : i32 to index
        %swap3A_663 = arith.constant 720 : index
        %swap3A_664 = tpu.vector_load %arg10[%swap3A_662, %swap3A_663] {strides = array<i32>} : memref<32x768xf32, #tpu.memory_space<vmem>>, vector<1x16xf32>,
        %swap3A_665 = vector.shape_cast %swap3A_664 : vector<1x16xf32> to vector<16xf32>
        %swap3A_666 = vector.shape_cast %get3A_584 : vector<16xf32> to vector<1x16xf32>
        tpu.vector_store %arg10[%swap3A_662, %swap3A_663], %swap3A_666 {add = true, strides = array<i32>} : memref<32x768xf32, #tpu.memory_space<vmem>>, vector<1x16xf32>,
        %swap3A_667 = arith.index_cast %scan3A_149 : i32 to index
        %swap3A_668 = arith.constant 736 : index
        %swap3A_669 = tpu.vector_load %arg10[%swap3A_667, %swap3A_668] {strides = array<i32>} : memref<32x768xf32, #tpu.memory_space<vmem>>, vector<1x16xf32>,
        %swap3A_670 = vector.shape_cast %swap3A_669 : vector<1x16xf32> to vector<16xf32>
        %swap3A_671 = vector.shape_cast %get3A_590 : vector<16xf32> to vector<1x16xf32>
        tpu.vector_store %arg10[%swap3A_667, %swap3A_668], %swap3A_671 {add = true, strides = array<i32>} : memref<32x768xf32, #tpu.memory_space<vmem>>, vector<1x16xf32>,
        %swap3A_672 = arith.index_cast %scan3A_149 : i32 to index
        %swap3A_673 = arith.constant 752 : index
        %swap3A_674 = tpu.vector_load %arg10[%swap3A_672, %swap3A_673] {strides = array<i32>} : memref<32x768xf32, #tpu.memory_space<vmem>>, vector<1x16xf32>,
        %swap3A_675 = vector.shape_cast %swap3A_674 : vector<1x16xf32> to vector<16xf32>
        %swap3A_676 = vector.shape_cast %get3A_596 : vector<16xf32> to vector<1x16xf32>
        tpu.vector_store %arg10[%swap3A_672, %swap3A_673], %swap3A_676 {add = true, strides = array<i32>} : memref<32x768xf32, #tpu.memory_space<vmem>>, vector<1x16xf32>,
        %scan3A_677 = arith.constant 0 : i32
        scf.yield %scan3A_677 : i32
      }
      %scan3A_138 = arith.constant 32 : i32
      %add3A_139 = arith.addi %mul3A_2, %scan3A_36 : i32
      %mul3A_140 = arith.constant 80 : i32
      %mul3A_141 = arith.muli %add3A_139, %mul3A_140 : i32
      %add3A_142 = arith.constant 48 : i32
      %add3A_143 = arith.addi %mul3A_141, %add3A_142 : i32
      %dma_start3A_144 = arith.constant 0 : i32
      %dma_start3A_145 = tpu.memref_slice %arg5[%add3A_143, %dma_start3A_144] : memref<81920x768xf32, #tpu.memory_space<hbm>> -> memref<32x768xf32, #tpu.memory_space<hbm>>
      %dma_start3A_146 = arith.constant 0 : i32
      %dma_start3A_147 = tpu.memref_slice %arg5[%add3A_143, %dma_start3A_146] : memref<81920x768xf32, #tpu.memory_space<hbm>> -> memref<32x768xf32, #tpu.memory_space<hbm>>
      tpu.enqueue_dma source(%arg10 : memref<32x768xf32, #tpu.memory_space<vmem>>) target(%dma_start3A_147 : memref<32x768xf32, #tpu.memory_space<hbm>>) target_semaphore(%arg16 : memref<!tpu.dma_semaphore, #tpu.memory_space<semaphore_mem>>)
      %scan3A_148 = arith.constant 0 : i32
      scf.yield %scan3A_148 : i32
    }
    %scan3A_16 = arith.constant 32 : i32
    %add3A_17 = arith.constant 31 : i32
    %add3A_18 = arith.addi %mul3A_2, %add3A_17 : i32
    %mul3A_19 = arith.constant 80 : i32
    %mul3A_20 = arith.muli %add3A_18, %mul3A_19 : i32
    %add3A_21 = arith.constant 24 : i32
    %add3A_22 = arith.addi %mul3A_20, %add3A_21 : i32
    %dma_wait3A = arith.constant 0 : i32
    %dma_wait3A_23 = tpu.memref_slice %arg5[%add3A_22, %dma_wait3A] : memref<81920x768xf32, #tpu.memory_space<hbm>> -> memref<24x768xf32, #tpu.memory_space<hbm>>
    %dma_wait3A_24 = arith.constant 0 : i32
    %dma_wait3A_25 = tpu.memref_slice %arg5[%add3A_22, %dma_wait3A_24] : memref<81920x768xf32, #tpu.memory_space<hbm>> -> memref<24x768xf32, #tpu.memory_space<hbm>>
    tpu.wait_dma2 semaphore(%arg15 : memref<!tpu.dma_semaphore, #tpu.memory_space<semaphore_mem>>) src(%arg9 : memref<24x768xf32, #tpu.memory_space<vmem>>) dst(%dma_wait3A_25 : memref<24x768xf32, #tpu.memory_space<hbm>>)
    %add3A_26 = arith.constant 31 : i32
    %add3A_27 = arith.addi %mul3A_2, %add3A_26 : i32
    %mul3A_28 = arith.constant 80 : i32
    %mul3A_29 = arith.muli %add3A_27, %mul3A_28 : i32
    %add3A_30 = arith.constant 48 : i32
    %add3A_31 = arith.addi %mul3A_29, %add3A_30 : i32
    %dma_wait3A_32 = arith.constant 0 : i32
    %dma_wait3A_33 = tpu.memref_slice %arg5[%add3A_31, %dma_wait3A_32] : memref<81920x768xf32, #tpu.memory_space<hbm>> -> memref<32x768xf32, #tpu.memory_space<hbm>>
    %dma_wait3A_34 = arith.constant 0 : i32
    %dma_wait3A_35 = tpu.memref_slice %arg5[%add3A_31, %dma_wait3A_34] : memref<81920x768xf32, #tpu.memory_space<hbm>> -> memref<32x768xf32, #tpu.memory_space<hbm>>
    tpu.wait_dma2 semaphore(%arg16 : memref<!tpu.dma_semaphore, #tpu.memory_space<semaphore_mem>>) src(%arg10 : memref<32x768xf32, #tpu.memory_space<vmem>>) dst(%dma_wait3A_35 : memref<32x768xf32, #tpu.memory_space<hbm>>)
    return
  }
}

</mosaic_0001>

<sc_bundles>
// kernel: _emb.3.cloned.1.call-start
scs
__scs_entry_jumppad:
0x0: {  	(pc) =	sbr.rel $0x88, $3  }
0x1: {  	(tag) =	ssettag $0x0;
	lr =	simm.s32 $0x1  }
0x2: {  	[smem:$0x3F9E] =	sst lr;
	_ =	strace $0xD0000000  }
0x3: {  	_ = 	snop  }
0x4: {  	_ = 	snop  }
0x5: {  	_ = 	snop  }
0x6: {  	_ = 	snop  }
0x7: {  	_ = 	snop  }
__scs_overlays_trampoline_lowered:
0x8: {  	[smem:$0x3FAD] =	sst s0  }
0x9: {  	[smem:$0x3FAE] =	sst s1  }
0xa: {  	[smem:$0x3FAF] =	sst s2  }
0xb: {  	[smem:$0x3FB0] =	sst s3  }
0xc: {  	[smem:$0x3FB1] =	sst s4  }
0xd: {  	[smem:$0x3FB2] =	sst s5  }
0xe: {  	[smem:$0x3FB3] =	sst s6  }
0xf: {  	[smem:$0x3FB4] =	sst s7  }
0x10: {  	[smem:$0x3FB5] =	sst s8  }
0x11: {  	[smem:$0x3FB6] =	sst s9;
	s0 =	simm.s32 @!p0 $0x0  }
0x12: {  	s1 =	sld [smem:$0x3F9C];
	s0 =	simm.s32 @p0 $0x1  }
0x13: {  	[smem:$0x3FB7] =	sst s0;
	s0 =	simm.s32 @!p1 $0x0  }
0x14: {  	s2 =	sld [smem:$0x3F9B];
	s0 =	simm.s32 @p1 $0x1  }
0x15: {  	[smem:$0x3FB8] =	sst s0;
	s0 =	simm.s32 @!p2 $0x0  }
0x16: {  	s3 =	sld [smem:$0x3FDB];
	s0 =	simm.s32 @p2 $0x1  }
0x17: {  	s4 =	simm.s32 $0x1BF5;
	[smem:$0x3FBA] =	sst s0  }
0x18: {  	s0 =	sld [smem:$0x3F9D];
	_ =	swait.ge [sflag:s4], $0x0  }
0x19: {  	s7 =	sld [smem:$0x3F9E]  }
0x1a: {  	s8 =	sadd.s32 $0xFFFFE003, lr  }
0x1b: {  	s9 =	sadd.s32 $0xFFFFFEF7, lr;
	s5 =	simm.s32 $0xFFFFFFFF;
	p2 =	slt.u32 s8, $0xFFFFF086  }
0x1c: {  	p1 =	slt.u32 s9, $0xF7A;
	s5 =	simm.s32 @!p2 $0x0  }
0x1d: {  	s5 =	simm.s32 @p1 $0x1;
	p0 =	seq.s32 s7, s2  }
0x1e: {  	s7 =	smul.u32 @!p0 $0xF7A, s2;
	p2 =	seq.s32 @!p0 s5, $0x0  }
0x1f: {  	s9 =	smul.u32 $0xF7A, s1;
	s8 =	simm.s32 @!p0 $0x1BF5;
	p2 =	por !p2, p0  }
0x20: {  	[sflag:s8] =	ssyncset.s32 @!p0 $0xFFFFF086;
	s6 =	sadd.s32 @!p0 s3, s7;
	s7 =	simm.s32 @!p0 $0x108  }
0x21: {  	s3 =	sadd.s32 s3, s9;
	s6 =	sadd.s32 @!p0 $0x88, s6;
	s7 =	simm.s32 @p2 $0x1082  }
0x22: {  	[simem:s7], [sflag:s8] =	dma.local @!p0 [hbm:s6], $0xF7A  }
0x23: {  	s9 =	sor.u32 $0xD0000000, s2;
	s6 =	simm.s32 $0x108;
	_ =	swait.ge @!p0 [sflag:s8], $0x0  }
0x24: {  	s3 =	sadd.s32 $0x88, s3;
	s6 =	simm.s32 @!p1 $0x1082;
	[sflag:s4] =	ssyncset.s32 $0xFFFFF086  }
0x25: {  	[simem:s6], [sflag:s4] =	dma.local [hbm:s3], $0xF7A  }
0x26: {  	[smem:$0x3F9E] =	sst s1;
	(tag) =	ssettag s2;
	_ =	strace s9  }
0x27: {  	s1 =	sld [smem:$0x3FAE]  }
0x28: {  	s2 =	sld [smem:$0x3FAF]  }
0x29: {  	s4 =	sld [smem:$0x3FB1]  }
0x2a: {  	p0 =	seq.s32 s5, $0x0;
	s5 =	sld [smem:$0x3FB2]  }
0x2b: {  	s6 =	sld [smem:$0x3FB3]  }
0x2c: {  	s7 =	sld [smem:$0x3FB4]  }
0x2d: {  	s3 =	simm.s32 $0x108;
	s8 =	sld [smem:$0x3FB5]  }
0x2e: {  	s3 =	simm.s32 @!p0 $0x1082;
	s9 =	sld [smem:$0x3FB6]  }
0x2f: {  	lr =	sadd.s32 s0, s3;
	s0 =	sld [smem:$0x3FAD]  }
0x30: {  	s3 =	sld [smem:$0x3FB0]  }
0x31: {  	[smem:$0x3FB9] =	sst s10  }
0x32: {  	s10 =	sld [smem:$0x3FB7];
	_ =	sdelay $0x3  }
0x33: {  	p0 =	seq.s32 s10, $0x1;
	s10 =	sld [smem:$0x3FB9];
	_ =	sdelay $0x3  }
0x34: {  	[smem:$0x3FB9] =	sst s10  }
0x35: {  	s10 =	sld [smem:$0x3FB8];
	_ =	sdelay $0x3  }
0x36: {  	p1 =	seq.s32 s10, $0x1;
	s10 =	sld [smem:$0x3FB9];
	_ =	sdelay $0x3  }
0x37: {  	[smem:$0x3FB9] =	sst s10  }
0x38: {  	s10 =	sld [smem:$0x3FBA]  }
0x39: {  	_ = 	snop;
	(pc) =	sbr.ind lr, $3  }
0x3a: {  	_ = 	snop  }
0x3b: {  	_ = 	snop  }
0x3c: {  	p2 =	seq.s32 s10, $0x1;
	s10 =	sld [smem:$0x3FB9]  }
0x3d: {  	_ =	shalt  }
0x3e: {  	_ =	shalt  }
0x3f: {  	_ =	shalt  }
0x40: {  	_ =	shalt  }
0x41: {  	_ =	shalt  }
0x42: {  	_ =	shalt  }
0x43: {  	_ =	shalt  }
0x44: {  	_ =	shalt  }
0x45: {  	_ =	shalt  }
0x46: {  	_ =	shalt  }
0x47: {  	_ =	shalt  }
0x48: {  	_ =	shalt  }
0x49: {  	_ =	shalt  }
0x4a: {  	_ =	shalt  }
0x4b: {  	_ =	shalt  }
0x4c: {  	_ =	shalt  }
0x4d: {  	_ =	shalt  }
0x4e: {  	_ =	shalt  }
0x4f: {  	_ =	shalt  }
0x50: {  	_ =	shalt  }
0x51: {  	_ =	shalt  }
0x52: {  	_ =	shalt  }
0x53: {  	_ =	shalt  }
0x54: {  	_ =	shalt  }
0x55: {  	_ =	shalt  }
0x56: {  	_ =	shalt  }
0x57: {  	_ =	shalt  }
0x58: {  	_ =	shalt  }
0x59: {  	_ =	shalt  }
0x5a: {  	_ =	shalt  }
0x5b: {  	_ =	shalt  }
0x5c: {  	_ =	shalt  }
0x5d: {  	_ =	shalt  }
0x5e: {  	_ =	shalt  }
0x5f: {  	_ =	shalt  }
0x60: {  	_ =	shalt  }
0x61: {  	_ =	shalt  }
0x62: {  	_ =	shalt  }
0x63: {  	_ =	shalt  }
0x64: {  	_ =	shalt  }
0x65: {  	_ =	shalt  }
0x66: {  	_ =	shalt  }
0x67: {  	_ =	shalt  }
0x68: {  	_ =	shalt  }
0x69: {  	_ =	shalt  }
0x6a: {  	_ =	shalt  }
0x6b: {  	_ =	shalt  }
0x6c: {  	_ =	shalt  }
0x6d: {  	_ =	shalt  }
0x6e: {  	_ =	shalt  }
0x6f: {  	_ =	shalt  }
0x70: {  	_ =	shalt  }
0x71: {  	_ =	shalt  }
0x72: {  	_ =	shalt  }
0x73: {  	_ =	shalt  }
0x74: {  	_ =	shalt  }
0x75: {  	_ =	shalt  }
0x76: {  	_ =	shalt  }
0x77: {  	_ =	shalt  }
0x78: {  	_ =	shalt  }
0x79: {  	_ =	shalt  }
0x7a: {  	_ =	shalt  }
0x7b: {  	_ =	shalt  }
0x7c: {  	_ =	shalt  }
0x7d: {  	_ =	shalt  }
0x7e: {  	_ =	shalt  }
0x7f: {  	_ =	shalt  }
0x80: {  	_ =	shalt  }
0x81: {  	_ =	shalt  }
0x82: {  	_ =	shalt  }
0x83: {  	_ =	shalt  }
0x84: {  	_ =	shalt  }
0x85: {  	_ =	shalt  }
0x86: {  	_ =	shalt  }
0x87: {  	_ =	shalt  }
.Lfunc_end0:
.L_simem_size_0:
called_computation_lowered:
.L_overlay_start_0:
0x88: {  	s2 =	sld [smem:$0x3FD9]  }
0x89: {  	s3 =	sld [smem:$0x3FFE];
	_ =	sdelay $0x1  }
0x8a: {  	s1 =	srdreg.scid  }
0x8b: {  	s0 =	sand.u32 $0x1, s1  }
0x8c: {  	s18 =	sshll.u32 s0, $0xA;
	s2 =	sadd.s32 s3, s2  }
0x8d: {  	s2 =	sadd.s32 s2, s18  }
0x8e: {  	[smem:$0x3FC5] =	sst s2  }
0x8f: {  	_ = 	snop  }
0x90: {  	s2 =	sld [smem:$0x3FC9]  }
0x91: {  	s19 =	sld [smem:$0x3FC8]  }
0x92: {  	s4 =	sld [smem:$0x3FC7]  }
0x93: {  	s5 =	sld [smem:$0x3FD0];
	(tm) =	ssettm $0x1  }
0x94: {  	s6 =	sld [smem:$0x3FFB];
	_ =	sdelay $0x3  }
0x95: {  	_ =	strace s6  }
0x96: {  	s6 =	sld [smem:$0x3FFC];
	_ =	sdelay $0x3  }
0x97: {  	_ =	strace s6  }
0x98: {  	s6 =	sld [smem:$0x3FFD];
	_ =	sdelay $0x3  }
0x99: {  	_ =	strace s6  }
0x9a: {  	_ =	strace $0x8FFFFFFF  }
0x9b: {  	s20 =	sld [smem:$0x3FDB];
	_ =	sdelay $0x1  }
0x9c: {  	s7 =	simm.s32 $_scs_section_size  }
0x9d: {  	s8 =	simm.s32 $_size__tile_overlayer_lowered;
	s9 =	simm.s32 $_tile_overlayer_lowered  }
0x9e: {  	s23 =	simm.s32 $0x1BFF;
	s22 =	sshll.u32 s9, $0x1;
	s6 =	sadd.s32 s7, s20  }
0x9f: {  	s10 =	simm.s32 $0x0;
	s21 =	sshll.u32 s8, $0x1;
	s8 =	sadd.s32 s22, s6  }
0xa0: {  	[timem:s10], [sflag:s23] =	dma.local [hbm:s8], s21  }
0xa1: {  	_ =	swait.ge [sflag:s23], s21  }
0xa2: {  	s7 =	ssub.s32 $0x0, s21;
	[sflag:s23] =	ssyncset.done $0x0  }
0xa3: {  	[sflag:s23] =	ssyncadd.s32 s7;
	_ =	sdelay $0x1  }
0xa4: {  	s24 =	simm.s32 $0x1B8B  }
0xa5: {  	_ =	swait.ge [sflag:s24], $0x1  }
0xa6: {  	[sflag:s24] =	ssyncset.done $0x0  }
0xa7: {  	s25 =	simm.s32 $0x1B8E;
	[sflag:s24] =	ssyncadd.s32 $0xFFFFFFFF  }
0xa8: {  	s26 =	simm.s32 $execute0_lowered;
	[smem:$0x3FD2] =	sst s25  }
0xa9: {  	s7 =	sshll.u32 s26, $0x1;
	_ =	strace $0x80000046;
	[dreg:$0x1] =	wrdreg $0xFFFFFFFF  }
0xaa: {  	s28 =	simm.s32 $_size_execute0_lowered;
	s6 =	sadd.s32 s6, s7;
	[dreg:$0x0] =	wrdreg $0x0  }
0xab: {  	s7 =	sshll.u32 s28, $0x1;
	[dreg:$0x2] =	wrdreg s6  }
0xac: {  	[dreg:$0x3] =	wrdreg s7  }
0xad: {  	[dreg:$0x4] =	wrdreg $0xC0  }
0xae: {  	_ =	task [dreg:s10], $0x5FFFF  }
0xaf: {  	[dreg:$0x1] =	wrdreg $0xFFFFFFFF  }
0xb0: {  	[dreg:$0x0] =	wrdreg $0x60  }
0xb1: {  	[dreg:$0x2] =	wrdreg s19  }
0xb2: {  	[dreg:$0x3] =	wrdreg s2  }
0xb3: {  	[dreg:$0x4] =	wrdreg s4  }
0xb4: {  	[dreg:$0x5] =	wrdreg s5  }
0xb5: {  	[dreg:$0x6] =	wrdreg $0x9  }
0xb6: {  	_ =	task.clear_ibuf [dreg:s10], $0x7FFFF;
	_ =	strace $0x90000046  }
0xb7: {  	s29 =	simm.s32 $0x9;
	_ =	strace $0x80000048  }
0xb8: {  	_ =	swait.ge [sflag:s29], $0x1  }
0xb9: {  	[sflag:s29] =	ssyncadd.s32 $0xFFFFFFFF  }
0xba: {  	_ =	strace $0x90000048  }
0xbb: {  	_ =	sfence  }
0xbc: {  	s30 =	sld [smem:$0x0];
	_ =	sdelay $0x2  }
0xbd: {  	s31 =	sshll.u32 s1, $0xD;
	s1 =	sshrl.u32 s1, $0x2  }
0xbe: {  	s3 =	sand.u32 $0x4000, s31;
	s1 =	sadd.s32 s1, s30  }
0xbf: {  	s0 =	sor.u32 s3, s0;
	s1 =	sshll.u32 s1, $0x11  }
0xc0: {  	s0 =	sor.u32 s1, s0  }
0xc1: {  	s0 =	sadd.s32 $0x8F2B, s0  }
0xc2: {  	[sflag:s0] =	ssyncadd.remote.s32 $0x1  }
0xc3: {  	_ =	sfence.sel $0xFFFF  }
0xc4: {  	[dreg:$0x0] =	wrdreg $0xFFFFFFFF;
	(pc) =	sbr.abs _section_cstart, $3  }
0xc5: {  	[dreg:$0x1] =	wrdreg $0xFFFFFFFF  }
0xc6: {  	_ =	task.clear_ibuf [dreg:s10], $0x2FFFF;
	_ =	strace $0x9FFFFFFF  }
0xc7: {  	(tm) =	ssettm $0x7FFFFFFF  }
tec
execute0_lowered:
.L_overlay_start_1:
0x0: {  	(tag) =	ssettag $0x1  }
0x1: {  	s1 =	rddreg [dreg:$0x0]  }
0x2: {  	s0 =	rddreg [dreg:$0x1]  }
0x3: {  	s2 =	srdreg.scid;
	s3 =	stileid.u32  }
0x4: {  	s4 =	rddreg [dreg:$0x3];
	s5 =	simm.s32 $0x0;
	s13 =	simm.s32 $0xFA00  }
0x5: {  	s22 =	simm.s32 $0x14200;
	s10 =	simm.s32 $0x2;
	s11 =	simm.s32 $0x4  }
0x6: {  	s23 =	simm.s32 $0x3;
	s2 =	sand.u32 $0x1, s2;
	s3 =	sshll.u32 s3, $0x1  }
0x7: {  	s14 =	simm.s32 $0x0;
	[smem:$0x7FF] =	sst s5;
	s3 =	sor.u32 s2, s3  }
0x8: {  	s8 =	sadd.s32 $0x100, s1;
	s2 =	ssub.s32 $0x2, s2;
	s7 =	smul.u32 $0x140, s3  }
0x9: {  	s9 =	sadd.s32 $0x200, s1;
	_ =	strace $0x80000047;
	s6 =	sshrl.u32 s2, $0x1  }
0xa: {  	v2 =	vlaneseq.u32;
	s2 =	ssub.s32 s2, s6;
	s6 =	sshll.u32 s3, $0x5;
	s0 =	sadd.s32 s0, s7  }
0xb: {  	vm0 =	vmmov $0xffff;
	v1 =	vshrl.u32 v2, $0x3;
	s31 =	smax.u32 s2, $0x1;
	s2 =	simm.s32 $0x1;
	[dreg:$0x5] =	wrdreg s0  }
0xc: {  	v0 =	vand.u32 $0x7, v2;
	v2 =	vor.u32 $0x8, v2;
	v1 =	vmul.u32 $0x8, v1;
	s7 =	simm.s32 $0x1E200;
	[dreg:$0x6] =	wrdreg s31;
	s0 =	simm.s32 $0x18A00  }
.LBB2_1:
0xd: {  	[dreg:$0x7] =	wrdreg s14  }
0xe: {  	s3 =	rddreg [dreg:$0x5];
	s12 =	simm.s32 $0x7  }
0xf: {  	[tilespmem:s5], [sflag:$0x7] =	stream.linear.gather [hbm4b:s3+s5], $0xA00, $0x38;
	[tilespmem:$0x1EA00] =	vst v63  }
0x10: {  	_ =	swait.ge [sflag:s12], $0xA00  }
0x11: {  	[sflag:s12] =	ssyncset.done $0x0  }
0x12: {  	[sflag:s12] =	ssyncadd.s32 $0xFFFFF600  }
0x13: {  	s20 =	simm.s32 $0xA00;
	s19 =	rddreg [dreg:$0x2]  }
0x14: {  	[tilespmem:s20], [sflag:$0x7] =	stream.linear.gather [hbm4b:s19+s5], $0xF000, $0x38;
	[tilespmem:$0x1EA00] =	vst v63  }
0x15: {  	_ =	swait.ge [sflag:s12], $0xF000  }
0x16: {  	[sflag:s12] =	ssyncset.done $0x0  }
0x17: {  	[sflag:s12] =	ssyncadd.s32 $0xFFFF1000  }
0x18: {  	v3 =	vld [tilespmem:$0x0];
	_ =	sdelay $0x4  }
0x19: {  	v4 =	vshrl.u32 v3, $0x3  }
0x1a: {  	v4 =	vmul.u32 $0x30, v4  }
0x1b: {  	v3 =	vand.u32 $0x7, v3  }
0x1c: {  	v3 =	vor.u32 v3, v4  }
0x1d: {  	v4 =	vperm.xlane v3, v0;
	_ =	sdelay $0x1  }
0x1e: {  	v4 =	vadd.s32 v1, v4;
	_ =	sdelay $0x3  }
0x1f: {  	v3 =	vperm.xlane v3, v2  }
0x20: {  	[tilespmem:s13], [sflag:$0x1] =	stream.indirect_vreg.gather [hbm4b:s1+s5], $0x80, v4, vm0, $0xb8;
	[tilespmem:$0x1EA00] =	vst v63  }
0x21: {  	s21 =	simm.s32 $0x10200;
	v3 =	vadd.s32 v1, v3  }
0x22: {  	[tilespmem:s21], [sflag:$0x1] =	stream.indirect_vreg.gather [hbm4b:s8+s5], $0x80, v4, vm0, $0xb8;
	[tilespmem:$0x1EA00] =	vst v63  }
0x23: {  	s24 =	simm.s32 $0x10A00  }
0x24: {  	[tilespmem:s24], [sflag:$0x1] =	stream.indirect_vreg.gather [hbm4b:s9+s5], $0x80, v4, vm0, $0xb8;
	[tilespmem:$0x1EA00] =	vst v63  }
0x25: {  	s25 =	simm.s32 $0x11200  }
0x26: {  	[tilespmem:s25], [sflag:$0x1] =	stream.indirect_vreg.gather [hbm4b:s1+s5], $0x80, v3, vm0, $0xb8;
	[tilespmem:$0x1EA00] =	vst v63  }
0x27: {  	s26 =	simm.s32 $0x11A00  }
0x28: {  	[tilespmem:s26], [sflag:$0x1] =	stream.indirect_vreg.gather [hbm4b:s8+s5], $0x80, v3, vm0, $0xb8;
	[tilespmem:$0x1EA00] =	vst v63  }
0x29: {  	s28 =	simm.s32 $0x12200  }
0x2a: {  	[tilespmem:s28], [sflag:$0x1] =	stream.indirect_vreg.gather [hbm4b:s9+s5], $0x80, v3, vm0, $0xb8;
	[tilespmem:$0x1EA00] =	vst v63  }
0x2b: {  	v3 =	vld.msk [tilespmem:$0x10], $0xff;
	_ =	sdelay $0x4  }
0x2c: {  	v63 =	vshrl.u32 v3, $0x3  }
0x2d: {  	v4 =	vmul.u32 $0x30, v63  }
0x2e: {  	v3 =	vand.u32 $0x7, v3  }
0x2f: {  	v3 =	vor.u32 v3, v4  }
0x30: {  	v3 =	vperm.xlane v3, v0;
	_ =	sdelay $0x1  }
0x31: {  	v3 =	vadd.s32 v1, v3;
	_ =	sdelay $0x3  }
0x32: {  	s29 =	simm.s32 $0x12A00  }
0x33: {  	[tilespmem:s29], [sflag:$0x1] =	stream.indirect_vreg.gather [hbm4b:s1+s5], $0x80, v3, vm0, $0xb8;
	[tilespmem:$0x1EA00] =	vst v63  }
0x34: {  	s30 =	simm.s32 $0x13200  }
0x35: {  	[tilespmem:s30], [sflag:$0x1] =	stream.indirect_vreg.gather [hbm4b:s8+s5], $0x80, v3, vm0, $0xb8;
	[tilespmem:$0x1EA00] =	vst v63  }
0x36: {  	s31 =	simm.s32 $0x13A00;
	s25 =	simm.s32 $0x0  }
0x37: {  	[tilespmem:s31], [sflag:$0x1] =	stream.indirect_vreg.gather [hbm4b:s9+s5], $0x80, v3, vm0, $0xb8;
	[tilespmem:$0x1EA00] =	vst v63  }
.LBB2_2:
0x38: {  	p0 =	seq.s32 s25, $0x0  }
0x39: {  	s3 =	simm.s32 @!p0 $0x5  }
0x3a: {  	s12 =	smul.u32 $0x140, s25;
	_ =	swait.ge @!p0 [sflag:s3], $0x4800  }
0x3b: {  	[sflag:s3] =	ssyncset.done @!p0 $0x0  }
0x3c: {  	[sflag:s3] =	ssyncadd.s32 @!p0 $0xFFFFB800;
	s3 =	sshra.s32 s12, $0x2  }
0x3d: {  	v3 =	vld [tilespmem:s3+$0x18];
	_ =	sdelay $0x4  }
0x3e: {  	v4 =	vshrl.u32 v3, $0x3  }
0x3f: {  	v4 =	vmul.u32 $0x30, v4  }
0x40: {  	v3 =	vand.u32 $0x7, v3  }
0x41: {  	v3 =	vor.u32 v3, v4  }
0x42: {  	v4 =	vperm.xlane v3, v0;
	_ =	sdelay $0x1  }
0x43: {  	v4 =	vadd.s32 v1, v4;
	_ =	sdelay $0x3  }
0x44: {  	s12 =	simm.s32 $0x0;
	v3 =	vperm.xlane v3, v2  }
0x45: {  	[tilespmem:s22], [sflag:$0x2] =	stream.indirect_vreg.gather [hbm4b:s1+s12], $0x80, v4, vm0, $0xb8;
	[tilespmem:$0x1EA00] =	vst v63  }
0x46: {  	s14 =	simm.s32 $0x14A00;
	v3 =	vadd.s32 v1, v3  }
0x47: {  	[tilespmem:s14], [sflag:$0x2] =	stream.indirect_vreg.gather [hbm4b:s8+s12], $0x80, v4, vm0, $0xb8;
	[tilespmem:$0x1EA00] =	vst v63  }
0x48: {  	s21 =	simm.s32 $0x15200  }
0x49: {  	[tilespmem:s21], [sflag:$0x2] =	stream.indirect_vreg.gather [hbm4b:s9+s12], $0x80, v4, vm0, $0xb8;
	[tilespmem:$0x1EA00] =	vst v63  }
0x4a: {  	s24 =	simm.s32 $0x15A00  }
0x4b: {  	[tilespmem:s24], [sflag:$0x2] =	stream.indirect_vreg.gather [hbm4b:s1+s12], $0x80, v3, vm0, $0xb8;
	[tilespmem:$0x1EA00] =	vst v63  }
0x4c: {  	s26 =	simm.s32 $0x16200  }
0x4d: {  	[tilespmem:s26], [sflag:$0x2] =	stream.indirect_vreg.gather [hbm4b:s8+s12], $0x80, v3, vm0, $0xb8;
	[tilespmem:$0x1EA00] =	vst v63  }
0x4e: {  	s28 =	simm.s32 $0x16A00  }
0x4f: {  	[tilespmem:s28], [sflag:$0x2] =	stream.indirect_vreg.gather [hbm4b:s9+s12], $0x80, v3, vm0, $0xb8;
	[tilespmem:$0x1EA00] =	vst v63  }
0x50: {  	v3 =	vld.msk [tilespmem:s3+$0x28], $0xff;
	_ =	sdelay $0x4  }
0x51: {  	v63 =	vshrl.u32 v3, $0x3  }
0x52: {  	v4 =	vmul.u32 $0x30, v63  }
0x53: {  	v3 =	vand.u32 $0x7, v3  }
0x54: {  	v3 =	vor.u32 v3, v4  }
0x55: {  	v3 =	vperm.xlane v3, v0;
	_ =	sdelay $0x1  }
0x56: {  	v3 =	vadd.s32 v1, v3;
	_ =	sdelay $0x3  }
0x57: {  	s29 =	simm.s32 $0x17200  }
0x58: {  	[tilespmem:s29], [sflag:$0x2] =	stream.indirect_vreg.gather [hbm4b:s1+s12], $0x80, v3, vm0, $0xb8;
	[tilespmem:$0x1EA00] =	vst v63  }
0x59: {  	s30 =	simm.s32 $0x17A00  }
0x5a: {  	[tilespmem:s30], [sflag:$0x2] =	stream.indirect_vreg.gather [hbm4b:s8+s12], $0x80, v3, vm0, $0xb8;
	[tilespmem:$0x1EA00] =	vst v63  }
0x5b: {  	s31 =	simm.s32 $0x18200  }
0x5c: {  	[tilespmem:s31], [sflag:$0x2] =	stream.indirect_vreg.gather [hbm4b:s9+s12], $0x80, v3, vm0, $0xb8;
	[tilespmem:$0x1EA00] =	vst v63  }
0x5d: {  	_ =	swait.ge [sflag:s2], $0x4800  }
0x5e: {  	[sflag:s2] =	ssyncset.done $0x0  }
0x5f: {  	s14 =	simm.s32 $0x0;
	[sflag:s2] =	ssyncadd.s32 $0xFFFFB800  }
.LBB2_3:
0x60: {  	s15 =	sshrl.u32 s14, $0x3  }
0x61: {  	s15 =	smul.u32 $0x1800, s15  }
0x62: {  	s16 =	sand.u32 $0x380, s12  }
0x63: {  	s15 =	sor.u32 s16, s15  }
0x64: {  	v3 =	vld [tilespmem:s15+$0xA00]  }
0x65: {  	v4 =	vld [tilespmem:s15+$0xA10]  }
0x66: {  	v5 =	vld [tilespmem:s15+$0xA20]  }
0x67: {  	v6 =	vld [tilespmem:s15+$0xA30]  }
0x68: {  	v7 =	vld [tilespmem:s15+$0xA40]  }
0x69: {  	v8 =	vld [tilespmem:s15+$0xA50]  }
0x6a: {  	v9 =	vld [tilespmem:s15+$0xA60]  }
0x6b: {  	v10 =	vld [tilespmem:s15+$0xA70]  }
0x6c: {  	v11 =	vld [tilespmem:s15+$0xE00]  }
0x6d: {  	v12 =	vld [tilespmem:s15+$0xE10]  }
0x6e: {  	v13 =	vld [tilespmem:s15+$0xE20]  }
0x6f: {  	v14 =	vld [tilespmem:s15+$0xE30]  }
0x70: {  	v15 =	vld [tilespmem:s15+$0xE40]  }
0x71: {  	v16 =	vld [tilespmem:s15+$0xE50]  }
0x72: {  	v17 =	vld [tilespmem:s15+$0xE60]  }
0x73: {  	v18 =	vld [tilespmem:s15+$0xE70]  }
0x74: {  	v49 =	vld [tilespmem:s15+$0x1210]  }
0x75: {  	v50 =	vld [tilespmem:s15+$0x1220]  }
0x76: {  	v51 =	vld [tilespmem:s15+$0x1230]  }
0x77: {  	v52 =	vld [tilespmem:s15+$0x1240]  }
0x78: {  	v53 =	vld [tilespmem:s15+$0x1250]  }
0x79: {  	v54 =	vld [tilespmem:s15+$0x1260]  }
0x7a: {  	v55 =	vld [tilespmem:s15+$0x1270]  }
0x7b: {  	v56 =	vld [tilespmem:s15+$0x1600]  }
0x7c: {  	v57 =	vld [tilespmem:s15+$0x1610]  }
0x7d: {  	v58 =	vld [tilespmem:s15+$0x1620]  }
0x7e: {  	v59 =	vld [tilespmem:s15+$0x1630]  }
0x7f: {  	v60 =	vld [tilespmem:s15+$0x1640]  }
0x80: {  	v61 =	vld [tilespmem:s15+$0x1650]  }
0x81: {  	v62 =	vld [tilespmem:s15+$0x1660]  }
0x82: {  	v63 =	vld [tilespmem:s15+$0x1670]  }
0x83: {  	[tilespmem:s15+$0xFA00] =	vst.add.f32.msk $0xffff, v3  }
0x84: {  	[tilespmem:s15+$0xFA10] =	vst.add.f32.msk $0xffff, v4  }
0x85: {  	[tilespmem:s15+$0xFA20] =	vst.add.f32.msk $0xffff, v5  }
0x86: {  	[tilespmem:s15+$0xFA30] =	vst.add.f32.msk $0xffff, v6  }
0x87: {  	[tilespmem:s15+$0xFA40] =	vst.add.f32.msk $0xffff, v7  }
0x88: {  	[tilespmem:s15+$0xFA50] =	vst.add.f32.msk $0xffff, v8  }
0x89: {  	[tilespmem:s15+$0xFA60] =	vst.add.f32.msk $0xffff, v9  }
0x8a: {  	[tilespmem:s15+$0xFA70] =	vst.add.f32.msk $0xffff, v10  }
0x8b: {  	[tilespmem:s15+$0xFE00] =	vst.add.f32.msk $0xffff, v11  }
0x8c: {  	[tilespmem:s15+$0xFE10] =	vst.add.f32.msk $0xffff, v12  }
0x8d: {  	[tilespmem:s15+$0xFE20] =	vst.add.f32.msk $0xffff, v13  }
0x8e: {  	[tilespmem:s15+$0xFE30] =	vst.add.f32.msk $0xffff, v14  }
0x8f: {  	[tilespmem:s15+$0xFE40] =	vst.add.f32.msk $0xffff, v15  }
0x90: {  	[tilespmem:s15+$0xFE50] =	vst.add.f32.msk $0xffff, v16  }
0x91: {  	[tilespmem:s15+$0xFE60] =	vst.add.f32.msk $0xffff, v17  }
0x92: {  	[tilespmem:s15+$0xFE70] =	vst.add.f32.msk $0xffff, v18  }
0x93: {  	s16 =	sadd.s32 $0x800, s15;
	v3 =	vld [tilespmem:s15+$0x1200]  }
0x94: {  	[tilespmem:s16+$0xFA10] =	vst.add.f32.msk $0xffff, v49  }
0x95: {  	[tilespmem:s16+$0xFA20] =	vst.add.f32.msk $0xffff, v50  }
0x96: {  	[tilespmem:s16+$0xFA30] =	vst.add.f32.msk $0xffff, v51  }
0x97: {  	[tilespmem:s16+$0xFA40] =	vst.add.f32.msk $0xffff, v52  }
0x98: {  	[tilespmem:s16+$0xFA50] =	vst.add.f32.msk $0xffff, v53  }
0x99: {  	[tilespmem:s16+$0xFA60] =	vst.add.f32.msk $0xffff, v54  }
0x9a: {  	[tilespmem:s16+$0xFA70] =	vst.add.f32.msk $0xffff, v55  }
0x9b: {  	s24 =	sadd.s32 $0xC00, s15;
	[tilespmem:s16+$0xFA00] =	vst.add.f32.msk $0xffff, v3  }
0x9c: {  	[tilespmem:s24+$0xFA00] =	vst.add.f32.msk $0xffff, v56  }
0x9d: {  	[tilespmem:s24+$0xFA10] =	vst.add.f32.msk $0xffff, v57  }
0x9e: {  	[tilespmem:s24+$0xFA20] =	vst.add.f32.msk $0xffff, v58  }
0x9f: {  	[tilespmem:s24+$0xFA30] =	vst.add.f32.msk $0xffff, v59  }
0xa0: {  	[tilespmem:s24+$0xFA40] =	vst.add.f32.msk $0xffff, v60  }
0xa1: {  	[tilespmem:s24+$0xFA50] =	vst.add.f32.msk $0xffff, v61  }
0xa2: {  	[tilespmem:s24+$0xFA60] =	vst.add.f32.msk $0xffff, v62  }
0xa3: {  	[tilespmem:s24+$0xFA70] =	vst.add.f32.msk $0xffff, v63  }
0xa4: {  	v3 =	vld [tilespmem:s15+$0x1A00]  }
0xa5: {  	v4 =	vld [tilespmem:s15+$0x1A10]  }
0xa6: {  	v5 =	vld [tilespmem:s15+$0x1A20]  }
0xa7: {  	v6 =	vld [tilespmem:s15+$0x1A30]  }
0xa8: {  	v7 =	vld [tilespmem:s15+$0x1A40]  }
0xa9: {  	v8 =	vld [tilespmem:s15+$0x1A50]  }
0xaa: {  	v9 =	vld [tilespmem:s15+$0x1A60]  }
0xab: {  	v10 =	vld [tilespmem:s15+$0x1A70]  }
0xac: {  	v11 =	vld [tilespmem:s15+$0x1E00]  }
0xad: {  	v12 =	vld [tilespmem:s15+$0x1E10]  }
0xae: {  	v13 =	vld [tilespmem:s15+$0x1E20]  }
0xaf: {  	v14 =	vld [tilespmem:s15+$0x1E30]  }
0xb0: {  	v15 =	vld [tilespmem:s15+$0x1E40]  }
0xb1: {  	v16 =	vld [tilespmem:s15+$0x1E50]  }
0xb2: {  	v17 =	vld [tilespmem:s15+$0x1E60]  }
0xb3: {  	s31 =	sadd.s32 $0x1000, s15;
	v18 =	vld [tilespmem:s15+$0x1E70]  }
0xb4: {  	[tilespmem:s31+$0xFA00] =	vst.add.f32.msk $0xffff, v3  }
0xb5: {  	[tilespmem:s31+$0xFA10] =	vst.add.f32.msk $0xffff, v4  }
0xb6: {  	[tilespmem:s31+$0xFA20] =	vst.add.f32.msk $0xffff, v5  }
0xb7: {  	[tilespmem:s31+$0xFA30] =	vst.add.f32.msk $0xffff, v6  }
0xb8: {  	[tilespmem:s31+$0xFA40] =	vst.add.f32.msk $0xffff, v7  }
0xb9: {  	[tilespmem:s31+$0xFA50] =	vst.add.f32.msk $0xffff, v8  }
0xba: {  	[tilespmem:s31+$0xFA60] =	vst.add.f32.msk $0xffff, v9  }
0xbb: {  	s15 =	sadd.s32 $0x1400, s15;
	[tilespmem:s31+$0xFA70] =	vst.add.f32.msk $0xffff, v10  }
0xbc: {  	[tilespmem:s15+$0xFA00] =	vst.add.f32.msk $0xffff, v11  }
0xbd: {  	[tilespmem:s15+$0xFA10] =	vst.add.f32.msk $0xffff, v12  }
0xbe: {  	p1 =	sne.s32 s14, $0x17;
	[tilespmem:s15+$0xFA20] =	vst.add.f32.msk $0xffff, v13  }
.Ltmp0:
0xbf: {  	[tilespmem:s15+$0xFA30] =	vst.add.f32.msk $0xffff, v14;
	(pc) =	sbr.rel @p1 .LBB2_3-.Ltmp0, $4  }
0xc0: {  	[tilespmem:s15+$0xFA40] =	vst.add.f32.msk $0xffff, v15  }
0xc1: {  	[tilespmem:s15+$0xFA50] =	vst.add.f32.msk $0xffff, v16  }
0xc2: {  	[tilespmem:s15+$0xFA60] =	vst.add.f32.msk $0xffff, v17  }
0xc3: {  	s12 =	sadd.s32 $0x80, s12;
	s14 =	sadd.s32 $0x1, s14;
	[tilespmem:s15+$0xFA70] =	vst.add.f32.msk $0xffff, v18  }
0xc4: {  	s12 =	sadd.s32 s6, s25  }
0xc5: {  	s26 =	smul.u32 $0x50, s12;
	_ =	sdelay $0x1  }
0xc6: {  	s12 =	sshrl.u32 s26, $0x3  }
0xc7: {  	s12 =	smul.u32 $0x300, s12;
	_ =	sdelay $0x1  }
0xc8: {  	s24 =	sadd.s32 s4, s12;
	s12 =	simm.s32 @!p0 $0x6  }
0xc9: {  	[hbm4b:s24+s5] =	stream.linear.scatter [tilespmem:s13], [sflag:$0x4], $0x4800, $0x38;
	[tilespmem:$0x1EA00] =	vst v63  }
0xca: {  	_ =	swait.ge @!p0 [sflag:s12], $0x6000  }
0xcb: {  	[sflag:s12] =	ssyncset.done @!p0 $0x0  }
0xcc: {  	[sflag:s12] =	ssyncadd.s32 @!p0 $0xFFFFA000  }
0xcd: {  	v3 =	vld [tilespmem:s3+$0x30];
	_ =	sdelay $0x4  }
0xce: {  	v4 =	vshrl.u32 v3, $0x3  }
0xcf: {  	v4 =	vmul.u32 $0x30, v4  }
0xd0: {  	v3 =	vand.u32 $0x7, v3  }
0xd1: {  	v3 =	vor.u32 v3, v4  }
0xd2: {  	v4 =	vperm.xlane v3, v0;
	_ =	sdelay $0x1  }
0xd3: {  	v4 =	vadd.s32 v1, v4;
	_ =	sdelay $0x3  }
0xd4: {  	s28 =	simm.s32 $0x0;
	v3 =	vperm.xlane v3, v2  }
0xd5: {  	[tilespmem:s0], [sflag:$0x3] =	stream.indirect_vreg.gather [hbm4b:s1+s28], $0x80, v4, vm0, $0xb8;
	[tilespmem:$0x1EA00] =	vst v63  }
0xd6: {  	s19 =	simm.s32 $0x19200;
	v3 =	vadd.s32 v1, v3  }
0xd7: {  	[tilespmem:s19], [sflag:$0x3] =	stream.indirect_vreg.gather [hbm4b:s8+s28], $0x80, v4, vm0, $0xb8;
	[tilespmem:$0x1EA00] =	vst v63  }
0xd8: {  	s20 =	simm.s32 $0x19A00  }
0xd9: {  	[tilespmem:s20], [sflag:$0x3] =	stream.indirect_vreg.gather [hbm4b:s9+s28], $0x80, v4, vm0, $0xb8;
	[tilespmem:$0x1EA00] =	vst v63  }
0xda: {  	s21 =	simm.s32 $0x1A200  }
0xdb: {  	[tilespmem:s21], [sflag:$0x3] =	stream.indirect_vreg.gather [hbm4b:s1+s28], $0x80, v3, vm0, $0xb8;
	[tilespmem:$0x1EA00] =	vst v63  }
0xdc: {  	s30 =	simm.s32 $0x1AA00  }
0xdd: {  	[tilespmem:s30], [sflag:$0x3] =	stream.indirect_vreg.gather [hbm4b:s8+s28], $0x80, v3, vm0, $0xb8;
	[tilespmem:$0x1EA00] =	vst v63  }
0xde: {  	s14 =	simm.s32 $0x1B200  }
0xdf: {  	[tilespmem:s14], [sflag:$0x3] =	stream.indirect_vreg.gather [hbm4b:s9+s28], $0x80, v3, vm0, $0xb8;
	[tilespmem:$0x1EA00] =	vst v63  }
0xe0: {  	v3 =	vld [tilespmem:s3+$0x40];
	_ =	sdelay $0x4  }
0xe1: {  	v4 =	vshrl.u32 v3, $0x3  }
0xe2: {  	v4 =	vmul.u32 $0x30, v4  }
0xe3: {  	v3 =	vand.u32 $0x7, v3  }
0xe4: {  	v3 =	vor.u32 v3, v4  }
0xe5: {  	v4 =	vperm.xlane v3, v0;
	_ =	sdelay $0x1  }
0xe6: {  	v4 =	vadd.s32 v1, v4;
	_ =	sdelay $0x3  }
0xe7: {  	s15 =	simm.s32 $0x1BA00;
	v3 =	vperm.xlane v3, v2  }
0xe8: {  	[tilespmem:s15], [sflag:$0x3] =	stream.indirect_vreg.gather [hbm4b:s1+s28], $0x80, v4, vm0, $0xb8;
	[tilespmem:$0x1EA00] =	vst v63  }
0xe9: {  	s16 =	simm.s32 $0x1C200;
	v3 =	vadd.s32 v1, v3  }
0xea: {  	[tilespmem:s16], [sflag:$0x3] =	stream.indirect_vreg.gather [hbm4b:s8+s28], $0x80, v4, vm0, $0xb8;
	[tilespmem:$0x1EA00] =	vst v63  }
0xeb: {  	s17 =	simm.s32 $0x1CA00  }
0xec: {  	[tilespmem:s17], [sflag:$0x3] =	stream.indirect_vreg.gather [hbm4b:s9+s28], $0x80, v4, vm0, $0xb8;
	[tilespmem:$0x1EA00] =	vst v63  }
0xed: {  	s18 =	simm.s32 $0x1D200  }
0xee: {  	[tilespmem:s18], [sflag:$0x3] =	stream.indirect_vreg.gather [hbm4b:s1+s28], $0x80, v3, vm0, $0xb8;
	[tilespmem:$0x1EA00] =	vst v63  }
0xef: {  	s19 =	simm.s32 $0x1DA00;
	s20 =	simm.s32 $0x3  }
0xf0: {  	[tilespmem:s19], [sflag:$0x3] =	stream.indirect_vreg.gather [hbm4b:s8+s28], $0x80, v3, vm0, $0xb8;
	[tilespmem:$0x1EA00] =	vst v63  }
0xf1: {  	s3 =	smul.u32 $0x6000, s20  }
0xf2: {  	[tilespmem:s7], [sflag:$0x3] =	stream.indirect_vreg.gather [hbm4b:s9+s28], $0x80, v3, vm0, $0xb8;
	[tilespmem:$0x1EA00] =	vst v63  }
0xf3: {  	_ =	swait.ge [sflag:s10], $0x4800  }
0xf4: {  	s14 =	sand.u32 $0x380, s28;
	s3 =	sshra.s32 s3, $0x2;
	[sflag:s10] =	ssyncset.done $0x0  }
0xf5: {  	s12 =	sor.u32 s14, s3;
	[sflag:s10] =	ssyncadd.s32 $0xFFFFB800  }
0xf6: {  	v3 =	vld [tilespmem:s12+$0xE70]  }
0xf7: {  	v4 =	vld [tilespmem:s12+$0xE60]  }
0xf8: {  	v5 =	vld [tilespmem:s12+$0xE50]  }
0xf9: {  	v6 =	vld [tilespmem:s12+$0xE30]  }
0xfa: {  	v7 =	vld [tilespmem:s12+$0xE20]  }
0xfb: {  	v8 =	vld [tilespmem:s12+$0xE10]  }
0xfc: {  	v9 =	vld [tilespmem:s12+$0xA40]  }
0xfd: {  	v10 =	vld [tilespmem:s12+$0xA70]  }
0xfe: {  	v11 =	vld [tilespmem:s12+$0xA30]  }
0xff: {  	v12 =	vld [tilespmem:s12+$0xA20]  }
0x100: {  	s21 =	simm.s32 $0x0;
	v13 =	vld [tilespmem:s12+$0xA10]  }
0x101: {  	s3 =	smul.u32 $0x6000, s21;
	v14 =	vld [tilespmem:s12+$0xA00]  }
0x102: {  	v15 =	vld [tilespmem:s12+$0xE40]  }
0x103: {  	s3 =	sshra.s32 s3, $0x2;
	v16 =	vld [tilespmem:s12+$0xE00]  }
0x104: {  	s3 =	sor.u32 s14, s3;
	v17 =	vld [tilespmem:s12+$0xA50]  }
0x105: {  	s14 =	sadd.s32 $0x14200, s3;
	v18 =	vld [tilespmem:s12+$0xA60]  }
0x106: {  	s15 =	sor.u32 $0x10, s14;
	[tilespmem:s3+$0x14200] =	vst.add.f32.msk $0xffff, v14  }
0x107: {  	s16 =	sor.u32 $0x20, s14;
	[tilespmem:s15+$0x0] =	vst.add.f32.msk $0xffff, v13  }
0x108: {  	s30 =	sor.u32 $0x30, s14;
	[tilespmem:s16+$0x0] =	vst.add.f32.msk $0xffff, v12  }
0x109: {  	s17 =	sor.u32 $0x40, s14;
	[tilespmem:s30+$0x0] =	vst.add.f32.msk $0xffff, v11  }
0x10a: {  	s18 =	sor.u32 $0x50, s14;
	[tilespmem:s17+$0x0] =	vst.add.f32.msk $0xffff, v9  }
0x10b: {  	s19 =	sor.u32 $0x60, s14;
	[tilespmem:s18+$0x0] =	vst.add.f32.msk $0xffff, v17  }
0x10c: {  	s20 =	sor.u32 $0x70, s14;
	[tilespmem:s19+$0x0] =	vst.add.f32.msk $0xffff, v18  }
0x10d: {  	[tilespmem:s20+$0x0] =	vst.add.f32.msk $0xffff, v10  }
0x10e: {  	[tilespmem:s14+$0x470] =	vst.add.f32.msk $0xffff, v3  }
0x10f: {  	[tilespmem:s14+$0x460] =	vst.add.f32.msk $0xffff, v4  }
0x110: {  	[tilespmem:s14+$0x430] =	vst.add.f32.msk $0xffff, v6  }
0x111: {  	[tilespmem:s14+$0x420] =	vst.add.f32.msk $0xffff, v7  }
0x112: {  	[tilespmem:s14+$0x410] =	vst.add.f32.msk $0xffff, v8  }
0x113: {  	[tilespmem:s14+$0x440] =	vst.add.f32.msk $0xffff, v15  }
0x114: {  	[tilespmem:s14+$0x450] =	vst.add.f32.msk $0xffff, v5  }
0x115: {  	[tilespmem:s14+$0x400] =	vst.add.f32.msk $0xffff, v16  }
0x116: {  	v3 =	vld [tilespmem:s12+$0x1670]  }
0x117: {  	v4 =	vld [tilespmem:s12+$0x1650]  }
0x118: {  	v5 =	vld [tilespmem:s12+$0x1270]  }
0x119: {  	v6 =	vld [tilespmem:s12+$0x1640]  }
0x11a: {  	v7 =	vld [tilespmem:s12+$0x1620]  }
0x11b: {  	v8 =	vld [tilespmem:s12+$0x1230]  }
0x11c: {  	v9 =	vld [tilespmem:s12+$0x1610]  }
0x11d: {  	v10 =	vld [tilespmem:s12+$0x1600]  }
0x11e: {  	v11 =	vld [tilespmem:s12+$0x1260]  }
0x11f: {  	v12 =	vld [tilespmem:s12+$0x1220]  }
0x120: {  	v13 =	vld [tilespmem:s12+$0x1210]  }
0x121: {  	v14 =	vld [tilespmem:s12+$0x1200]  }
0x122: {  	v15 =	vld [tilespmem:s12+$0x1250]  }
0x123: {  	v16 =	vld [tilespmem:s12+$0x1630]  }
0x124: {  	v17 =	vld [tilespmem:s12+$0x1240]  }
0x125: {  	s21 =	sadd.s32 $0x14A00, s3;
	v18 =	vld [tilespmem:s12+$0x1660]  }
0x126: {  	s30 =	sor.u32 $0x10, s21;
	[tilespmem:s3+$0x14A00] =	vst.add.f32.msk $0xffff, v14  }
0x127: {  	s16 =	sor.u32 $0x20, s21;
	[tilespmem:s30+$0x0] =	vst.add.f32.msk $0xffff, v13  }
0x128: {  	s17 =	sor.u32 $0x30, s21;
	[tilespmem:s16+$0x0] =	vst.add.f32.msk $0xffff, v12  }
0x129: {  	s18 =	sor.u32 $0x40, s21;
	[tilespmem:s17+$0x0] =	vst.add.f32.msk $0xffff, v8  }
0x12a: {  	s19 =	sor.u32 $0x50, s21;
	[tilespmem:s18+$0x0] =	vst.add.f32.msk $0xffff, v17  }
0x12b: {  	s20 =	sor.u32 $0x60, s21;
	[tilespmem:s19+$0x0] =	vst.add.f32.msk $0xffff, v15  }
0x12c: {  	s14 =	sor.u32 $0x70, s21;
	[tilespmem:s20+$0x0] =	vst.add.f32.msk $0xffff, v11  }
0x12d: {  	s21 =	sadd.s32 $0x14E00, s3;
	[tilespmem:s14+$0x0] =	vst.add.f32.msk $0xffff, v5  }
0x12e: {  	s30 =	sor.u32 $0x10, s21;
	[tilespmem:s3+$0x14E00] =	vst.add.f32.msk $0xffff, v10  }
0x12f: {  	s16 =	sor.u32 $0x20, s21;
	[tilespmem:s30+$0x0] =	vst.add.f32.msk $0xffff, v9  }
0x130: {  	s17 =	sor.u32 $0x30, s21;
	[tilespmem:s16+$0x0] =	vst.add.f32.msk $0xffff, v7  }
0x131: {  	s18 =	sor.u32 $0x40, s21;
	[tilespmem:s17+$0x0] =	vst.add.f32.msk $0xffff, v16  }
0x132: {  	s19 =	sor.u32 $0x50, s21;
	[tilespmem:s18+$0x0] =	vst.add.f32.msk $0xffff, v6  }
0x133: {  	s20 =	sor.u32 $0x60, s21;
	[tilespmem:s19+$0x0] =	vst.add.f32.msk $0xffff, v4  }
0x134: {  	s21 =	sor.u32 $0x70, s21;
	[tilespmem:s20+$0x0] =	vst.add.f32.msk $0xffff, v18  }
0x135: {  	[tilespmem:s21+$0x0] =	vst.add.f32.msk $0xffff, v3  }
0x136: {  	v9 =	vld [tilespmem:s12+$0x1A50]  }
0x137: {  	v10 =	vld [tilespmem:s12+$0x1E10]  }
0x138: {  	v5 =	vld [tilespmem:s12+$0x1E50]  }
0x139: {  	v11 =	vld [tilespmem:s12+$0x1E00]  }
0x13a: {  	v4 =	vld [tilespmem:s12+$0x1E60]  }
0x13b: {  	v3 =	vld [tilespmem:s12+$0x1E70]  }
0x13c: {  	v12 =	vld [tilespmem:s12+$0x1A40]  }
0x13d: {  	v6 =	vld [tilespmem:s12+$0x1E40]  }
0x13e: {  	v13 =	vld [tilespmem:s12+$0x1A20]  }
0x13f: {  	v14 =	vld [tilespmem:s12+$0x1A10]  }
0x140: {  	v15 =	vld [tilespmem:s12+$0x1A30]  }
0x141: {  	v16 =	vld [tilespmem:s12+$0x1A00]  }
0x142: {  	v8 =	vld [tilespmem:s12+$0x1E20]  }
0x143: {  	v7 =	vld [tilespmem:s12+$0x1E30]  }
0x144: {  	v17 =	vld [tilespmem:s12+$0x1A60]  }
0x145: {  	s30 =	sadd.s32 $0x15200, s3;
	v18 =	vld [tilespmem:s12+$0x1A70]  }
0x146: {  	s15 =	sor.u32 $0x10, s30;
	[tilespmem:s3+$0x15200] =	vst.add.f32.msk $0xffff, v16  }
0x147: {  	s16 =	sor.u32 $0x20, s30;
	[tilespmem:s15+$0x0] =	vst.add.f32.msk $0xffff, v14  }
0x148: {  	s17 =	sor.u32 $0x30, s30;
	[tilespmem:s16+$0x0] =	vst.add.f32.msk $0xffff, v13  }
0x149: {  	s18 =	sor.u32 $0x40, s30;
	[tilespmem:s17+$0x0] =	vst.add.f32.msk $0xffff, v15  }
0x14a: {  	s19 =	sor.u32 $0x50, s30;
	[tilespmem:s18+$0x0] =	vst.add.f32.msk $0xffff, v12  }
0x14b: {  	s20 =	sor.u32 $0x60, s30;
	[tilespmem:s19+$0x0] =	vst.add.f32.msk $0xffff, v9  }
0x14c: {  	s21 =	sor.u32 $0x70, s30;
	[tilespmem:s20+$0x0] =	vst.add.f32.msk $0xffff, v17  }
0x14d: {  	s29 =	sadd.s32 $0x15600, s3;
	[tilespmem:s21+$0x0] =	vst.add.f32.msk $0xffff, v18  }
0x14e: {  	s31 =	sor.u32 $0x40, s29;
	s30 =	sor.u32 $0x10, s29;
	[tilespmem:s3+$0x15600] =	vst.add.f32.msk $0xffff, v11  }
0x14f: {  	s14 =	sor.u32 $0x20, s29;
	s12 =	simm.s32 $0x1;
	s3 =	sor.u32 $0x30, s29;
	[tilespmem:s30+$0x0] =	vst.add.f32.msk $0xffff, v10  }
.LBB2_5:
0x150: {  	s15 =	sadd.s32 $0x18, s12  }
0x151: {  	[tilespmem:s14+$0x0] =	vst.add.f32.msk $0xffff, v8;
	s28 =	sadd.s32 $0x80, s28;
	s14 =	smov.u32 s12;
	s30 =	sadd.s32 $0x1, s12  }
0x152: {  	s15 =	sshrl.u32 s15, $0x3;
	s14 =	sshrl.u32 s14, $0x3;
	[tilespmem:s3+$0x0] =	vst.add.f32.msk $0xffff, v7;
	s3 =	sor.u32 $0x50, s29  }
0x153: {  	p0 =	sne.s32 s12, $0x17;
	s12 =	sor.u32 $0x60, s29;
	s15 =	smul.u32 $0x6000, s15;
	[tilespmem:s31+$0x0] =	vst.add.f32.msk $0xffff, v6  }
0x154: {  	s16 =	smul.u32 $0x6000, s14;
	[tilespmem:s3+$0x0] =	vst.add.f32.msk $0xffff, v5;
	s3 =	sor.u32 $0x70, s29  }
0x155: {  	s29 =	sand.u32 $0x380, s28;
	s14 =	sshra.s32 s15, $0x2;
	[tilespmem:s12+$0x0] =	vst.add.f32.msk $0xffff, v4  }
0x156: {  	s12 =	sshra.s32 s16, $0x2;
	s14 =	sor.u32 s29, s14;
	[tilespmem:s3+$0x0] =	vst.add.f32.msk $0xffff, v3  }
0x157: {  	s3 =	sor.u32 s29, s12;
	v3 =	vld [tilespmem:s14+$0xE70]  }
0x158: {  	s16 =	sadd.s32 $0x14A00, s3;
	s15 =	sadd.s32 $0x14E00, s3;
	s12 =	sadd.s32 $0x15200, s3;
	v4 =	vld [tilespmem:s14+$0xE60]  }
0x159: {  	s29 =	sadd.s32 $0x15600, s3;
	v5 =	vld [tilespmem:s14+$0xE50]  }
0x15a: {  	s31 =	sor.u32 $0x40, s29;
	v6 =	vld [tilespmem:s14+$0xE30]  }
0x15b: {  	v7 =	vld [tilespmem:s14+$0xE20]  }
0x15c: {  	s17 =	sadd.s32 $0x14200, s3;
	v8 =	vld [tilespmem:s14+$0xE10]  }
0x15d: {  	s18 =	sor.u32 $0x10, s17;
	v9 =	vld [tilespmem:s14+$0xA40]  }
0x15e: {  	v10 =	vld [tilespmem:s14+$0xA70]  }
0x15f: {  	s19 =	sor.u32 $0x20, s17;
	v11 =	vld [tilespmem:s14+$0xA30]  }
0x160: {  	v12 =	vld [tilespmem:s14+$0xA20]  }
0x161: {  	v13 =	vld [tilespmem:s14+$0xA10]  }
0x162: {  	v14 =	vld [tilespmem:s14+$0xA00]  }
0x163: {  	v15 =	vld [tilespmem:s14+$0xE40]  }
0x164: {  	v16 =	vld [tilespmem:s14+$0xE00]  }
0x165: {  	s20 =	sor.u32 $0x50, s17;
	v17 =	vld [tilespmem:s14+$0xA50]  }
0x166: {  	v18 =	vld [tilespmem:s14+$0xA60]  }
0x167: {  	s21 =	sor.u32 $0x30, s17;
	[tilespmem:s3+$0x14200] =	vst.add.f32.msk $0xffff, v14  }
0x168: {  	[tilespmem:s18+$0x0] =	vst.add.f32.msk $0xffff, v13;
	s18 =	sor.u32 $0x60, s17  }
0x169: {  	[tilespmem:s19+$0x0] =	vst.add.f32.msk $0xffff, v12  }
0x16a: {  	s19 =	sor.u32 $0x40, s17;
	[tilespmem:s21+$0x0] =	vst.add.f32.msk $0xffff, v11;
	s21 =	sor.u32 $0x70, s17  }
0x16b: {  	[tilespmem:s19+$0x0] =	vst.add.f32.msk $0xffff, v9  }
0x16c: {  	[tilespmem:s20+$0x0] =	vst.add.f32.msk $0xffff, v17  }
0x16d: {  	[tilespmem:s18+$0x0] =	vst.add.f32.msk $0xffff, v18  }
0x16e: {  	[tilespmem:s21+$0x0] =	vst.add.f32.msk $0xffff, v10  }
0x16f: {  	[tilespmem:s17+$0x470] =	vst.add.f32.msk $0xffff, v3  }
0x170: {  	[tilespmem:s17+$0x460] =	vst.add.f32.msk $0xffff, v4  }
0x171: {  	[tilespmem:s17+$0x430] =	vst.add.f32.msk $0xffff, v6  }
0x172: {  	[tilespmem:s17+$0x420] =	vst.add.f32.msk $0xffff, v7  }
0x173: {  	[tilespmem:s17+$0x410] =	vst.add.f32.msk $0xffff, v8  }
0x174: {  	[tilespmem:s17+$0x440] =	vst.add.f32.msk $0xffff, v15  }
0x175: {  	[tilespmem:s17+$0x450] =	vst.add.f32.msk $0xffff, v5  }
0x176: {  	[tilespmem:s17+$0x400] =	vst.add.f32.msk $0xffff, v16  }
0x177: {  	v3 =	vld [tilespmem:s14+$0x1670]  }
0x178: {  	v4 =	vld [tilespmem:s14+$0x1650]  }
0x179: {  	v5 =	vld [tilespmem:s14+$0x1270]  }
0x17a: {  	v6 =	vld [tilespmem:s14+$0x1640]  }
0x17b: {  	v7 =	vld [tilespmem:s14+$0x1620]  }
0x17c: {  	v8 =	vld [tilespmem:s14+$0x1230]  }
0x17d: {  	v9 =	vld [tilespmem:s14+$0x1610]  }
0x17e: {  	v10 =	vld [tilespmem:s14+$0x1600]  }
0x17f: {  	v11 =	vld [tilespmem:s14+$0x1260]  }
0x180: {  	v12 =	vld [tilespmem:s14+$0x1220]  }
0x181: {  	v13 =	vld [tilespmem:s14+$0x1210]  }
0x182: {  	v14 =	vld [tilespmem:s14+$0x1200]  }
0x183: {  	v15 =	vld [tilespmem:s14+$0x1250]  }
0x184: {  	v16 =	vld [tilespmem:s14+$0x1630]  }
0x185: {  	v17 =	vld [tilespmem:s14+$0x1240]  }
0x186: {  	v18 =	vld [tilespmem:s14+$0x1660]  }
0x187: {  	s17 =	sor.u32 $0x10, s16;
	[tilespmem:s3+$0x14A00] =	vst.add.f32.msk $0xffff, v14  }
0x188: {  	[tilespmem:s17+$0x0] =	vst.add.f32.msk $0xffff, v13;
	s17 =	sor.u32 $0x20, s16  }
0x189: {  	[tilespmem:s17+$0x0] =	vst.add.f32.msk $0xffff, v12;
	s17 =	sor.u32 $0x30, s16  }
0x18a: {  	[tilespmem:s17+$0x0] =	vst.add.f32.msk $0xffff, v8;
	s17 =	sor.u32 $0x40, s16  }
0x18b: {  	[tilespmem:s17+$0x0] =	vst.add.f32.msk $0xffff, v17;
	s17 =	sor.u32 $0x50, s16  }
0x18c: {  	[tilespmem:s17+$0x0] =	vst.add.f32.msk $0xffff, v15;
	s17 =	sor.u32 $0x60, s16  }
0x18d: {  	s16 =	sor.u32 $0x70, s16;
	[tilespmem:s17+$0x0] =	vst.add.f32.msk $0xffff, v11  }
0x18e: {  	[tilespmem:s16+$0x0] =	vst.add.f32.msk $0xffff, v5  }
0x18f: {  	s16 =	sor.u32 $0x10, s15;
	[tilespmem:s3+$0x14E00] =	vst.add.f32.msk $0xffff, v10  }
0x190: {  	[tilespmem:s16+$0x0] =	vst.add.f32.msk $0xffff, v9;
	s16 =	sor.u32 $0x20, s15  }
0x191: {  	[tilespmem:s16+$0x0] =	vst.add.f32.msk $0xffff, v7;
	s16 =	sor.u32 $0x30, s15  }
0x192: {  	[tilespmem:s16+$0x0] =	vst.add.f32.msk $0xffff, v16;
	s16 =	sor.u32 $0x40, s15  }
0x193: {  	[tilespmem:s16+$0x0] =	vst.add.f32.msk $0xffff, v6;
	s16 =	sor.u32 $0x50, s15  }
0x194: {  	[tilespmem:s16+$0x0] =	vst.add.f32.msk $0xffff, v4;
	s16 =	sor.u32 $0x60, s15  }
0x195: {  	s15 =	sor.u32 $0x70, s15;
	[tilespmem:s16+$0x0] =	vst.add.f32.msk $0xffff, v18  }
0x196: {  	[tilespmem:s15+$0x0] =	vst.add.f32.msk $0xffff, v3  }
0x197: {  	v9 =	vld [tilespmem:s14+$0x1A50]  }
0x198: {  	v10 =	vld [tilespmem:s14+$0x1E10]  }
0x199: {  	v5 =	vld [tilespmem:s14+$0x1E50]  }
0x19a: {  	v11 =	vld [tilespmem:s14+$0x1E00]  }
0x19b: {  	v4 =	vld [tilespmem:s14+$0x1E60]  }
0x19c: {  	v3 =	vld [tilespmem:s14+$0x1E70]  }
0x19d: {  	v12 =	vld [tilespmem:s14+$0x1A40]  }
0x19e: {  	v6 =	vld [tilespmem:s14+$0x1E40]  }
0x19f: {  	v13 =	vld [tilespmem:s14+$0x1A20]  }
0x1a0: {  	v14 =	vld [tilespmem:s14+$0x1A10]  }
0x1a1: {  	v15 =	vld [tilespmem:s14+$0x1A30]  }
0x1a2: {  	v16 =	vld [tilespmem:s14+$0x1A00]  }
0x1a3: {  	v8 =	vld [tilespmem:s14+$0x1E20]  }
0x1a4: {  	v7 =	vld [tilespmem:s14+$0x1E30]  }
0x1a5: {  	v17 =	vld [tilespmem:s14+$0x1A60]  }
0x1a6: {  	v18 =	vld [tilespmem:s14+$0x1A70];
	s14 =	sor.u32 $0x10, s12  }
0x1a7: {  	s15 =	sor.u32 $0x20, s12;
	[tilespmem:s3+$0x15200] =	vst.add.f32.msk $0xffff, v16  }
0x1a8: {  	[tilespmem:s14+$0x0] =	vst.add.f32.msk $0xffff, v14;
	s14 =	sor.u32 $0x30, s12  }
0x1a9: {  	[tilespmem:s15+$0x0] =	vst.add.f32.msk $0xffff, v13;
	s15 =	sor.u32 $0x40, s12  }
0x1aa: {  	[tilespmem:s14+$0x0] =	vst.add.f32.msk $0xffff, v15;
	s14 =	sor.u32 $0x50, s12  }
0x1ab: {  	[tilespmem:s15+$0x0] =	vst.add.f32.msk $0xffff, v12;
	s15 =	sor.u32 $0x60, s12  }
.Ltmp1:
0x1ac: {  	s12 =	sor.u32 $0x70, s12;
	[tilespmem:s14+$0x0] =	vst.add.f32.msk $0xffff, v9;
	(pc) =	sbr.rel @p0 .LBB2_5-.Ltmp1, $4  }
0x1ad: {  	[tilespmem:s15+$0x0] =	vst.add.f32.msk $0xffff, v17  }
0x1ae: {  	[tilespmem:s12+$0x0] =	vst.add.f32.msk $0xffff, v18;
	s12 =	sor.u32 $0x10, s29  }
0x1af: {  	s14 =	sor.u32 $0x20, s29;
	[tilespmem:s3+$0x15600] =	vst.add.f32.msk $0xffff, v11  }
0x1b0: {  	s3 =	sor.u32 $0x30, s29;
	[tilespmem:s12+$0x0] =	vst.add.f32.msk $0xffff, v10;
	s12 =	smov.u32 s30  }
0x1b1: {  	[tilespmem:s14+$0x0] =	vst.add.f32.msk $0xffff, v8  }
0x1b2: {  	s26 =	sadd.s32 $0x18, s26;
	[tilespmem:s3+$0x0] =	vst.add.f32.msk $0xffff, v7  }
0x1b3: {  	s12 =	sor.u32 $0x50, s29;
	s3 =	sshrl.u32 s26, $0x3;
	[tilespmem:s31+$0x0] =	vst.add.f32.msk $0xffff, v6  }
0x1b4: {  	s31 =	sor.u32 $0x60, s29;
	s3 =	smul.u32 $0x300, s3;
	[tilespmem:s12+$0x0] =	vst.add.f32.msk $0xffff, v5  }
0x1b5: {  	s15 =	sor.u32 $0x70, s29;
	[tilespmem:s31+$0x0] =	vst.add.f32.msk $0xffff, v4  }
0x1b6: {  	p0 =	seq.s32 s25, $0x1F;
	s26 =	sadd.s32 $0x1, s25;
	s3 =	sadd.s32 s4, s3;
	[tilespmem:s15+$0x0] =	vst.add.f32.msk $0xffff, v3  }
0x1b7: {  	[hbm4b:s3+s5] =	stream.linear.scatter [tilespmem:s22], [sflag:$0x5], $0x4800, $0x38;
	[tilespmem:$0x1EA00] =	vst v63  }
0x1b8: {  	s3 =	smul.u32 @!p0 $0x140, s26;
	_ =	swait.ge [sflag:s11], $0x4800  }
0x1b9: {  	[sflag:s11] =	ssyncset.done $0x0  }
0x1ba: {  	s3 =	sshra.s32 @!p0 s3, $0x2;
	[sflag:s11] =	ssyncadd.s32 $0xFFFFB800  }
0x1bb: {  	v3 =	vld @!p0 [tilespmem:s3+$0x0];
	_ =	sdelay $0x4  }
0x1bc: {  	v4 =	vshrl.u32 @!p0 v3, $0x3  }
0x1bd: {  	v4 =	vmul.u32 @!p0 $0x30, v4  }
0x1be: {  	v5 =	vlaneseq.u32 @!p0;
	v3 =	vand.u32 @!p0 $0x7, v3  }
0x1bf: {  	v6 =	vshrl.u32 @!p0 v5, $0x3;
	v3 =	vor.u32 @!p0 v3, v4;
	v4 =	vand.u32 @!p0 $0x7, v5  }
0x1c0: {  	v6 =	vmul.u32 @!p0 $0x8, v6;
	v7 =	vperm.xlane @!p0 v3, v4;
	_ =	sdelay $0x1  }
0x1c1: {  	v7 =	vadd.s32 @!p0 v6, v7;
	_ =	sdelay $0x2  }
0x1c2: {  	v5 =	vor.u32 @!p0 $0x8, v5  }
0x1c3: {  	vm1 =	vmmov @!p0 $0xffff;
	s14 =	simm.s32 @!p0 $0xFA00;
	s12 =	simm.s32 @!p0 $0x0;
	v3 =	vperm.xlane @!p0 v3, v5  }
0x1c4: {  	[tilespmem:s14], [sflag:$0x1] =	stream.indirect_vreg.gather @!p0 [hbm4b:s1+s12], $0x80, v7, vm1, $0xb8;
	[tilespmem:$0x1EA00] =	vst v63  }
0x1c5: {  	v3 =	vadd.s32 @!p0 v6, v3;
	s14 =	simm.s32 @!p0 $0x10200  }
0x1c6: {  	[tilespmem:s14], [sflag:$0x1] =	stream.indirect_vreg.gather @!p0 [hbm4b:s8+s12], $0x80, v7, vm1, $0xb8;
	[tilespmem:$0x1EA00] =	vst v63  }
0x1c7: {  	s14 =	simm.s32 @!p0 $0x10A00  }
0x1c8: {  	[tilespmem:s14], [sflag:$0x1] =	stream.indirect_vreg.gather @!p0 [hbm4b:s9+s12], $0x80, v7, vm1, $0xb8;
	[tilespmem:$0x1EA00] =	vst v63  }
0x1c9: {  	s14 =	simm.s32 @!p0 $0x11200  }
0x1ca: {  	[tilespmem:s14], [sflag:$0x1] =	stream.indirect_vreg.gather @!p0 [hbm4b:s1+s12], $0x80, v3, vm1, $0xb8;
	[tilespmem:$0x1EA00] =	vst v63  }
0x1cb: {  	s14 =	simm.s32 @!p0 $0x11A00  }
0x1cc: {  	[tilespmem:s14], [sflag:$0x1] =	stream.indirect_vreg.gather @!p0 [hbm4b:s8+s12], $0x80, v3, vm1, $0xb8;
	[tilespmem:$0x1EA00] =	vst v63  }
0x1cd: {  	s14 =	simm.s32 @!p0 $0x12200  }
0x1ce: {  	[tilespmem:s14], [sflag:$0x1] =	stream.indirect_vreg.gather @!p0 [hbm4b:s9+s12], $0x80, v3, vm1, $0xb8;
	[tilespmem:$0x1EA00] =	vst v63  }
0x1cf: {  	v3 =	vld.msk @!p0 [tilespmem:s3+$0x10], $0xff;
	_ =	sdelay $0x4  }
0x1d0: {  	v5 =	vshrl.u32 @!p0 v3, $0x3  }
0x1d1: {  	v5 =	vmul.u32 @!p0 $0x30, v5  }
0x1d2: {  	v3 =	vand.u32 @!p0 $0x7, v3  }
0x1d3: {  	v3 =	vor.u32 @!p0 v3, v5  }
0x1d4: {  	v3 =	vperm.xlane @!p0 v3, v4;
	_ =	sdelay $0x1  }
0x1d5: {  	v3 =	vadd.s32 @!p0 v6, v3;
	_ =	sdelay $0x3  }
0x1d6: {  	s3 =	simm.s32 @!p0 $0x12A00  }
0x1d7: {  	[tilespmem:s3], [sflag:$0x1] =	stream.indirect_vreg.gather @!p0 [hbm4b:s1+s12], $0x80, v3, vm1, $0xb8;
	[tilespmem:$0x1EA00] =	vst v63  }
0x1d8: {  	s3 =	simm.s32 @!p0 $0x13200  }
0x1d9: {  	[tilespmem:s3], [sflag:$0x1] =	stream.indirect_vreg.gather @!p0 [hbm4b:s8+s12], $0x80, v3, vm1, $0xb8;
	[tilespmem:$0x1EA00] =	vst v63  }
0x1da: {  	s16 =	simm.s32 $0x6;
	s3 =	simm.s32 @!p0 $0x13A00  }
0x1db: {  	[tilespmem:s3], [sflag:$0x1] =	stream.indirect_vreg.gather @!p0 [hbm4b:s9+s12], $0x80, v3, vm1, $0xb8;
	[tilespmem:$0x1EA00] =	vst v63  }
0x1dc: {  	s3 =	smul.u32 $0x6000, s16  }
0x1dd: {  	s25 =	simm.s32 $0x0;
	_ =	swait.ge [sflag:s23], $0x6000  }
0x1de: {  	s17 =	sand.u32 $0x380, s25;
	[sflag:s23] =	ssyncset.done $0x0;
	s3 =	sshra.s32 s3, $0x2  }
0x1df: {  	[sflag:s23] =	ssyncadd.s32 $0xFFFFA000;
	s12 =	sor.u32 s17, s3  }
0x1e0: {  	v3 =	vld [tilespmem:s12+$0xE70]  }
0x1e1: {  	v4 =	vld [tilespmem:s12+$0xE60]  }
0x1e2: {  	v5 =	vld [tilespmem:s12+$0xE50]  }
0x1e3: {  	v6 =	vld [tilespmem:s12+$0xE30]  }
0x1e4: {  	v7 =	vld [tilespmem:s12+$0xE20]  }
0x1e5: {  	v8 =	vld [tilespmem:s12+$0xE10]  }
0x1e6: {  	v9 =	vld [tilespmem:s12+$0xA40]  }
0x1e7: {  	v10 =	vld [tilespmem:s12+$0xA70]  }
0x1e8: {  	v11 =	vld [tilespmem:s12+$0xA30]  }
0x1e9: {  	v12 =	vld [tilespmem:s12+$0xA20]  }
0x1ea: {  	s18 =	simm.s32 $0x0;
	v13 =	vld [tilespmem:s12+$0xA10]  }
0x1eb: {  	s3 =	smul.u32 $0x6000, s18;
	v14 =	vld [tilespmem:s12+$0xA00]  }
0x1ec: {  	v15 =	vld [tilespmem:s12+$0xE40]  }
0x1ed: {  	v16 =	vld [tilespmem:s12+$0xE00];
	s3 =	sshra.s32 s3, $0x2  }
0x1ee: {  	v17 =	vld [tilespmem:s12+$0xA50];
	s3 =	sor.u32 s17, s3  }
0x1ef: {  	v18 =	vld [tilespmem:s12+$0xA60];
	s14 =	sadd.s32 $0x18A00, s3  }
0x1f0: {  	s15 =	sor.u32 $0x10, s14;
	[tilespmem:s3+$0x18A00] =	vst.add.f32.msk $0xffff, v14  }
0x1f1: {  	s16 =	sor.u32 $0x20, s14;
	[tilespmem:s15+$0x0] =	vst.add.f32.msk $0xffff, v13  }
0x1f2: {  	s19 =	sor.u32 $0x30, s14;
	[tilespmem:s16+$0x0] =	vst.add.f32.msk $0xffff, v12  }
0x1f3: {  	s20 =	sor.u32 $0x40, s14;
	[tilespmem:s19+$0x0] =	vst.add.f32.msk $0xffff, v11  }
0x1f4: {  	s21 =	sor.u32 $0x50, s14;
	[tilespmem:s20+$0x0] =	vst.add.f32.msk $0xffff, v9  }
0x1f5: {  	s29 =	sor.u32 $0x60, s14;
	[tilespmem:s21+$0x0] =	vst.add.f32.msk $0xffff, v17  }
0x1f6: {  	s31 =	sor.u32 $0x70, s14;
	[tilespmem:s29+$0x0] =	vst.add.f32.msk $0xffff, v18  }
0x1f7: {  	[tilespmem:s31+$0x0] =	vst.add.f32.msk $0xffff, v10  }
0x1f8: {  	[tilespmem:s14+$0x470] =	vst.add.f32.msk $0xffff, v3  }
0x1f9: {  	[tilespmem:s14+$0x460] =	vst.add.f32.msk $0xffff, v4  }
0x1fa: {  	[tilespmem:s14+$0x430] =	vst.add.f32.msk $0xffff, v6  }
0x1fb: {  	[tilespmem:s14+$0x420] =	vst.add.f32.msk $0xffff, v7  }
0x1fc: {  	[tilespmem:s14+$0x410] =	vst.add.f32.msk $0xffff, v8  }
0x1fd: {  	[tilespmem:s14+$0x440] =	vst.add.f32.msk $0xffff, v15  }
0x1fe: {  	[tilespmem:s14+$0x450] =	vst.add.f32.msk $0xffff, v5  }
0x1ff: {  	[tilespmem:s14+$0x400] =	vst.add.f32.msk $0xffff, v16  }
0x200: {  	v3 =	vld [tilespmem:s12+$0x1670]  }
0x201: {  	v4 =	vld [tilespmem:s12+$0x1650]  }
0x202: {  	v5 =	vld [tilespmem:s12+$0x1270]  }
0x203: {  	v6 =	vld [tilespmem:s12+$0x1640]  }
0x204: {  	v7 =	vld [tilespmem:s12+$0x1620]  }
0x205: {  	v8 =	vld [tilespmem:s12+$0x1230]  }
0x206: {  	v9 =	vld [tilespmem:s12+$0x1610]  }
0x207: {  	v10 =	vld [tilespmem:s12+$0x1600]  }
0x208: {  	v11 =	vld [tilespmem:s12+$0x1260]  }
0x209: {  	v12 =	vld [tilespmem:s12+$0x1220]  }
0x20a: {  	v13 =	vld [tilespmem:s12+$0x1210]  }
0x20b: {  	v14 =	vld [tilespmem:s12+$0x1200]  }
0x20c: {  	v15 =	vld [tilespmem:s12+$0x1250]  }
0x20d: {  	v16 =	vld [tilespmem:s12+$0x1630]  }
0x20e: {  	v17 =	vld [tilespmem:s12+$0x1240]  }
0x20f: {  	s16 =	sadd.s32 $0x19200, s3;
	v18 =	vld [tilespmem:s12+$0x1660]  }
0x210: {  	s17 =	sor.u32 $0x10, s16;
	[tilespmem:s3+$0x19200] =	vst.add.f32.msk $0xffff, v14  }
0x211: {  	s18 =	sor.u32 $0x20, s16;
	[tilespmem:s17+$0x0] =	vst.add.f32.msk $0xffff, v13  }
0x212: {  	s19 =	sor.u32 $0x30, s16;
	[tilespmem:s18+$0x0] =	vst.add.f32.msk $0xffff, v12  }
0x213: {  	s20 =	sor.u32 $0x40, s16;
	[tilespmem:s19+$0x0] =	vst.add.f32.msk $0xffff, v8  }
0x214: {  	s21 =	sor.u32 $0x50, s16;
	[tilespmem:s20+$0x0] =	vst.add.f32.msk $0xffff, v17  }
0x215: {  	s29 =	sor.u32 $0x60, s16;
	[tilespmem:s21+$0x0] =	vst.add.f32.msk $0xffff, v15  }
0x216: {  	s14 =	sor.u32 $0x70, s16;
	[tilespmem:s29+$0x0] =	vst.add.f32.msk $0xffff, v11  }
0x217: {  	s31 =	sadd.s32 $0x19600, s3;
	[tilespmem:s14+$0x0] =	vst.add.f32.msk $0xffff, v5  }
0x218: {  	s16 =	sor.u32 $0x10, s31;
	[tilespmem:s3+$0x19600] =	vst.add.f32.msk $0xffff, v10  }
0x219: {  	s17 =	sor.u32 $0x20, s31;
	[tilespmem:s16+$0x0] =	vst.add.f32.msk $0xffff, v9  }
0x21a: {  	s18 =	sor.u32 $0x30, s31;
	[tilespmem:s17+$0x0] =	vst.add.f32.msk $0xffff, v7  }
0x21b: {  	s19 =	sor.u32 $0x40, s31;
	[tilespmem:s18+$0x0] =	vst.add.f32.msk $0xffff, v16  }
0x21c: {  	s20 =	sor.u32 $0x50, s31;
	[tilespmem:s19+$0x0] =	vst.add.f32.msk $0xffff, v6  }
0x21d: {  	s21 =	sor.u32 $0x60, s31;
	[tilespmem:s20+$0x0] =	vst.add.f32.msk $0xffff, v4  }
0x21e: {  	s29 =	sor.u32 $0x70, s31;
	[tilespmem:s21+$0x0] =	vst.add.f32.msk $0xffff, v18  }
0x21f: {  	[tilespmem:s29+$0x0] =	vst.add.f32.msk $0xffff, v3  }
0x220: {  	v9 =	vld [tilespmem:s12+$0x1A50]  }
0x221: {  	v10 =	vld [tilespmem:s12+$0x1E10]  }
0x222: {  	v5 =	vld [tilespmem:s12+$0x1E50]  }
0x223: {  	v11 =	vld [tilespmem:s12+$0x1E00]  }
0x224: {  	v4 =	vld [tilespmem:s12+$0x1E60]  }
0x225: {  	v3 =	vld [tilespmem:s12+$0x1E70]  }
0x226: {  	v12 =	vld [tilespmem:s12+$0x1A40]  }
0x227: {  	v6 =	vld [tilespmem:s12+$0x1E40]  }
0x228: {  	v13 =	vld [tilespmem:s12+$0x1A20]  }
0x229: {  	v14 =	vld [tilespmem:s12+$0x1A10]  }
0x22a: {  	v15 =	vld [tilespmem:s12+$0x1A30]  }
0x22b: {  	v16 =	vld [tilespmem:s12+$0x1A00]  }
0x22c: {  	v8 =	vld [tilespmem:s12+$0x1E20]  }
0x22d: {  	v7 =	vld [tilespmem:s12+$0x1E30]  }
0x22e: {  	v17 =	vld [tilespmem:s12+$0x1A60]  }
0x22f: {  	s31 =	sadd.s32 $0x19A00, s3;
	v18 =	vld [tilespmem:s12+$0x1A70]  }
0x230: {  	s16 =	sor.u32 $0x10, s31;
	[tilespmem:s3+$0x19A00] =	vst.add.f32.msk $0xffff, v16  }
0x231: {  	s17 =	sor.u32 $0x20, s31;
	[tilespmem:s16+$0x0] =	vst.add.f32.msk $0xffff, v14  }
0x232: {  	s18 =	sor.u32 $0x30, s31;
	[tilespmem:s17+$0x0] =	vst.add.f32.msk $0xffff, v13  }
0x233: {  	s19 =	sor.u32 $0x40, s31;
	[tilespmem:s18+$0x0] =	vst.add.f32.msk $0xffff, v15  }
0x234: {  	s20 =	sor.u32 $0x50, s31;
	[tilespmem:s19+$0x0] =	vst.add.f32.msk $0xffff, v12  }
0x235: {  	s21 =	sor.u32 $0x60, s31;
	[tilespmem:s20+$0x0] =	vst.add.f32.msk $0xffff, v9  }
0x236: {  	s29 =	sor.u32 $0x70, s31;
	[tilespmem:s21+$0x0] =	vst.add.f32.msk $0xffff, v17  }
0x237: {  	s28 =	sadd.s32 $0x19E00, s3;
	[tilespmem:s29+$0x0] =	vst.add.f32.msk $0xffff, v18  }
0x238: {  	s30 =	sor.u32 $0x40, s28;
	s31 =	sor.u32 $0x10, s28;
	[tilespmem:s3+$0x19E00] =	vst.add.f32.msk $0xffff, v11  }
0x239: {  	s14 =	sor.u32 $0x20, s28;
	s12 =	simm.s32 $0x1;
	s3 =	sor.u32 $0x30, s28;
	[tilespmem:s31+$0x0] =	vst.add.f32.msk $0xffff, v10  }
.LBB2_7:
0x23a: {  	s15 =	sadd.s32 $0x30, s12  }
0x23b: {  	[tilespmem:s14+$0x0] =	vst.add.f32.msk $0xffff, v8;
	s25 =	sadd.s32 $0x80, s25;
	s14 =	smov.u32 s12;
	s29 =	sadd.s32 $0x1, s12  }
0x23c: {  	s15 =	sshrl.u32 s15, $0x3;
	s14 =	sshrl.u32 s14, $0x3;
	[tilespmem:s3+$0x0] =	vst.add.f32.msk $0xffff, v7;
	s3 =	sor.u32 $0x50, s28  }
0x23d: {  	p0 =	sne.s32 s12, $0x1F;
	s12 =	sor.u32 $0x60, s28;
	s15 =	smul.u32 $0x6000, s15;
	[tilespmem:s30+$0x0] =	vst.add.f32.msk $0xffff, v6  }
0x23e: {  	s16 =	smul.u32 $0x6000, s14;
	[tilespmem:s3+$0x0] =	vst.add.f32.msk $0xffff, v5;
	s3 =	sor.u32 $0x70, s28  }
0x23f: {  	s17 =	sand.u32 $0x380, s25;
	s14 =	sshra.s32 s15, $0x2;
	[tilespmem:s12+$0x0] =	vst.add.f32.msk $0xffff, v4  }
0x240: {  	s12 =	sshra.s32 s16, $0x2;
	s14 =	sor.u32 s17, s14;
	[tilespmem:s3+$0x0] =	vst.add.f32.msk $0xffff, v3  }
0x241: {  	s3 =	sor.u32 s17, s12;
	v3 =	vld [tilespmem:s14+$0xE70]  }
0x242: {  	s16 =	sadd.s32 $0x19200, s3;
	s15 =	sadd.s32 $0x19600, s3;
	s12 =	sadd.s32 $0x19A00, s3;
	v4 =	vld [tilespmem:s14+$0xE60]  }
0x243: {  	s28 =	sadd.s32 $0x19E00, s3;
	v5 =	vld [tilespmem:s14+$0xE50]  }
0x244: {  	s30 =	sor.u32 $0x40, s28;
	v6 =	vld [tilespmem:s14+$0xE30]  }
0x245: {  	v7 =	vld [tilespmem:s14+$0xE20]  }
0x246: {  	s17 =	sadd.s32 $0x18A00, s3;
	v8 =	vld [tilespmem:s14+$0xE10]  }
0x247: {  	s18 =	sor.u32 $0x10, s17;
	v9 =	vld [tilespmem:s14+$0xA40]  }
0x248: {  	v10 =	vld [tilespmem:s14+$0xA70]  }
0x249: {  	s19 =	sor.u32 $0x20, s17;
	v11 =	vld [tilespmem:s14+$0xA30]  }
0x24a: {  	v12 =	vld [tilespmem:s14+$0xA20]  }
0x24b: {  	v13 =	vld [tilespmem:s14+$0xA10]  }
0x24c: {  	v14 =	vld [tilespmem:s14+$0xA00]  }
0x24d: {  	v15 =	vld [tilespmem:s14+$0xE40]  }
0x24e: {  	v16 =	vld [tilespmem:s14+$0xE00]  }
0x24f: {  	s20 =	sor.u32 $0x50, s17;
	v17 =	vld [tilespmem:s14+$0xA50]  }
0x250: {  	v18 =	vld [tilespmem:s14+$0xA60]  }
0x251: {  	s21 =	sor.u32 $0x30, s17;
	[tilespmem:s3+$0x18A00] =	vst.add.f32.msk $0xffff, v14  }
0x252: {  	[tilespmem:s18+$0x0] =	vst.add.f32.msk $0xffff, v13;
	s18 =	sor.u32 $0x60, s17  }
0x253: {  	[tilespmem:s19+$0x0] =	vst.add.f32.msk $0xffff, v12  }
0x254: {  	s19 =	sor.u32 $0x40, s17;
	[tilespmem:s21+$0x0] =	vst.add.f32.msk $0xffff, v11;
	s21 =	sor.u32 $0x70, s17  }
0x255: {  	[tilespmem:s19+$0x0] =	vst.add.f32.msk $0xffff, v9  }
0x256: {  	[tilespmem:s20+$0x0] =	vst.add.f32.msk $0xffff, v17  }
0x257: {  	[tilespmem:s18+$0x0] =	vst.add.f32.msk $0xffff, v18  }
0x258: {  	[tilespmem:s21+$0x0] =	vst.add.f32.msk $0xffff, v10  }
0x259: {  	[tilespmem:s17+$0x470] =	vst.add.f32.msk $0xffff, v3  }
0x25a: {  	[tilespmem:s17+$0x460] =	vst.add.f32.msk $0xffff, v4  }
0x25b: {  	[tilespmem:s17+$0x430] =	vst.add.f32.msk $0xffff, v6  }
0x25c: {  	[tilespmem:s17+$0x420] =	vst.add.f32.msk $0xffff, v7  }
0x25d: {  	[tilespmem:s17+$0x410] =	vst.add.f32.msk $0xffff, v8  }
0x25e: {  	[tilespmem:s17+$0x440] =	vst.add.f32.msk $0xffff, v15  }
0x25f: {  	[tilespmem:s17+$0x450] =	vst.add.f32.msk $0xffff, v5  }
0x260: {  	[tilespmem:s17+$0x400] =	vst.add.f32.msk $0xffff, v16  }
0x261: {  	v3 =	vld [tilespmem:s14+$0x1670]  }
0x262: {  	v4 =	vld [tilespmem:s14+$0x1650]  }
0x263: {  	v5 =	vld [tilespmem:s14+$0x1270]  }
0x264: {  	v6 =	vld [tilespmem:s14+$0x1640]  }
0x265: {  	v7 =	vld [tilespmem:s14+$0x1620]  }
0x266: {  	v8 =	vld [tilespmem:s14+$0x1230]  }
0x267: {  	v9 =	vld [tilespmem:s14+$0x1610]  }
0x268: {  	v10 =	vld [tilespmem:s14+$0x1600]  }
0x269: {  	v11 =	vld [tilespmem:s14+$0x1260]  }
0x26a: {  	v12 =	vld [tilespmem:s14+$0x1220]  }
0x26b: {  	v13 =	vld [tilespmem:s14+$0x1210]  }
0x26c: {  	v14 =	vld [tilespmem:s14+$0x1200]  }
0x26d: {  	v15 =	vld [tilespmem:s14+$0x1250]  }
0x26e: {  	v16 =	vld [tilespmem:s14+$0x1630]  }
0x26f: {  	v17 =	vld [tilespmem:s14+$0x1240]  }
0x270: {  	v18 =	vld [tilespmem:s14+$0x1660]  }
0x271: {  	s17 =	sor.u32 $0x10, s16;
	[tilespmem:s3+$0x19200] =	vst.add.f32.msk $0xffff, v14  }
0x272: {  	[tilespmem:s17+$0x0] =	vst.add.f32.msk $0xffff, v13;
	s17 =	sor.u32 $0x20, s16  }
0x273: {  	[tilespmem:s17+$0x0] =	vst.add.f32.msk $0xffff, v12;
	s17 =	sor.u32 $0x30, s16  }
0x274: {  	[tilespmem:s17+$0x0] =	vst.add.f32.msk $0xffff, v8;
	s17 =	sor.u32 $0x40, s16  }
0x275: {  	[tilespmem:s17+$0x0] =	vst.add.f32.msk $0xffff, v17;
	s17 =	sor.u32 $0x50, s16  }
0x276: {  	[tilespmem:s17+$0x0] =	vst.add.f32.msk $0xffff, v15;
	s17 =	sor.u32 $0x60, s16  }
0x277: {  	s16 =	sor.u32 $0x70, s16;
	[tilespmem:s17+$0x0] =	vst.add.f32.msk $0xffff, v11  }
0x278: {  	[tilespmem:s16+$0x0] =	vst.add.f32.msk $0xffff, v5  }
0x279: {  	s16 =	sor.u32 $0x10, s15;
	[tilespmem:s3+$0x19600] =	vst.add.f32.msk $0xffff, v10  }
0x27a: {  	[tilespmem:s16+$0x0] =	vst.add.f32.msk $0xffff, v9;
	s16 =	sor.u32 $0x20, s15  }
0x27b: {  	[tilespmem:s16+$0x0] =	vst.add.f32.msk $0xffff, v7;
	s16 =	sor.u32 $0x30, s15  }
0x27c: {  	[tilespmem:s16+$0x0] =	vst.add.f32.msk $0xffff, v16;
	s16 =	sor.u32 $0x40, s15  }
0x27d: {  	[tilespmem:s16+$0x0] =	vst.add.f32.msk $0xffff, v6;
	s16 =	sor.u32 $0x50, s15  }
0x27e: {  	[tilespmem:s16+$0x0] =	vst.add.f32.msk $0xffff, v4;
	s16 =	sor.u32 $0x60, s15  }
0x27f: {  	s15 =	sor.u32 $0x70, s15;
	[tilespmem:s16+$0x0] =	vst.add.f32.msk $0xffff, v18  }
0x280: {  	[tilespmem:s15+$0x0] =	vst.add.f32.msk $0xffff, v3  }
0x281: {  	v9 =	vld [tilespmem:s14+$0x1A50]  }
0x282: {  	v10 =	vld [tilespmem:s14+$0x1E10]  }
0x283: {  	v5 =	vld [tilespmem:s14+$0x1E50]  }
0x284: {  	v11 =	vld [tilespmem:s14+$0x1E00]  }
0x285: {  	v4 =	vld [tilespmem:s14+$0x1E60]  }
0x286: {  	v3 =	vld [tilespmem:s14+$0x1E70]  }
0x287: {  	v12 =	vld [tilespmem:s14+$0x1A40]  }
0x288: {  	v6 =	vld [tilespmem:s14+$0x1E40]  }
0x289: {  	v13 =	vld [tilespmem:s14+$0x1A20]  }
0x28a: {  	v14 =	vld [tilespmem:s14+$0x1A10]  }
0x28b: {  	v15 =	vld [tilespmem:s14+$0x1A30]  }
0x28c: {  	v16 =	vld [tilespmem:s14+$0x1A00]  }
0x28d: {  	v8 =	vld [tilespmem:s14+$0x1E20]  }
0x28e: {  	v7 =	vld [tilespmem:s14+$0x1E30]  }
0x28f: {  	v17 =	vld [tilespmem:s14+$0x1A60]  }
0x290: {  	v18 =	vld [tilespmem:s14+$0x1A70];
	s14 =	sor.u32 $0x10, s12  }
0x291: {  	s15 =	sor.u32 $0x20, s12;
	[tilespmem:s3+$0x19A00] =	vst.add.f32.msk $0xffff, v16  }
0x292: {  	[tilespmem:s14+$0x0] =	vst.add.f32.msk $0xffff, v14;
	s14 =	sor.u32 $0x30, s12  }
0x293: {  	[tilespmem:s15+$0x0] =	vst.add.f32.msk $0xffff, v13;
	s15 =	sor.u32 $0x40, s12  }
0x294: {  	[tilespmem:s14+$0x0] =	vst.add.f32.msk $0xffff, v15;
	s14 =	sor.u32 $0x50, s12  }
0x295: {  	[tilespmem:s15+$0x0] =	vst.add.f32.msk $0xffff, v12;
	s15 =	sor.u32 $0x60, s12  }
.Ltmp2:
0x296: {  	s12 =	sor.u32 $0x70, s12;
	[tilespmem:s14+$0x0] =	vst.add.f32.msk $0xffff, v9;
	(pc) =	sbr.rel @p0 .LBB2_7-.Ltmp2, $4  }
0x297: {  	[tilespmem:s15+$0x0] =	vst.add.f32.msk $0xffff, v17  }
0x298: {  	[tilespmem:s12+$0x0] =	vst.add.f32.msk $0xffff, v18;
	s12 =	sor.u32 $0x10, s28  }
0x299: {  	s14 =	sor.u32 $0x20, s28;
	[tilespmem:s3+$0x19E00] =	vst.add.f32.msk $0xffff, v11  }
0x29a: {  	s3 =	sor.u32 $0x30, s28;
	[tilespmem:s12+$0x0] =	vst.add.f32.msk $0xffff, v10;
	s12 =	smov.u32 s29  }
0x29b: {  	[tilespmem:s14+$0x0] =	vst.add.f32.msk $0xffff, v8  }
0x29c: {  	p0 =	sne.s32 s26, $0x20;
	[tilespmem:s3+$0x0] =	vst.add.f32.msk $0xffff, v7  }
.Ltmp3:
0x29d: {  	s29 =	sor.u32 $0x50, s28;
	[tilespmem:s30+$0x0] =	vst.add.f32.msk $0xffff, v6;
	(pc) =	sbr.rel @p0 .LBB2_2-.Ltmp3, $4  }
0x29e: {  	s12 =	sor.u32 $0x60, s28;
	[tilespmem:s29+$0x0] =	vst.add.f32.msk $0xffff, v5  }
0x29f: {  	s30 =	sor.u32 $0x70, s28;
	[tilespmem:s12+$0x0] =	vst.add.f32.msk $0xffff, v4  }
0x2a0: {  	s31 =	sadd.s32 $0x1200, s24;
	s25 =	smov.u32 s26;
	[tilespmem:s30+$0x0] =	vst.add.f32.msk $0xffff, v3  }
0x2a1: {  	[hbm4b:s31+s5] =	stream.linear.scatter [tilespmem:s0], [sflag:$0x6], $0x6000, $0x38;
	[tilespmem:$0x1EA00] =	vst v63  }
0x2a2: {  	s3 =	simm.s32 $0x5  }
0x2a3: {  	_ =	swait.ge [sflag:s3], $0x4800  }
0x2a4: {  	[sflag:s3] =	ssyncset.done $0x0  }
0x2a5: {  	s12 =	simm.s32 $0x6;
	[sflag:s3] =	ssyncadd.s32 $0xFFFFB800  }
0x2a6: {  	_ =	swait.ge [sflag:s12], $0x6000  }
0x2a7: {  	s14 =	rddreg [dreg:$0x7]  }
0x2a8: {  	s31 =	rddreg [dreg:$0x6];
	s14 =	sadd.s32 $0x1, s14  }
0x2a9: {  	p0 =	sne.s32 s14, s31  }
.Ltmp4:
0x2aa: {  	_ = 	snop;
	(pc) =	sbr.rel @p0 .LBB2_1-.Ltmp4, $3  }
0x2ab: {  	_ =	sdelay $0x1  }
0x2ac: {  	[sflag:s12] =	ssyncset.done $0x0  }
0x2ad: {  	[sflag:s12] =	ssyncadd.s32 $0xFFFFA000  }
0x2ae: {  	_ =	sfence.sel $0x180000  }
0x2af: {  	[bflag:$0x0] =	sbarrier.arrive $0xFFFF  }
0x2b0: {  	_ =	strace $0x90000047  }
0x2b1: {  	s0 =	stileid.u32;
	[bflag:$0x2] =	sbarrier.arrive $0xFFFF  }
0x2b2: {  	p0 =	sne.s32 s0, $0x0;
	s0 =	rddreg [dreg:$0x4]  }
0x2b3: {  	s0 =	sadd.s32 @!p0 $0x100000, s0  }
0x2b4: {  	[sflag:s0] =	ssyncadd.tile.s32 @!p0 $0x1;
	_ =	shalt  }
.Lfunc_end2:
_tile_overlayer_lowered:
.L_overlay_start_2:
0x2b5: {  	(tag) =	ssettag $0x2  }
0x2b6: {  	s0 =	rddreg [dreg:$0x0];
	s2 =	stileid.u32  }
0x2b7: {  	s1 =	rddreg [dreg:$0x1];
	p0 =	sne.s32 s2, $0x0  }
0x2b8: {  	s3 =	rddreg [dreg:$0x2];
	[bflag:$0x3] =	sbarrier.arrive $0xFFFF;
	s2 =	simm.s32 @!p0 $0x1C07  }
0x2b9: {  	[timem:s3], [sflag:s2] =	dma.local @!p0 [hbm:s0], s1  }
0x2ba: {  	s0 =	simm.s32 @!p0 $0x7  }
0x2bb: {  	_ =	swait.ge @!p0 [sflag:s0], s1  }
0x2bc: {  	s1 =	ssub.s32 @!p0 $0x0, s1;
	[sflag:s0] =	ssyncset.done @!p0 $0x0  }
0x2bd: {  	[sflag:s0] =	ssyncadd.s32 @!p0 s1  }
0x2be: {  	[bflag:$0x3] =	sbarrier.arrive $0xFFFF  }
0x2bf: {  	_ =	shalt  }

</sc_bundles>
